<compile_context>
chip_gen: v7x
topology: tpu7x:2x2x1
jax: 0.10.2.dev20260603
libtpu: 0.0.44.dev20260713+nightly
codegen_flags: <defaults>
</compile_context>

<pallas_src>
import functools

import jax
import jax.numpy as jnp
from jax import lax
from jax.experimental import pallas as pl
from jax.experimental.pallas import tpu as pltpu
from jax.experimental.pallas import tpu_sc as plsc

N = 10000
E = 320000
D = 128
NC = 2
NS = 16
NW = NC * NS
EPT = E // NW
CHUNK = 125
NCHUNK = EPT // CHUNK
RPT = N // NS
RCH = 125
NRCH = RPT // RCH
CW = 16


def _sc_agg_body(with_cnt, *refs):
    if with_cnt:
        (x_hbm, src_hbm, dst_hbm, agg_out, cnt_out,
         sidx, didx, buf_a, buf_b, ones_v, agg_sh, cnt_sh, sem_i, sem_g) = refs
    else:
        (x_hbm, src_hbm, dst_hbm, agg_out,
         sidx, didx, buf_a, buf_b, agg_sh, sem_i, sem_g) = refs

    c = lax.axis_index("c")
    s = lax.axis_index("s")
    wid = c * NS + s

    z16 = jnp.zeros((16,), jnp.float32)

    def zero_row(i, _):
        r = i // (D // 16)
        col = (i % (D // 16)) * 16
        buf_a[r, pl.ds(col, 16)] = z16
        return 0

    lax.fori_loop(0, RCH * (D // 16), zero_row, 0)
    for k in range(NRCH):
        pltpu.sync_copy(buf_a, agg_sh.at[pl.ds(s * RPT + k * RCH, RCH)])

    if with_cnt:
        def zero_cnt_row(i, _):
            ones_v[i] = z16
            return 0

        lax.fori_loop(0, RCH, zero_cnt_row, 0)
        for k in range(NRCH):
            pltpu.sync_copy(ones_v, cnt_sh.at[pl.ds(s * RPT + k * RCH, RCH)])

        o16 = jnp.ones((16,), jnp.float32)

        def fill_ones(i, _):
            ones_v[i] = o16
            return 0

        lax.fori_loop(0, RCH, fill_ones, 0)

    plsc.subcore_barrier()

    def idx_copy(j, slot):
        return (pltpu.make_async_copy(src_hbm.at[wid, j], sidx.at[slot], sem_i),
                pltpu.make_async_copy(dst_hbm.at[wid, j], didx.at[slot], sem_i))

    def gather_copy(slot, buf):
        return pltpu.make_async_copy(x_hbm.at[sidx.at[slot]], buf, sem_g)

    for d in idx_copy(0, 0):
        d.start()
    for d in idx_copy(0, 0):
        d.wait()
    gather_copy(0, buf_a).start()
    for d in idx_copy(1, 1):
        d.start()

    def chunk_step(j, b, cur_buf, nxt_buf):
        gather_copy(b, cur_buf).wait()

        @pl.when(j + 1 < NCHUNK)
        def _():
            for d in idx_copy(j + 1, 1 - b):
                d.wait()
            gather_copy(1 - b, nxt_buf).start()

        pltpu.sync_copy(cur_buf, agg_sh.at[didx.at[b]], add=True)
        if with_cnt:
            pltpu.sync_copy(ones_v, cnt_sh.at[didx.at[b]], add=True)

        @pl.when(j + 2 < NCHUNK)
        def _():
            for d in idx_copy(j + 2, b):
                d.start()

    def edge_pair(g, _):
        chunk_step(2 * g, 0, buf_a, buf_b)
        chunk_step(2 * g + 1, 1, buf_b, buf_a)
        return 0

    lax.fori_loop(0, NCHUNK // 2, edge_pair, 0)

    plsc.subcore_barrier()

    for k in range(NRCH):
        sl = pl.ds(s * RPT + k * RCH, RCH)
        pltpu.sync_copy(agg_sh.at[sl], agg_out.at[c, sl])
        if with_cnt:
            pltpu.sync_copy(cnt_sh.at[sl], cnt_out.at[c, sl])


def _make_sc_agg(with_cnt):
    mesh = plsc.VectorSubcoreMesh(core_axis_name="c", subcore_axis_name="s")
    out_type = [jax.ShapeDtypeStruct((NC, N, D), jnp.float32)]
    scratch = [
        pltpu.VMEM((2, CHUNK), jnp.int32),
        pltpu.VMEM((2, CHUNK), jnp.int32),
        pltpu.VMEM((RCH, D), jnp.float32),
        pltpu.VMEM((RCH, D), jnp.float32),
    ]
    if with_cnt:
        out_type.append(jax.ShapeDtypeStruct((NC, N, CW), jnp.float32))
        scratch.append(pltpu.VMEM((RCH, CW), jnp.float32))
    scratch.append(pltpu.VMEM_SHARED((N, D), jnp.float32))
    if with_cnt:
        scratch.append(pltpu.VMEM_SHARED((N, CW), jnp.float32))
    scratch.append(pltpu.SemaphoreType.DMA)
    scratch.append(pltpu.SemaphoreType.DMA)

    return pl.kernel(
        functools.partial(_sc_agg_body, with_cnt),
        out_type=tuple(out_type),
        mesh=mesh,
        scratch_types=tuple(scratch),
        compiler_params=pltpu.CompilerParams(use_tc_tiling_on_sc=False),
    )


def _tc_layer1(aggp, cntp, x, w1lt, b1l, w1rt, gamma, beta, h_out, inv_out):
    agg = aggp[0] + aggp[1]
    cnt = cntp[0, :, 0:1] + cntp[1, :, 0:1]
    inv = 1.0 / jnp.maximum(cnt, 1.0)
    out = (jnp.dot(agg * inv, w1lt[...], preferred_element_type=jnp.float32)
           + b1l[...]
           + jnp.dot(x[...], w1rt[...], preferred_element_type=jnp.float32))
    norm = jnp.sqrt(jnp.sum(out * out, axis=1, keepdims=True))
    out = out / jnp.maximum(norm, 1e-12)
    mean = jnp.mean(out, axis=0, keepdims=True)
    var = jnp.mean((out - mean) ** 2, axis=0, keepdims=True)
    out = (out - mean) / jnp.sqrt(var + 1e-5) * gamma[...] + beta[...]
    h_out[...] = jnp.maximum(out, 0.0)
    inv_out[...] = inv


def _tc_layer2(aggp, inv, h, w2lt, b2l, w2rt, out_ref):
    agg = (aggp[0] + aggp[1]) * inv[...]
    out = (jnp.dot(agg, w2lt[...], preferred_element_type=jnp.float32)
           + b2l[...]
           + jnp.dot(h[...], w2rt[...], preferred_element_type=jnp.float32))
    norm = jnp.sqrt(jnp.sum(out * out, axis=1, keepdims=True))
    out_ref[...] = out / jnp.maximum(norm, 1e-12)


def kernel(x, edge_index, W1l, b1l, W1r, bn_gamma, bn_beta, W2l, b2l, W2r):
    src3 = edge_index[0].reshape(NW, NCHUNK, CHUNK)
    dst3 = edge_index[1].reshape(NW, NCHUNK, CHUNK)

    agg1, cnt1 = _make_sc_agg(True)(x, src3, dst3)

    h, inv = pl.pallas_call(
        _tc_layer1,
        out_shape=(
            jax.ShapeDtypeStruct((N, D), jnp.float32),
            jax.ShapeDtypeStruct((N, 1), jnp.float32),
        ),
    )(agg1, cnt1, x, W1l.T, b1l.reshape(1, D), W1r.T,
      bn_gamma.reshape(1, D), bn_beta.reshape(1, D))

    (agg2,) = _make_sc_agg(False)(h, src3, dst3)

    out = pl.pallas_call(
        _tc_layer2,
        out_shape=jax.ShapeDtypeStruct((N, D), jnp.float32),
    )(agg2, inv, h, W2l.T, b2l.reshape(1, D), W2r.T)
    return out

# --- scband reference (transcript-rebuilt; emitter-appended) ---
"""Pipeline reference for scband-inductive-node-encoder-39247411151457 (READ-ONLY COPY).

The authoritative reference and input builder live on the scoring server;
editing this copy changes nothing except your own understanding.
"""

import jax, jax.numpy as jnp
import numpy as np


def _sage_conv(x, src, dst, Wl, bl, Wr, n_nodes):
    # PyG SAGEConv(aggr='mean', normalize=True): out = lin_l(mean_j(x_j)) + lin_r(x_i), then L2 normalize
    msgs = x[src]
    agg = jax.ops.segment_sum(msgs, dst, num_segments=n_nodes)
    cnt = jax.ops.segment_sum(jnp.ones((src.shape[0],), dtype=x.dtype), dst, num_segments=n_nodes)
    agg = agg / jnp.clip(cnt, 1.0, None)[:, None]
    out = agg @ Wl.T + bl + x @ Wr.T
    norm = jnp.sqrt(jnp.sum(out * out, axis=1, keepdims=True))
    return out / jnp.maximum(norm, 1e-12)


def _batch_norm(x, gamma, beta, eps=1e-5):
    # BatchNorm1d in training mode: batch statistics, biased variance
    mean = jnp.mean(x, axis=0, keepdims=True)
    var = jnp.mean((x - mean) ** 2, axis=0, keepdims=True)
    return (x - mean) / jnp.sqrt(var + eps) * gamma + beta


def setup_inputs(seed: int = 0):
    key = jax.random.key(seed)
    ks = jax.random.split(key, 8)
    N, E, D, H = 10000, 320000, 128, 128
    x = jax.random.normal(ks[0], (N, D), dtype=jnp.float32)
    edge_index = jax.random.randint(ks[1], (2, E), 0, N, dtype=jnp.int32)
    s1 = 1.0 / np.sqrt(D)
    s2 = 1.0 / np.sqrt(H)
    W1l = jax.random.normal(ks[2], (H, D), dtype=jnp.float32) * s1
    b1l = jnp.zeros((H,), dtype=jnp.float32)
    W1r = jax.random.normal(ks[3], (H, D), dtype=jnp.float32) * s1
    bn_gamma = jnp.ones((H,), dtype=jnp.float32)
    bn_beta = jnp.zeros((H,), dtype=jnp.float32)
    W2l = jax.random.normal(ks[4], (H, H), dtype=jnp.float32) * s2
    b2l = jnp.zeros((H,), dtype=jnp.float32)
    W2r = jax.random.normal(ks[5], (H, H), dtype=jnp.float32) * s2
    return {"x": x, "edge_index": edge_index, "W1l": W1l, "b1l": b1l, "W1r": W1r,
            "bn_gamma": bn_gamma, "bn_beta": bn_beta, "W2l": W2l, "b2l": b2l, "W2r": W2r}


def reference(x, edge_index, W1l, b1l, W1r, bn_gamma, bn_beta, W2l, b2l, W2r):
    n = x.shape[0]
    src = edge_index[0]
    dst = edge_index[1]
    h = _sage_conv(x, src, dst, W1l, b1l, W1r, n)
    h = _batch_norm(h, bn_gamma, bn_beta)
    h = jax.nn.relu(h)
    # dropout: identity in deterministic reference
    h = _sage_conv(h, src, dst, W2l, b2l, W2r, n)
    # final F.normalize(p=2, dim=1)
    norm = jnp.sqrt(jnp.sum(h * h, axis=1, keepdims=True))
    h = h / jnp.maximum(norm, 1e-12)
    return h

if __name__ == "__main__":
    import jax
    _d = setup_inputs()
    print(jax.jit(kernel)(*tuple(_d.values())))

</pallas_src>

<mosaic_0001>
#map = affine_map<(d0, d1) -> (0, 0)>
#map1 = affine_map<(d0, d1) -> (0, 0, 0)>
module attributes {stable_mosaic.version = 14 : i64} {
  func.func @_sc_agg_body(%arg0: i32, %arg1: i32, %arg2: memref<10000x128xf32, #tpu.memory_space<hbm>>, %arg3: memref<32x80x125xi32, #tpu.memory_space<hbm>>, %arg4: memref<32x80x125xi32, #tpu.memory_space<hbm>>, %arg5: memref<2x10000x128xf32, #tpu.memory_space<hbm>>, %arg6: memref<2x10000x16xf32, #tpu.memory_space<hbm>>, %arg7: memref<2x125xi32, #tpu.memory_space<vmem>>, %arg8: memref<2x125xi32, #tpu.memory_space<vmem>>, %arg9: memref<125x128xf32, #tpu.memory_space<vmem>>, %arg10: memref<125x128xf32, #tpu.memory_space<vmem>>, %arg11: memref<125x16xf32, #tpu.memory_space<vmem>>, %arg12: memref<10000x128xf32, #tpu.memory_space<vmem_shared>>, %arg13: memref<10000x16xf32, #tpu.memory_space<vmem_shared>>, %arg14: memref<!tpu.dma_semaphore, #tpu.memory_space<semaphore_mem>>, %arg15: memref<!tpu.dma_semaphore, #tpu.memory_space<semaphore_mem>>) attributes {dimension_semantics = [#tpu.dimension_semantics<core_parallel>, #tpu.dimension_semantics<subcore_parallel>], iteration_bounds = array<i64: 2, 16>, scalar_prefetch = 0 : i64, scratch_operands = 9 : i64, tpu.core_type = #tpu.core_type<sc_vector_subcore>, window_params = [{transform_indices = #map}, {transform_indices = #map1}, {transform_indices = #map1}, {transform_indices = #map1}, {transform_indices = #map1}]} {
    %mul3A = arith.constant 16 : i32
    %mul3A_0 = arith.muli %arg0, %mul3A : i32
    %add3A = arith.addi %mul3A_0, %arg1 : i32
    %broadcast_in_dim3A = arith.constant 0.000000e+00 : f32
    %broadcast_in_dim3A_1 = vector.broadcast %broadcast_in_dim3A : f32 to vector<16xf32>
    %scan3A = arith.constant 0 : i32
    %scan3A_2 = arith.constant 0 : i32
    %scan3A_3 = arith.constant 1000 : i32
    %scan3A_4 = arith.addi %scan3A_2, %scan3A_3 : i32
    %scan3A_5 = arith.constant 1 : i32
    %scan3A_6 = scf.for %scan3A_181 = %scan3A_2 to %scan3A_4 step %scan3A_5 iter_args(%scan3A_182 = %scan3A) -> (i32)  : i32 {
      %jit3A = arith.constant 8 : i32
      %div3A = arith.divsi %scan3A_181, %jit3A : i32
      %sign3A = arith.constant 0 : i32
      %sign3A_183 = arith.cmpi sgt, %scan3A_181, %sign3A : i32
      %sign3A_184 = arith.extui %sign3A_183 : i1 to i32
      %sign3A_185 = arith.constant 0 : i32
      %sign3A_186 = arith.cmpi slt, %scan3A_181, %sign3A_185 : i32
      %sign3A_187 = arith.extui %sign3A_186 : i1 to i32
      %sign3A_188 = arith.subi %sign3A_184, %sign3A_187 : i32
      %sign3A_189 = arith.constant 0 : i32
      %sign3A_190 = arith.cmpi sgt, %jit3A, %sign3A_189 : i32
      %sign3A_191 = arith.extui %sign3A_190 : i1 to i32
      %sign3A_192 = arith.constant 0 : i32
      %sign3A_193 = arith.cmpi slt, %jit3A, %sign3A_192 : i32
      %sign3A_194 = arith.extui %sign3A_193 : i1 to i32
      %sign3A_195 = arith.subi %sign3A_191, %sign3A_194 : i32
      %ne3A = arith.cmpi ne, %sign3A_188, %sign3A_195 : i32
      %rem3A = arith.remsi %scan3A_181, %jit3A : i32
      %ne3A_196 = arith.constant 0 : i32
      %ne3A_197 = arith.cmpi ne, %rem3A, %ne3A_196 : i32
      %and3A = arith.andi %ne3A, %ne3A_197 : i1
      %sub3A = arith.constant 1 : i32
      %sub3A_198 = arith.subi %div3A, %sub3A : i32
      %select_n3A = arith.select %and3A, %sub3A_198, %div3A : i32
      %jit3A_199 = arith.constant 8 : i32
      %eq3A = arith.constant 0 : i32
      %eq3A_200 = arith.cmpi eq, %jit3A_199, %eq3A : i32
      %jit3A_201 = arith.constant 1 : i32
      %select_n3A_202 = arith.select %eq3A_200, %jit3A_201, %jit3A_199 : i32
      %rem3A_203 = arith.remsi %scan3A_181, %select_n3A_202 : i32
      %ne3A_204 = arith.constant 0 : i32
      %ne3A_205 = arith.cmpi ne, %rem3A_203, %ne3A_204 : i32
      %lt3A = arith.constant 0 : i32
      %lt3A_206 = arith.cmpi slt, %rem3A_203, %lt3A : i32
      %lt3A_207 = arith.constant 0 : i32
      %lt3A_208 = arith.cmpi slt, %select_n3A_202, %lt3A_207 : i32
      %ne3A_209 = arith.xori %lt3A_206, %lt3A_208 : i1
      %and3A_210 = arith.andi %ne3A_209, %ne3A_205 : i1
      %add3A_211 = arith.addi %rem3A_203, %select_n3A_202 : i32
      %select_n3A_212 = arith.select %and3A_210, %add3A_211, %rem3A_203 : i32
      %mul3A_213 = arith.constant 16 : i32
      %mul3A_214 = arith.muli %select_n3A_212, %mul3A_213 : i32
      %swap3A = arith.index_cast %select_n3A : i32 to index
      %swap3A_215 = arith.index_cast %mul3A_214 : i32 to index
      %swap3A_216 = tpu.vector_load %arg9[%swap3A, %swap3A_215] {strides = array<i32>} : memref<125x128xf32, #tpu.memory_space<vmem>>, vector<1x16xf32>,
      %swap3A_217 = vector.shape_cast %swap3A_216 : vector<1x16xf32> to vector<16xf32>
      %swap3A_218 = vector.shape_cast %broadcast_in_dim3A_1 : vector<16xf32> to vector<1x16xf32>
      tpu.vector_store %arg9[%swap3A, %swap3A_215], %swap3A_218 {strides = array<i32>} : memref<125x128xf32, #tpu.memory_space<vmem>>, vector<1x16xf32>,
      %scan3A_219 = arith.constant 0 : i32
      scf.yield %scan3A_219 : i32
    }
    %scan3A_7 = arith.constant 1000 : i32
    %mul3A_8 = arith.constant 625 : i32
    %mul3A_9 = arith.muli %arg1, %mul3A_8 : i32
    %add3A_10 = arith.constant 0 : i32
    %add3A_11 = arith.addi %mul3A_9, %add3A_10 : i32
    "tpu.region"() ({
      %run_scoped3A = tpu.sem_alloc : memref<!tpu.dma_semaphore, #tpu.memory_space<semaphore_mem>>
      %dma_start3A_181 = arith.constant 0 : i32
      %dma_start3A_182 = tpu.memref_slice %arg12[%add3A_11, %dma_start3A_181] : memref<10000x128xf32, #tpu.memory_space<vmem_shared>> -> memref<125x128xf32, #tpu.memory_space<vmem_shared>>
      %dma_start3A_183 = arith.constant 0 : i32
      %dma_start3A_184 = tpu.memref_slice %arg12[%add3A_11, %dma_start3A_183] : memref<10000x128xf32, #tpu.memory_space<vmem_shared>> -> memref<125x128xf32, #tpu.memory_space<vmem_shared>>
      tpu.enqueue_dma source(%arg9 : memref<125x128xf32, #tpu.memory_space<vmem>>) target(%dma_start3A_184 : memref<125x128xf32, #tpu.memory_space<vmem_shared>>) target_semaphore(%run_scoped3A : memref<!tpu.dma_semaphore, #tpu.memory_space<semaphore_mem>>)
      %dma_wait3A_185 = arith.constant 0 : i32
      %dma_wait3A_186 = tpu.memref_slice %arg12[%add3A_11, %dma_wait3A_185] : memref<10000x128xf32, #tpu.memory_space<vmem_shared>> -> memref<125x128xf32, #tpu.memory_space<vmem_shared>>
      %dma_wait3A_187 = arith.constant 0 : i32
      %dma_wait3A_188 = tpu.memref_slice %arg12[%add3A_11, %dma_wait3A_187] : memref<10000x128xf32, #tpu.memory_space<vmem_shared>> -> memref<125x128xf32, #tpu.memory_space<vmem_shared>>
      tpu.wait_dma2 semaphore(%run_scoped3A : memref<!tpu.dma_semaphore, #tpu.memory_space<semaphore_mem>>) src(%arg9 : memref<125x128xf32, #tpu.memory_space<vmem>>) dst(%dma_wait3A_188 : memref<125x128xf32, #tpu.memory_space<vmem_shared>>)
      tpu.yield
    }) : () -> ()
    %mul3A_12 = arith.constant 625 : i32
    %mul3A_13 = arith.muli %arg1, %mul3A_12 : i32
    %add3A_14 = arith.constant 125 : i32
    %add3A_15 = arith.addi %mul3A_13, %add3A_14 : i32
    "tpu.region"() ({
      %run_scoped3A = tpu.sem_alloc : memref<!tpu.dma_semaphore, #tpu.memory_space<semaphore_mem>>
      %dma_start3A_181 = arith.constant 0 : i32
      %dma_start3A_182 = tpu.memref_slice %arg12[%add3A_15, %dma_start3A_181] : memref<10000x128xf32, #tpu.memory_space<vmem_shared>> -> memref<125x128xf32, #tpu.memory_space<vmem_shared>>
      %dma_start3A_183 = arith.constant 0 : i32
      %dma_start3A_184 = tpu.memref_slice %arg12[%add3A_15, %dma_start3A_183] : memref<10000x128xf32, #tpu.memory_space<vmem_shared>> -> memref<125x128xf32, #tpu.memory_space<vmem_shared>>
      tpu.enqueue_dma source(%arg9 : memref<125x128xf32, #tpu.memory_space<vmem>>) target(%dma_start3A_184 : memref<125x128xf32, #tpu.memory_space<vmem_shared>>) target_semaphore(%run_scoped3A : memref<!tpu.dma_semaphore, #tpu.memory_space<semaphore_mem>>)
      %dma_wait3A_185 = arith.constant 0 : i32
      %dma_wait3A_186 = tpu.memref_slice %arg12[%add3A_15, %dma_wait3A_185] : memref<10000x128xf32, #tpu.memory_space<vmem_shared>> -> memref<125x128xf32, #tpu.memory_space<vmem_shared>>
      %dma_wait3A_187 = arith.constant 0 : i32
      %dma_wait3A_188 = tpu.memref_slice %arg12[%add3A_15, %dma_wait3A_187] : memref<10000x128xf32, #tpu.memory_space<vmem_shared>> -> memref<125x128xf32, #tpu.memory_space<vmem_shared>>
      tpu.wait_dma2 semaphore(%run_scoped3A : memref<!tpu.dma_semaphore, #tpu.memory_space<semaphore_mem>>) src(%arg9 : memref<125x128xf32, #tpu.memory_space<vmem>>) dst(%dma_wait3A_188 : memref<125x128xf32, #tpu.memory_space<vmem_shared>>)
      tpu.yield
    }) : () -> ()
    %mul3A_16 = arith.constant 625 : i32
    %mul3A_17 = arith.muli %arg1, %mul3A_16 : i32
    %add3A_18 = arith.constant 250 : i32
    %add3A_19 = arith.addi %mul3A_17, %add3A_18 : i32
    "tpu.region"() ({
      %run_scoped3A = tpu.sem_alloc : memref<!tpu.dma_semaphore, #tpu.memory_space<semaphore_mem>>
      %dma_start3A_181 = arith.constant 0 : i32
      %dma_start3A_182 = tpu.memref_slice %arg12[%add3A_19, %dma_start3A_181] : memref<10000x128xf32, #tpu.memory_space<vmem_shared>> -> memref<125x128xf32, #tpu.memory_space<vmem_shared>>
      %dma_start3A_183 = arith.constant 0 : i32
      %dma_start3A_184 = tpu.memref_slice %arg12[%add3A_19, %dma_start3A_183] : memref<10000x128xf32, #tpu.memory_space<vmem_shared>> -> memref<125x128xf32, #tpu.memory_space<vmem_shared>>
      tpu.enqueue_dma source(%arg9 : memref<125x128xf32, #tpu.memory_space<vmem>>) target(%dma_start3A_184 : memref<125x128xf32, #tpu.memory_space<vmem_shared>>) target_semaphore(%run_scoped3A : memref<!tpu.dma_semaphore, #tpu.memory_space<semaphore_mem>>)
      %dma_wait3A_185 = arith.constant 0 : i32
      %dma_wait3A_186 = tpu.memref_slice %arg12[%add3A_19, %dma_wait3A_185] : memref<10000x128xf32, #tpu.memory_space<vmem_shared>> -> memref<125x128xf32, #tpu.memory_space<vmem_shared>>
      %dma_wait3A_187 = arith.constant 0 : i32
      %dma_wait3A_188 = tpu.memref_slice %arg12[%add3A_19, %dma_wait3A_187] : memref<10000x128xf32, #tpu.memory_space<vmem_shared>> -> memref<125x128xf32, #tpu.memory_space<vmem_shared>>
      tpu.wait_dma2 semaphore(%run_scoped3A : memref<!tpu.dma_semaphore, #tpu.memory_space<semaphore_mem>>) src(%arg9 : memref<125x128xf32, #tpu.memory_space<vmem>>) dst(%dma_wait3A_188 : memref<125x128xf32, #tpu.memory_space<vmem_shared>>)
      tpu.yield
    }) : () -> ()
    %mul3A_20 = arith.constant 625 : i32
    %mul3A_21 = arith.muli %arg1, %mul3A_20 : i32
    %add3A_22 = arith.constant 375 : i32
    %add3A_23 = arith.addi %mul3A_21, %add3A_22 : i32
    "tpu.region"() ({
      %run_scoped3A = tpu.sem_alloc : memref<!tpu.dma_semaphore, #tpu.memory_space<semaphore_mem>>
      %dma_start3A_181 = arith.constant 0 : i32
      %dma_start3A_182 = tpu.memref_slice %arg12[%add3A_23, %dma_start3A_181] : memref<10000x128xf32, #tpu.memory_space<vmem_shared>> -> memref<125x128xf32, #tpu.memory_space<vmem_shared>>
      %dma_start3A_183 = arith.constant 0 : i32
      %dma_start3A_184 = tpu.memref_slice %arg12[%add3A_23, %dma_start3A_183] : memref<10000x128xf32, #tpu.memory_space<vmem_shared>> -> memref<125x128xf32, #tpu.memory_space<vmem_shared>>
      tpu.enqueue_dma source(%arg9 : memref<125x128xf32, #tpu.memory_space<vmem>>) target(%dma_start3A_184 : memref<125x128xf32, #tpu.memory_space<vmem_shared>>) target_semaphore(%run_scoped3A : memref<!tpu.dma_semaphore, #tpu.memory_space<semaphore_mem>>)
      %dma_wait3A_185 = arith.constant 0 : i32
      %dma_wait3A_186 = tpu.memref_slice %arg12[%add3A_23, %dma_wait3A_185] : memref<10000x128xf32, #tpu.memory_space<vmem_shared>> -> memref<125x128xf32, #tpu.memory_space<vmem_shared>>
      %dma_wait3A_187 = arith.constant 0 : i32
      %dma_wait3A_188 = tpu.memref_slice %arg12[%add3A_23, %dma_wait3A_187] : memref<10000x128xf32, #tpu.memory_space<vmem_shared>> -> memref<125x128xf32, #tpu.memory_space<vmem_shared>>
      tpu.wait_dma2 semaphore(%run_scoped3A : memref<!tpu.dma_semaphore, #tpu.memory_space<semaphore_mem>>) src(%arg9 : memref<125x128xf32, #tpu.memory_space<vmem>>) dst(%dma_wait3A_188 : memref<125x128xf32, #tpu.memory_space<vmem_shared>>)
      tpu.yield
    }) : () -> ()
    %mul3A_24 = arith.constant 625 : i32
    %mul3A_25 = arith.muli %arg1, %mul3A_24 : i32
    %add3A_26 = arith.constant 500 : i32
    %add3A_27 = arith.addi %mul3A_25, %add3A_26 : i32
    "tpu.region"() ({
      %run_scoped3A = tpu.sem_alloc : memref<!tpu.dma_semaphore, #tpu.memory_space<semaphore_mem>>
      %dma_start3A_181 = arith.constant 0 : i32
      %dma_start3A_182 = tpu.memref_slice %arg12[%add3A_27, %dma_start3A_181] : memref<10000x128xf32, #tpu.memory_space<vmem_shared>> -> memref<125x128xf32, #tpu.memory_space<vmem_shared>>
      %dma_start3A_183 = arith.constant 0 : i32
      %dma_start3A_184 = tpu.memref_slice %arg12[%add3A_27, %dma_start3A_183] : memref<10000x128xf32, #tpu.memory_space<vmem_shared>> -> memref<125x128xf32, #tpu.memory_space<vmem_shared>>
      tpu.enqueue_dma source(%arg9 : memref<125x128xf32, #tpu.memory_space<vmem>>) target(%dma_start3A_184 : memref<125x128xf32, #tpu.memory_space<vmem_shared>>) target_semaphore(%run_scoped3A : memref<!tpu.dma_semaphore, #tpu.memory_space<semaphore_mem>>)
      %dma_wait3A_185 = arith.constant 0 : i32
      %dma_wait3A_186 = tpu.memref_slice %arg12[%add3A_27, %dma_wait3A_185] : memref<10000x128xf32, #tpu.memory_space<vmem_shared>> -> memref<125x128xf32, #tpu.memory_space<vmem_shared>>
      %dma_wait3A_187 = arith.constant 0 : i32
      %dma_wait3A_188 = tpu.memref_slice %arg12[%add3A_27, %dma_wait3A_187] : memref<10000x128xf32, #tpu.memory_space<vmem_shared>> -> memref<125x128xf32, #tpu.memory_space<vmem_shared>>
      tpu.wait_dma2 semaphore(%run_scoped3A : memref<!tpu.dma_semaphore, #tpu.memory_space<semaphore_mem>>) src(%arg9 : memref<125x128xf32, #tpu.memory_space<vmem>>) dst(%dma_wait3A_188 : memref<125x128xf32, #tpu.memory_space<vmem_shared>>)
      tpu.yield
    }) : () -> ()
    %scan3A_28 = arith.constant 0 : i32
    %scan3A_29 = arith.constant 0 : i32
    %scan3A_30 = arith.constant 125 : i32
    %scan3A_31 = arith.addi %scan3A_29, %scan3A_30 : i32
    %scan3A_32 = arith.constant 1 : i32
    %scan3A_33 = scf.for %scan3A_181 = %scan3A_29 to %scan3A_31 step %scan3A_32 iter_args(%scan3A_182 = %scan3A_28) -> (i32)  : i32 {
      %swap3A = arith.index_cast %scan3A_181 : i32 to index
      %swap3A_183 = arith.constant 0 : index
      %swap3A_184 = tpu.vector_load %arg11[%swap3A, %swap3A_183] {strides = array<i32>} : memref<125x16xf32, #tpu.memory_space<vmem>>, vector<1x16xf32>,
      %swap3A_185 = vector.shape_cast %swap3A_184 : vector<1x16xf32> to vector<16xf32>
      %swap3A_186 = vector.shape_cast %broadcast_in_dim3A_1 : vector<16xf32> to vector<1x16xf32>
      tpu.vector_store %arg11[%swap3A, %swap3A_183], %swap3A_186 {strides = array<i32>} : memref<125x16xf32, #tpu.memory_space<vmem>>, vector<1x16xf32>,
      %scan3A_187 = arith.constant 0 : i32
      scf.yield %scan3A_187 : i32
    }
    %scan3A_34 = arith.constant 125 : i32
    %mul3A_35 = arith.constant 625 : i32
    %mul3A_36 = arith.muli %arg1, %mul3A_35 : i32
    %add3A_37 = arith.constant 0 : i32
    %add3A_38 = arith.addi %mul3A_36, %add3A_37 : i32
    "tpu.region"() ({
      %run_scoped3A = tpu.sem_alloc : memref<!tpu.dma_semaphore, #tpu.memory_space<semaphore_mem>>
      %dma_start3A_181 = arith.constant 0 : i32
      %dma_start3A_182 = tpu.memref_slice %arg13[%add3A_38, %dma_start3A_181] : memref<10000x16xf32, #tpu.memory_space<vmem_shared>> -> memref<125x16xf32, #tpu.memory_space<vmem_shared>>
      %dma_start3A_183 = arith.constant 0 : i32
      %dma_start3A_184 = tpu.memref_slice %arg13[%add3A_38, %dma_start3A_183] : memref<10000x16xf32, #tpu.memory_space<vmem_shared>> -> memref<125x16xf32, #tpu.memory_space<vmem_shared>>
      tpu.enqueue_dma source(%arg11 : memref<125x16xf32, #tpu.memory_space<vmem>>) target(%dma_start3A_184 : memref<125x16xf32, #tpu.memory_space<vmem_shared>>) target_semaphore(%run_scoped3A : memref<!tpu.dma_semaphore, #tpu.memory_space<semaphore_mem>>)
      %dma_wait3A_185 = arith.constant 0 : i32
      %dma_wait3A_186 = tpu.memref_slice %arg13[%add3A_38, %dma_wait3A_185] : memref<10000x16xf32, #tpu.memory_space<vmem_shared>> -> memref<125x16xf32, #tpu.memory_space<vmem_shared>>
      %dma_wait3A_187 = arith.constant 0 : i32
      %dma_wait3A_188 = tpu.memref_slice %arg13[%add3A_38, %dma_wait3A_187] : memref<10000x16xf32, #tpu.memory_space<vmem_shared>> -> memref<125x16xf32, #tpu.memory_space<vmem_shared>>
      tpu.wait_dma2 semaphore(%run_scoped3A : memref<!tpu.dma_semaphore, #tpu.memory_space<semaphore_mem>>) src(%arg11 : memref<125x16xf32, #tpu.memory_space<vmem>>) dst(%dma_wait3A_188 : memref<125x16xf32, #tpu.memory_space<vmem_shared>>)
      tpu.yield
    }) : () -> ()
    %mul3A_39 = arith.constant 625 : i32
    %mul3A_40 = arith.muli %arg1, %mul3A_39 : i32
    %add3A_41 = arith.constant 125 : i32
    %add3A_42 = arith.addi %mul3A_40, %add3A_41 : i32
    "tpu.region"() ({
      %run_scoped3A = tpu.sem_alloc : memref<!tpu.dma_semaphore, #tpu.memory_space<semaphore_mem>>
      %dma_start3A_181 = arith.constant 0 : i32
      %dma_start3A_182 = tpu.memref_slice %arg13[%add3A_42, %dma_start3A_181] : memref<10000x16xf32, #tpu.memory_space<vmem_shared>> -> memref<125x16xf32, #tpu.memory_space<vmem_shared>>
      %dma_start3A_183 = arith.constant 0 : i32
      %dma_start3A_184 = tpu.memref_slice %arg13[%add3A_42, %dma_start3A_183] : memref<10000x16xf32, #tpu.memory_space<vmem_shared>> -> memref<125x16xf32, #tpu.memory_space<vmem_shared>>
      tpu.enqueue_dma source(%arg11 : memref<125x16xf32, #tpu.memory_space<vmem>>) target(%dma_start3A_184 : memref<125x16xf32, #tpu.memory_space<vmem_shared>>) target_semaphore(%run_scoped3A : memref<!tpu.dma_semaphore, #tpu.memory_space<semaphore_mem>>)
      %dma_wait3A_185 = arith.constant 0 : i32
      %dma_wait3A_186 = tpu.memref_slice %arg13[%add3A_42, %dma_wait3A_185] : memref<10000x16xf32, #tpu.memory_space<vmem_shared>> -> memref<125x16xf32, #tpu.memory_space<vmem_shared>>
      %dma_wait3A_187 = arith.constant 0 : i32
      %dma_wait3A_188 = tpu.memref_slice %arg13[%add3A_42, %dma_wait3A_187] : memref<10000x16xf32, #tpu.memory_space<vmem_shared>> -> memref<125x16xf32, #tpu.memory_space<vmem_shared>>
      tpu.wait_dma2 semaphore(%run_scoped3A : memref<!tpu.dma_semaphore, #tpu.memory_space<semaphore_mem>>) src(%arg11 : memref<125x16xf32, #tpu.memory_space<vmem>>) dst(%dma_wait3A_188 : memref<125x16xf32, #tpu.memory_space<vmem_shared>>)
      tpu.yield
    }) : () -> ()
    %mul3A_43 = arith.constant 625 : i32
    %mul3A_44 = arith.muli %arg1, %mul3A_43 : i32
    %add3A_45 = arith.constant 250 : i32
    %add3A_46 = arith.addi %mul3A_44, %add3A_45 : i32
    "tpu.region"() ({
      %run_scoped3A = tpu.sem_alloc : memref<!tpu.dma_semaphore, #tpu.memory_space<semaphore_mem>>
      %dma_start3A_181 = arith.constant 0 : i32
      %dma_start3A_182 = tpu.memref_slice %arg13[%add3A_46, %dma_start3A_181] : memref<10000x16xf32, #tpu.memory_space<vmem_shared>> -> memref<125x16xf32, #tpu.memory_space<vmem_shared>>
      %dma_start3A_183 = arith.constant 0 : i32
      %dma_start3A_184 = tpu.memref_slice %arg13[%add3A_46, %dma_start3A_183] : memref<10000x16xf32, #tpu.memory_space<vmem_shared>> -> memref<125x16xf32, #tpu.memory_space<vmem_shared>>
      tpu.enqueue_dma source(%arg11 : memref<125x16xf32, #tpu.memory_space<vmem>>) target(%dma_start3A_184 : memref<125x16xf32, #tpu.memory_space<vmem_shared>>) target_semaphore(%run_scoped3A : memref<!tpu.dma_semaphore, #tpu.memory_space<semaphore_mem>>)
      %dma_wait3A_185 = arith.constant 0 : i32
      %dma_wait3A_186 = tpu.memref_slice %arg13[%add3A_46, %dma_wait3A_185] : memref<10000x16xf32, #tpu.memory_space<vmem_shared>> -> memref<125x16xf32, #tpu.memory_space<vmem_shared>>
      %dma_wait3A_187 = arith.constant 0 : i32
      %dma_wait3A_188 = tpu.memref_slice %arg13[%add3A_46, %dma_wait3A_187] : memref<10000x16xf32, #tpu.memory_space<vmem_shared>> -> memref<125x16xf32, #tpu.memory_space<vmem_shared>>
      tpu.wait_dma2 semaphore(%run_scoped3A : memref<!tpu.dma_semaphore, #tpu.memory_space<semaphore_mem>>) src(%arg11 : memref<125x16xf32, #tpu.memory_space<vmem>>) dst(%dma_wait3A_188 : memref<125x16xf32, #tpu.memory_space<vmem_shared>>)
      tpu.yield
    }) : () -> ()
    %mul3A_47 = arith.constant 625 : i32
    %mul3A_48 = arith.muli %arg1, %mul3A_47 : i32
    %add3A_49 = arith.constant 375 : i32
    %add3A_50 = arith.addi %mul3A_48, %add3A_49 : i32
    "tpu.region"() ({
      %run_scoped3A = tpu.sem_alloc : memref<!tpu.dma_semaphore, #tpu.memory_space<semaphore_mem>>
      %dma_start3A_181 = arith.constant 0 : i32
      %dma_start3A_182 = tpu.memref_slice %arg13[%add3A_50, %dma_start3A_181] : memref<10000x16xf32, #tpu.memory_space<vmem_shared>> -> memref<125x16xf32, #tpu.memory_space<vmem_shared>>
      %dma_start3A_183 = arith.constant 0 : i32
      %dma_start3A_184 = tpu.memref_slice %arg13[%add3A_50, %dma_start3A_183] : memref<10000x16xf32, #tpu.memory_space<vmem_shared>> -> memref<125x16xf32, #tpu.memory_space<vmem_shared>>
      tpu.enqueue_dma source(%arg11 : memref<125x16xf32, #tpu.memory_space<vmem>>) target(%dma_start3A_184 : memref<125x16xf32, #tpu.memory_space<vmem_shared>>) target_semaphore(%run_scoped3A : memref<!tpu.dma_semaphore, #tpu.memory_space<semaphore_mem>>)
      %dma_wait3A_185 = arith.constant 0 : i32
      %dma_wait3A_186 = tpu.memref_slice %arg13[%add3A_50, %dma_wait3A_185] : memref<10000x16xf32, #tpu.memory_space<vmem_shared>> -> memref<125x16xf32, #tpu.memory_space<vmem_shared>>
      %dma_wait3A_187 = arith.constant 0 : i32
      %dma_wait3A_188 = tpu.memref_slice %arg13[%add3A_50, %dma_wait3A_187] : memref<10000x16xf32, #tpu.memory_space<vmem_shared>> -> memref<125x16xf32, #tpu.memory_space<vmem_shared>>
      tpu.wait_dma2 semaphore(%run_scoped3A : memref<!tpu.dma_semaphore, #tpu.memory_space<semaphore_mem>>) src(%arg11 : memref<125x16xf32, #tpu.memory_space<vmem>>) dst(%dma_wait3A_188 : memref<125x16xf32, #tpu.memory_space<vmem_shared>>)
      tpu.yield
    }) : () -> ()
    %mul3A_51 = arith.constant 625 : i32
    %mul3A_52 = arith.muli %arg1, %mul3A_51 : i32
    %add3A_53 = arith.constant 500 : i32
    %add3A_54 = arith.addi %mul3A_52, %add3A_53 : i32
    "tpu.region"() ({
      %run_scoped3A = tpu.sem_alloc : memref<!tpu.dma_semaphore, #tpu.memory_space<semaphore_mem>>
      %dma_start3A_181 = arith.constant 0 : i32
      %dma_start3A_182 = tpu.memref_slice %arg13[%add3A_54, %dma_start3A_181] : memref<10000x16xf32, #tpu.memory_space<vmem_shared>> -> memref<125x16xf32, #tpu.memory_space<vmem_shared>>
      %dma_start3A_183 = arith.constant 0 : i32
      %dma_start3A_184 = tpu.memref_slice %arg13[%add3A_54, %dma_start3A_183] : memref<10000x16xf32, #tpu.memory_space<vmem_shared>> -> memref<125x16xf32, #tpu.memory_space<vmem_shared>>
      tpu.enqueue_dma source(%arg11 : memref<125x16xf32, #tpu.memory_space<vmem>>) target(%dma_start3A_184 : memref<125x16xf32, #tpu.memory_space<vmem_shared>>) target_semaphore(%run_scoped3A : memref<!tpu.dma_semaphore, #tpu.memory_space<semaphore_mem>>)
      %dma_wait3A_185 = arith.constant 0 : i32
      %dma_wait3A_186 = tpu.memref_slice %arg13[%add3A_54, %dma_wait3A_185] : memref<10000x16xf32, #tpu.memory_space<vmem_shared>> -> memref<125x16xf32, #tpu.memory_space<vmem_shared>>
      %dma_wait3A_187 = arith.constant 0 : i32
      %dma_wait3A_188 = tpu.memref_slice %arg13[%add3A_54, %dma_wait3A_187] : memref<10000x16xf32, #tpu.memory_space<vmem_shared>> -> memref<125x16xf32, #tpu.memory_space<vmem_shared>>
      tpu.wait_dma2 semaphore(%run_scoped3A : memref<!tpu.dma_semaphore, #tpu.memory_space<semaphore_mem>>) src(%arg11 : memref<125x16xf32, #tpu.memory_space<vmem>>) dst(%dma_wait3A_188 : memref<125x16xf32, #tpu.memory_space<vmem_shared>>)
      tpu.yield
    }) : () -> ()
    %broadcast_in_dim3A_55 = arith.constant 1.000000e+00 : f32
    %broadcast_in_dim3A_56 = vector.broadcast %broadcast_in_dim3A_55 : f32 to vector<16xf32>
    %scan3A_57 = arith.constant 0 : i32
    %scan3A_58 = arith.constant 0 : i32
    %scan3A_59 = arith.constant 125 : i32
    %scan3A_60 = arith.addi %scan3A_58, %scan3A_59 : i32
    %scan3A_61 = arith.constant 1 : i32
    %scan3A_62 = scf.for %scan3A_181 = %scan3A_58 to %scan3A_60 step %scan3A_61 iter_args(%scan3A_182 = %scan3A_57) -> (i32)  : i32 {
      %swap3A = arith.index_cast %scan3A_181 : i32 to index
      %swap3A_183 = arith.constant 0 : index
      %swap3A_184 = tpu.vector_load %arg11[%swap3A, %swap3A_183] {strides = array<i32>} : memref<125x16xf32, #tpu.memory_space<vmem>>, vector<1x16xf32>,
      %swap3A_185 = vector.shape_cast %swap3A_184 : vector<1x16xf32> to vector<16xf32>
      %swap3A_186 = vector.shape_cast %broadcast_in_dim3A_56 : vector<16xf32> to vector<1x16xf32>
      tpu.vector_store %arg11[%swap3A, %swap3A_183], %swap3A_186 {strides = array<i32>} : memref<125x16xf32, #tpu.memory_space<vmem>>, vector<1x16xf32>,
      %scan3A_187 = arith.constant 0 : i32
      scf.yield %scan3A_187 : i32
    }
    %scan3A_63 = arith.constant 125 : i32
    %barrier3A = arith.constant 0 : index
    tpu.barrier barrier_id(%barrier3A)
    %dma_start3A = arith.constant 0 : i32
    %dma_start3A_64 = arith.constant 0 : i32
    %dma_start3A_65 = arith.constant 0 : i32
    %dma_start3A_66 = tpu.memref_slice %arg7[%dma_start3A_64, %dma_start3A_65] : memref<2x125xi32, #tpu.memory_space<vmem>> -> memref<1x125xi32, #tpu.memory_space<vmem>>
    %dma_start3A_67 = tpu.memref_squeeze %dma_start3A_66 : memref<1x125xi32, #tpu.memory_space<vmem>> -> memref<125xi32, #tpu.memory_space<vmem>>
    %dma_start3A_68 = arith.constant 0 : i32
    %dma_start3A_69 = tpu.memref_slice %arg3[%add3A, %dma_start3A, %dma_start3A_68] : memref<32x80x125xi32, #tpu.memory_space<hbm>> -> memref<1x1x125xi32, #tpu.memory_space<hbm>>
    %dma_start3A_70 = tpu.memref_squeeze %dma_start3A_69 : memref<1x1x125xi32, #tpu.memory_space<hbm>> -> memref<125xi32, #tpu.memory_space<hbm>>
    %dma_start3A_71 = arith.constant 0 : i32
    %dma_start3A_72 = tpu.memref_slice %arg7[%dma_start3A_64, %dma_start3A_71] : memref<2x125xi32, #tpu.memory_space<vmem>> -> memref<1x125xi32, #tpu.memory_space<vmem>>
    %dma_start3A_73 = tpu.memref_squeeze %dma_start3A_72 : memref<1x125xi32, #tpu.memory_space<vmem>> -> memref<125xi32, #tpu.memory_space<vmem>>
    %dma_start3A_74 = arith.constant 0 : i32
    %dma_start3A_75 = tpu.memref_slice %arg3[%add3A, %dma_start3A, %dma_start3A_74] : memref<32x80x125xi32, #tpu.memory_space<hbm>> -> memref<1x1x125xi32, #tpu.memory_space<hbm>>
    %dma_start3A_76 = tpu.memref_squeeze %dma_start3A_75 : memref<1x1x125xi32, #tpu.memory_space<hbm>> -> memref<125xi32, #tpu.memory_space<hbm>>
    tpu.enqueue_dma source(%dma_start3A_76 : memref<125xi32, #tpu.memory_space<hbm>>) target(%dma_start3A_73 : memref<125xi32, #tpu.memory_space<vmem>>) target_semaphore(%arg14 : memref<!tpu.dma_semaphore, #tpu.memory_space<semaphore_mem>>)
    %dma_start3A_77 = arith.constant 0 : i32
    %dma_start3A_78 = arith.constant 0 : i32
    %dma_start3A_79 = arith.constant 0 : i32
    %dma_start3A_80 = tpu.memref_slice %arg8[%dma_start3A_78, %dma_start3A_79] : memref<2x125xi32, #tpu.memory_space<vmem>> -> memref<1x125xi32, #tpu.memory_space<vmem>>
    %dma_start3A_81 = tpu.memref_squeeze %dma_start3A_80 : memref<1x125xi32, #tpu.memory_space<vmem>> -> memref<125xi32, #tpu.memory_space<vmem>>
    %dma_start3A_82 = arith.constant 0 : i32
    %dma_start3A_83 = tpu.memref_slice %arg4[%add3A, %dma_start3A_77, %dma_start3A_82] : memref<32x80x125xi32, #tpu.memory_space<hbm>> -> memref<1x1x125xi32, #tpu.memory_space<hbm>>
    %dma_start3A_84 = tpu.memref_squeeze %dma_start3A_83 : memref<1x1x125xi32, #tpu.memory_space<hbm>> -> memref<125xi32, #tpu.memory_space<hbm>>
    %dma_start3A_85 = arith.constant 0 : i32
    %dma_start3A_86 = tpu.memref_slice %arg8[%dma_start3A_78, %dma_start3A_85] : memref<2x125xi32, #tpu.memory_space<vmem>> -> memref<1x125xi32, #tpu.memory_space<vmem>>
    %dma_start3A_87 = tpu.memref_squeeze %dma_start3A_86 : memref<1x125xi32, #tpu.memory_space<vmem>> -> memref<125xi32, #tpu.memory_space<vmem>>
    %dma_start3A_88 = arith.constant 0 : i32
    %dma_start3A_89 = tpu.memref_slice %arg4[%add3A, %dma_start3A_77, %dma_start3A_88] : memref<32x80x125xi32, #tpu.memory_space<hbm>> -> memref<1x1x125xi32, #tpu.memory_space<hbm>>
    %dma_start3A_90 = tpu.memref_squeeze %dma_start3A_89 : memref<1x1x125xi32, #tpu.memory_space<hbm>> -> memref<125xi32, #tpu.memory_space<hbm>>
    tpu.enqueue_dma source(%dma_start3A_90 : memref<125xi32, #tpu.memory_space<hbm>>) target(%dma_start3A_87 : memref<125xi32, #tpu.memory_space<vmem>>) target_semaphore(%arg14 : memref<!tpu.dma_semaphore, #tpu.memory_space<semaphore_mem>>)
    %dma_wait3A = arith.constant 0 : i32
    %dma_wait3A_91 = arith.constant 0 : i32
    %dma_wait3A_92 = arith.constant 0 : i32
    %dma_wait3A_93 = tpu.memref_slice %arg7[%dma_wait3A_91, %dma_wait3A_92] : memref<2x125xi32, #tpu.memory_space<vmem>> -> memref<1x125xi32, #tpu.memory_space<vmem>>
    %dma_wait3A_94 = tpu.memref_squeeze %dma_wait3A_93 : memref<1x125xi32, #tpu.memory_space<vmem>> -> memref<125xi32, #tpu.memory_space<vmem>>
    %dma_wait3A_95 = arith.constant 0 : i32
    %dma_wait3A_96 = tpu.memref_slice %arg3[%add3A, %dma_wait3A, %dma_wait3A_95] : memref<32x80x125xi32, #tpu.memory_space<hbm>> -> memref<1x1x125xi32, #tpu.memory_space<hbm>>
    %dma_wait3A_97 = tpu.memref_squeeze %dma_wait3A_96 : memref<1x1x125xi32, #tpu.memory_space<hbm>> -> memref<125xi32, #tpu.memory_space<hbm>>
    %dma_wait3A_98 = arith.constant 0 : i32
    %dma_wait3A_99 = tpu.memref_slice %arg7[%dma_wait3A_91, %dma_wait3A_98] : memref<2x125xi32, #tpu.memory_space<vmem>> -> memref<1x125xi32, #tpu.memory_space<vmem>>
    %dma_wait3A_100 = tpu.memref_squeeze %dma_wait3A_99 : memref<1x125xi32, #tpu.memory_space<vmem>> -> memref<125xi32, #tpu.memory_space<vmem>>
    %dma_wait3A_101 = arith.constant 0 : i32
    %dma_wait3A_102 = tpu.memref_slice %arg3[%add3A, %dma_wait3A, %dma_wait3A_101] : memref<32x80x125xi32, #tpu.memory_space<hbm>> -> memref<1x1x125xi32, #tpu.memory_space<hbm>>
    %dma_wait3A_103 = tpu.memref_squeeze %dma_wait3A_102 : memref<1x1x125xi32, #tpu.memory_space<hbm>> -> memref<125xi32, #tpu.memory_space<hbm>>
    tpu.wait_dma2 semaphore(%arg14 : memref<!tpu.dma_semaphore, #tpu.memory_space<semaphore_mem>>) src(%dma_wait3A_103 : memref<125xi32, #tpu.memory_space<hbm>>) dst(%dma_wait3A_100 : memref<125xi32, #tpu.memory_space<vmem>>)
    %dma_wait3A_104 = arith.constant 0 : i32
    %dma_wait3A_105 = arith.constant 0 : i32
    %dma_wait3A_106 = arith.constant 0 : i32
    %dma_wait3A_107 = tpu.memref_slice %arg8[%dma_wait3A_105, %dma_wait3A_106] : memref<2x125xi32, #tpu.memory_space<vmem>> -> memref<1x125xi32, #tpu.memory_space<vmem>>
    %dma_wait3A_108 = tpu.memref_squeeze %dma_wait3A_107 : memref<1x125xi32, #tpu.memory_space<vmem>> -> memref<125xi32, #tpu.memory_space<vmem>>
    %dma_wait3A_109 = arith.constant 0 : i32
    %dma_wait3A_110 = tpu.memref_slice %arg4[%add3A, %dma_wait3A_104, %dma_wait3A_109] : memref<32x80x125xi32, #tpu.memory_space<hbm>> -> memref<1x1x125xi32, #tpu.memory_space<hbm>>
    %dma_wait3A_111 = tpu.memref_squeeze %dma_wait3A_110 : memref<1x1x125xi32, #tpu.memory_space<hbm>> -> memref<125xi32, #tpu.memory_space<hbm>>
    %dma_wait3A_112 = arith.constant 0 : i32
    %dma_wait3A_113 = tpu.memref_slice %arg8[%dma_wait3A_105, %dma_wait3A_112] : memref<2x125xi32, #tpu.memory_space<vmem>> -> memref<1x125xi32, #tpu.memory_space<vmem>>
    %dma_wait3A_114 = tpu.memref_squeeze %dma_wait3A_113 : memref<1x125xi32, #tpu.memory_space<vmem>> -> memref<125xi32, #tpu.memory_space<vmem>>
    %dma_wait3A_115 = arith.constant 0 : i32
    %dma_wait3A_116 = tpu.memref_slice %arg4[%add3A, %dma_wait3A_104, %dma_wait3A_115] : memref<32x80x125xi32, #tpu.memory_space<hbm>> -> memref<1x1x125xi32, #tpu.memory_space<hbm>>
    %dma_wait3A_117 = tpu.memref_squeeze %dma_wait3A_116 : memref<1x1x125xi32, #tpu.memory_space<hbm>> -> memref<125xi32, #tpu.memory_space<hbm>>
    tpu.wait_dma2 semaphore(%arg14 : memref<!tpu.dma_semaphore, #tpu.memory_space<semaphore_mem>>) src(%dma_wait3A_117 : memref<125xi32, #tpu.memory_space<hbm>>) dst(%dma_wait3A_114 : memref<125xi32, #tpu.memory_space<vmem>>)
    %dma_start3A_118 = arith.constant 0 : i32
    %dma_start3A_119 = arith.constant 0 : i32
    %dma_start3A_120 = tpu.memref_slice %arg7[%dma_start3A_118, %dma_start3A_119] : memref<2x125xi32, #tpu.memory_space<vmem>> -> memref<1x125xi32, #tpu.memory_space<vmem>>
    %dma_start3A_121 = tpu.memref_squeeze %dma_start3A_120 : memref<1x125xi32, #tpu.memory_space<vmem>> -> memref<125xi32, #tpu.memory_space<vmem>>
    %dma_start3A_122 = arith.constant 0 : i32
    %dma_start3A_123 = arith.constant 0 : i32
    %dma_start3A_124 = tpu.memref_slice %arg2[%dma_start3A_122, %dma_start3A_123] : memref<10000x128xf32, #tpu.memory_space<hbm>> -> memref<10000x128xf32, #tpu.memory_space<hbm>>
    tpu.enqueue_indirect_dma source(%dma_start3A_124 : memref<10000x128xf32, #tpu.memory_space<hbm>>) target(%arg9 : memref<125x128xf32, #tpu.memory_space<vmem>>) offsets(%dma_start3A_121 : memref<125xi32, #tpu.memory_space<vmem>>) semaphore(%arg15 : memref<!tpu.dma_semaphore, #tpu.memory_space<semaphore_mem>>)
    %dma_start3A_125 = arith.constant 1 : i32
    %dma_start3A_126 = arith.constant 1 : i32
    %dma_start3A_127 = arith.constant 0 : i32
    %dma_start3A_128 = tpu.memref_slice %arg7[%dma_start3A_126, %dma_start3A_127] : memref<2x125xi32, #tpu.memory_space<vmem>> -> memref<1x125xi32, #tpu.memory_space<vmem>>
    %dma_start3A_129 = tpu.memref_squeeze %dma_start3A_128 : memref<1x125xi32, #tpu.memory_space<vmem>> -> memref<125xi32, #tpu.memory_space<vmem>>
    %dma_start3A_130 = arith.constant 0 : i32
    %dma_start3A_131 = tpu.memref_slice %arg3[%add3A, %dma_start3A_125, %dma_start3A_130] : memref<32x80x125xi32, #tpu.memory_space<hbm>> -> memref<1x1x125xi32, #tpu.memory_space<hbm>>
    %dma_start3A_132 = tpu.memref_squeeze %dma_start3A_131 : memref<1x1x125xi32, #tpu.memory_space<hbm>> -> memref<125xi32, #tpu.memory_space<hbm>>
    %dma_start3A_133 = arith.constant 0 : i32
    %dma_start3A_134 = tpu.memref_slice %arg7[%dma_start3A_126, %dma_start3A_133] : memref<2x125xi32, #tpu.memory_space<vmem>> -> memref<1x125xi32, #tpu.memory_space<vmem>>
    %dma_start3A_135 = tpu.memref_squeeze %dma_start3A_134 : memref<1x125xi32, #tpu.memory_space<vmem>> -> memref<125xi32, #tpu.memory_space<vmem>>
    %dma_start3A_136 = arith.constant 0 : i32
    %dma_start3A_137 = tpu.memref_slice %arg3[%add3A, %dma_start3A_125, %dma_start3A_136] : memref<32x80x125xi32, #tpu.memory_space<hbm>> -> memref<1x1x125xi32, #tpu.memory_space<hbm>>
    %dma_start3A_138 = tpu.memref_squeeze %dma_start3A_137 : memref<1x1x125xi32, #tpu.memory_space<hbm>> -> memref<125xi32, #tpu.memory_space<hbm>>
    tpu.enqueue_dma source(%dma_start3A_138 : memref<125xi32, #tpu.memory_space<hbm>>) target(%dma_start3A_135 : memref<125xi32, #tpu.memory_space<vmem>>) target_semaphore(%arg14 : memref<!tpu.dma_semaphore, #tpu.memory_space<semaphore_mem>>)
    %dma_start3A_139 = arith.constant 1 : i32
    %dma_start3A_140 = arith.constant 1 : i32
    %dma_start3A_141 = arith.constant 0 : i32
    %dma_start3A_142 = tpu.memref_slice %arg8[%dma_start3A_140, %dma_start3A_141] : memref<2x125xi32, #tpu.memory_space<vmem>> -> memref<1x125xi32, #tpu.memory_space<vmem>>
    %dma_start3A_143 = tpu.memref_squeeze %dma_start3A_142 : memref<1x125xi32, #tpu.memory_space<vmem>> -> memref<125xi32, #tpu.memory_space<vmem>>
    %dma_start3A_144 = arith.constant 0 : i32
    %dma_start3A_145 = tpu.memref_slice %arg4[%add3A, %dma_start3A_139, %dma_start3A_144] : memref<32x80x125xi32, #tpu.memory_space<hbm>> -> memref<1x1x125xi32, #tpu.memory_space<hbm>>
    %dma_start3A_146 = tpu.memref_squeeze %dma_start3A_145 : memref<1x1x125xi32, #tpu.memory_space<hbm>> -> memref<125xi32, #tpu.memory_space<hbm>>
    %dma_start3A_147 = arith.constant 0 : i32
    %dma_start3A_148 = tpu.memref_slice %arg8[%dma_start3A_140, %dma_start3A_147] : memref<2x125xi32, #tpu.memory_space<vmem>> -> memref<1x125xi32, #tpu.memory_space<vmem>>
    %dma_start3A_149 = tpu.memref_squeeze %dma_start3A_148 : memref<1x125xi32, #tpu.memory_space<vmem>> -> memref<125xi32, #tpu.memory_space<vmem>>
    %dma_start3A_150 = arith.constant 0 : i32
    %dma_start3A_151 = tpu.memref_slice %arg4[%add3A, %dma_start3A_139, %dma_start3A_150] : memref<32x80x125xi32, #tpu.memory_space<hbm>> -> memref<1x1x125xi32, #tpu.memory_space<hbm>>
    %dma_start3A_152 = tpu.memref_squeeze %dma_start3A_151 : memref<1x1x125xi32, #tpu.memory_space<hbm>> -> memref<125xi32, #tpu.memory_space<hbm>>
    tpu.enqueue_dma source(%dma_start3A_152 : memref<125xi32, #tpu.memory_space<hbm>>) target(%dma_start3A_149 : memref<125xi32, #tpu.memory_space<vmem>>) target_semaphore(%arg14 : memref<!tpu.dma_semaphore, #tpu.memory_space<semaphore_mem>>)
    %scan3A_153 = arith.constant 0 : i32
    %scan3A_154 = arith.constant 0 : i32
    %scan3A_155 = arith.constant 40 : i32
    %scan3A_156 = arith.addi %scan3A_154, %scan3A_155 : i32
    %scan3A_157 = arith.constant 1 : i32
    %scan3A_158 = scf.for %scan3A_181 = %scan3A_154 to %scan3A_156 step %scan3A_157 iter_args(%scan3A_182 = %scan3A_153) -> (i32)  : i32 {
      %mul3A_183 = arith.constant 2 : i32
      %mul3A_184 = arith.muli %mul3A_183, %scan3A_181 : i32
      %dma_wait3A_185 = arith.constant 0 : i32
      %dma_wait3A_186 = arith.constant 0 : i32
      %dma_wait3A_187 = tpu.memref_slice %arg7[%dma_wait3A_185, %dma_wait3A_186] : memref<2x125xi32, #tpu.memory_space<vmem>> -> memref<1x125xi32, #tpu.memory_space<vmem>>
      %dma_wait3A_188 = tpu.memref_squeeze %dma_wait3A_187 : memref<1x125xi32, #tpu.memory_space<vmem>> -> memref<125xi32, #tpu.memory_space<vmem>>
      %dma_wait3A_189 = arith.constant 0 : i32
      %dma_wait3A_190 = arith.constant 0 : i32
      %dma_wait3A_191 = tpu.memref_slice %arg2[%dma_wait3A_189, %dma_wait3A_190] : memref<10000x128xf32, #tpu.memory_space<hbm>> -> memref<10000x128xf32, #tpu.memory_space<hbm>>
      tpu.wait_indirect_dma semaphore(%arg15 : memref<!tpu.dma_semaphore, #tpu.memory_space<semaphore_mem>>) src(%dma_wait3A_191 : memref<10000x128xf32, #tpu.memory_space<hbm>>) dst(%arg9 : memref<125x128xf32, #tpu.memory_space<vmem>>)
      %add3A_192 = arith.constant 1 : i32
      %add3A_193 = arith.addi %mul3A_184, %add3A_192 : i32
      %lt3A = arith.constant 80 : i32
      %lt3A_194 = arith.cmpi slt, %add3A_193, %lt3A : i32
      %convert_element_type3A = arith.extui %lt3A_194 : i1 to i32
      %cond3A = arith.constant 0 : i32
      %cond3A_195 = arith.cmpi ne, %convert_element_type3A, %cond3A : i32
      scf.if %cond3A_195 {
        %add3A_232 = arith.constant 1 : i32
        %add3A_233 = arith.addi %mul3A_184, %add3A_232 : i32
        %dma_wait3A_234 = arith.constant 1 : i32
        %dma_wait3A_235 = arith.constant 0 : i32
        %dma_wait3A_236 = tpu.memref_slice %arg7[%dma_wait3A_234, %dma_wait3A_235] : memref<2x125xi32, #tpu.memory_space<vmem>> -> memref<1x125xi32, #tpu.memory_space<vmem>>
        %dma_wait3A_237 = tpu.memref_squeeze %dma_wait3A_236 : memref<1x125xi32, #tpu.memory_space<vmem>> -> memref<125xi32, #tpu.memory_space<vmem>>
        %dma_wait3A_238 = arith.constant 0 : i32
        %dma_wait3A_239 = tpu.memref_slice %arg3[%add3A, %add3A_233, %dma_wait3A_238] : memref<32x80x125xi32, #tpu.memory_space<hbm>> -> memref<1x1x125xi32, #tpu.memory_space<hbm>>
        %dma_wait3A_240 = tpu.memref_squeeze %dma_wait3A_239 : memref<1x1x125xi32, #tpu.memory_space<hbm>> -> memref<125xi32, #tpu.memory_space<hbm>>
        %dma_wait3A_241 = arith.constant 0 : i32
        %dma_wait3A_242 = tpu.memref_slice %arg7[%dma_wait3A_234, %dma_wait3A_241] : memref<2x125xi32, #tpu.memory_space<vmem>> -> memref<1x125xi32, #tpu.memory_space<vmem>>
        %dma_wait3A_243 = tpu.memref_squeeze %dma_wait3A_242 : memref<1x125xi32, #tpu.memory_space<vmem>> -> memref<125xi32, #tpu.memory_space<vmem>>
        %dma_wait3A_244 = arith.constant 0 : i32
        %dma_wait3A_245 = tpu.memref_slice %arg3[%add3A, %add3A_233, %dma_wait3A_244] : memref<32x80x125xi32, #tpu.memory_space<hbm>> -> memref<1x1x125xi32, #tpu.memory_space<hbm>>
        %dma_wait3A_246 = tpu.memref_squeeze %dma_wait3A_245 : memref<1x1x125xi32, #tpu.memory_space<hbm>> -> memref<125xi32, #tpu.memory_space<hbm>>
        tpu.wait_dma2 semaphore(%arg14 : memref<!tpu.dma_semaphore, #tpu.memory_space<semaphore_mem>>) src(%dma_wait3A_246 : memref<125xi32, #tpu.memory_space<hbm>>) dst(%dma_wait3A_243 : memref<125xi32, #tpu.memory_space<vmem>>)
        %dma_wait3A_247 = arith.constant 1 : i32
        %dma_wait3A_248 = arith.constant 0 : i32
        %dma_wait3A_249 = tpu.memref_slice %arg8[%dma_wait3A_247, %dma_wait3A_248] : memref<2x125xi32, #tpu.memory_space<vmem>> -> memref<1x125xi32, #tpu.memory_space<vmem>>
        %dma_wait3A_250 = tpu.memref_squeeze %dma_wait3A_249 : memref<1x125xi32, #tpu.memory_space<vmem>> -> memref<125xi32, #tpu.memory_space<vmem>>
        %dma_wait3A_251 = arith.constant 0 : i32
        %dma_wait3A_252 = tpu.memref_slice %arg4[%add3A, %add3A_233, %dma_wait3A_251] : memref<32x80x125xi32, #tpu.memory_space<hbm>> -> memref<1x1x125xi32, #tpu.memory_space<hbm>>
        %dma_wait3A_253 = tpu.memref_squeeze %dma_wait3A_252 : memref<1x1x125xi32, #tpu.memory_space<hbm>> -> memref<125xi32, #tpu.memory_space<hbm>>
        %dma_wait3A_254 = arith.constant 0 : i32
        %dma_wait3A_255 = tpu.memref_slice %arg8[%dma_wait3A_247, %dma_wait3A_254] : memref<2x125xi32, #tpu.memory_space<vmem>> -> memref<1x125xi32, #tpu.memory_space<vmem>>
        %dma_wait3A_256 = tpu.memref_squeeze %dma_wait3A_255 : memref<1x125xi32, #tpu.memory_space<vmem>> -> memref<125xi32, #tpu.memory_space<vmem>>
        %dma_wait3A_257 = arith.constant 0 : i32
        %dma_wait3A_258 = tpu.memref_slice %arg4[%add3A, %add3A_233, %dma_wait3A_257] : memref<32x80x125xi32, #tpu.memory_space<hbm>> -> memref<1x1x125xi32, #tpu.memory_space<hbm>>
        %dma_wait3A_259 = tpu.memref_squeeze %dma_wait3A_258 : memref<1x1x125xi32, #tpu.memory_space<hbm>> -> memref<125xi32, #tpu.memory_space<hbm>>
        tpu.wait_dma2 semaphore(%arg14 : memref<!tpu.dma_semaphore, #tpu.memory_space<semaphore_mem>>) src(%dma_wait3A_259 : memref<125xi32, #tpu.memory_space<hbm>>) dst(%dma_wait3A_256 : memref<125xi32, #tpu.memory_space<vmem>>)
        %dma_start3A_260 = arith.constant 1 : i32
        %dma_start3A_261 = arith.constant 0 : i32
        %dma_start3A_262 = tpu.memref_slice %arg7[%dma_start3A_260, %dma_start3A_261] : memref<2x125xi32, #tpu.memory_space<vmem>> -> memref<1x125xi32, #tpu.memory_space<vmem>>
        %dma_start3A_263 = tpu.memref_squeeze %dma_start3A_262 : memref<1x125xi32, #tpu.memory_space<vmem>> -> memref<125xi32, #tpu.memory_space<vmem>>
        %dma_start3A_264 = arith.constant 0 : i32
        %dma_start3A_265 = arith.constant 0 : i32
        %dma_start3A_266 = tpu.memref_slice %arg2[%dma_start3A_264, %dma_start3A_265] : memref<10000x128xf32, #tpu.memory_space<hbm>> -> memref<10000x128xf32, #tpu.memory_space<hbm>>
        tpu.enqueue_indirect_dma source(%dma_start3A_266 : memref<10000x128xf32, #tpu.memory_space<hbm>>) target(%arg10 : memref<125x128xf32, #tpu.memory_space<vmem>>) offsets(%dma_start3A_263 : memref<125xi32, #tpu.memory_space<vmem>>) semaphore(%arg15 : memref<!tpu.dma_semaphore, #tpu.memory_space<semaphore_mem>>)
      } else {
      }
      %run_scoped3A = arith.constant 0 : i32
      "tpu.region"() ({
        %run_scoped3A_232 = tpu.sem_alloc : memref<!tpu.dma_semaphore, #tpu.memory_space<semaphore_mem>>
        %dma_start3A_233 = arith.constant 0 : i32
        %dma_start3A_234 = tpu.memref_slice %arg8[%run_scoped3A, %dma_start3A_233] : memref<2x125xi32, #tpu.memory_space<vmem>> -> memref<1x125xi32, #tpu.memory_space<vmem>>
        %dma_start3A_235 = tpu.memref_squeeze %dma_start3A_234 : memref<1x125xi32, #tpu.memory_space<vmem>> -> memref<125xi32, #tpu.memory_space<vmem>>
        %dma_start3A_236 = arith.constant 0 : i32
        %dma_start3A_237 = arith.constant 0 : i32
        %dma_start3A_238 = tpu.memref_slice %arg12[%dma_start3A_236, %dma_start3A_237] : memref<10000x128xf32, #tpu.memory_space<vmem_shared>> -> memref<10000x128xf32, #tpu.memory_space<vmem_shared>>
        tpu.enqueue_indirect_dma source(%arg9 : memref<125x128xf32, #tpu.memory_space<vmem>>) target(%dma_start3A_238 : memref<10000x128xf32, #tpu.memory_space<vmem_shared>>) offsets(%dma_start3A_235 : memref<125xi32, #tpu.memory_space<vmem>>) semaphore(%run_scoped3A_232 : memref<!tpu.dma_semaphore, #tpu.memory_space<semaphore_mem>>) {add = true}
        %dma_wait3A_239 = arith.constant 0 : i32
        %dma_wait3A_240 = tpu.memref_slice %arg8[%run_scoped3A, %dma_wait3A_239] : memref<2x125xi32, #tpu.memory_space<vmem>> -> memref<1x125xi32, #tpu.memory_space<vmem>>
        %dma_wait3A_241 = tpu.memref_squeeze %dma_wait3A_240 : memref<1x125xi32, #tpu.memory_space<vmem>> -> memref<125xi32, #tpu.memory_space<vmem>>
        %dma_wait3A_242 = arith.constant 0 : i32
        %dma_wait3A_243 = arith.constant 0 : i32
        %dma_wait3A_244 = tpu.memref_slice %arg12[%dma_wait3A_242, %dma_wait3A_243] : memref<10000x128xf32, #tpu.memory_space<vmem_shared>> -> memref<10000x128xf32, #tpu.memory_space<vmem_shared>>
        tpu.wait_indirect_dma semaphore(%run_scoped3A_232 : memref<!tpu.dma_semaphore, #tpu.memory_space<semaphore_mem>>) src(%arg9 : memref<125x128xf32, #tpu.memory_space<vmem>>) dst(%dma_wait3A_244 : memref<10000x128xf32, #tpu.memory_space<vmem_shared>>)
        tpu.yield
      }) : () -> ()
      %run_scoped3A_196 = arith.constant 0 : i32
      "tpu.region"() ({
        %run_scoped3A_232 = tpu.sem_alloc : memref<!tpu.dma_semaphore, #tpu.memory_space<semaphore_mem>>
        %dma_start3A_233 = arith.constant 0 : i32
        %dma_start3A_234 = tpu.memref_slice %arg8[%run_scoped3A_196, %dma_start3A_233] : memref<2x125xi32, #tpu.memory_space<vmem>> -> memref<1x125xi32, #tpu.memory_space<vmem>>
        %dma_start3A_235 = tpu.memref_squeeze %dma_start3A_234 : memref<1x125xi32, #tpu.memory_space<vmem>> -> memref<125xi32, #tpu.memory_space<vmem>>
        %dma_start3A_236 = arith.constant 0 : i32
        %dma_start3A_237 = arith.constant 0 : i32
        %dma_start3A_238 = tpu.memref_slice %arg13[%dma_start3A_236, %dma_start3A_237] : memref<10000x16xf32, #tpu.memory_space<vmem_shared>> -> memref<10000x16xf32, #tpu.memory_space<vmem_shared>>
        tpu.enqueue_indirect_dma source(%arg11 : memref<125x16xf32, #tpu.memory_space<vmem>>) target(%dma_start3A_238 : memref<10000x16xf32, #tpu.memory_space<vmem_shared>>) offsets(%dma_start3A_235 : memref<125xi32, #tpu.memory_space<vmem>>) semaphore(%run_scoped3A_232 : memref<!tpu.dma_semaphore, #tpu.memory_space<semaphore_mem>>) {add = true}
        %dma_wait3A_239 = arith.constant 0 : i32
        %dma_wait3A_240 = tpu.memref_slice %arg8[%run_scoped3A_196, %dma_wait3A_239] : memref<2x125xi32, #tpu.memory_space<vmem>> -> memref<1x125xi32, #tpu.memory_space<vmem>>
        %dma_wait3A_241 = tpu.memref_squeeze %dma_wait3A_240 : memref<1x125xi32, #tpu.memory_space<vmem>> -> memref<125xi32, #tpu.memory_space<vmem>>
        %dma_wait3A_242 = arith.constant 0 : i32
        %dma_wait3A_243 = arith.constant 0 : i32
        %dma_wait3A_244 = tpu.memref_slice %arg13[%dma_wait3A_242, %dma_wait3A_243] : memref<10000x16xf32, #tpu.memory_space<vmem_shared>> -> memref<10000x16xf32, #tpu.memory_space<vmem_shared>>
        tpu.wait_indirect_dma semaphore(%run_scoped3A_232 : memref<!tpu.dma_semaphore, #tpu.memory_space<semaphore_mem>>) src(%arg11 : memref<125x16xf32, #tpu.memory_space<vmem>>) dst(%dma_wait3A_244 : memref<10000x16xf32, #tpu.memory_space<vmem_shared>>)
        tpu.yield
      }) : () -> ()
      %add3A_197 = arith.constant 2 : i32
      %add3A_198 = arith.addi %mul3A_184, %add3A_197 : i32
      %lt3A_199 = arith.constant 80 : i32
      %lt3A_200 = arith.cmpi slt, %add3A_198, %lt3A_199 : i32
      %convert_element_type3A_201 = arith.extui %lt3A_200 : i1 to i32
      %cond3A_202 = arith.constant 0 : i32
      %cond3A_203 = arith.cmpi ne, %convert_element_type3A_201, %cond3A_202 : i32
      scf.if %cond3A_203 {
        %add3A_232 = arith.constant 2 : i32
        %add3A_233 = arith.addi %mul3A_184, %add3A_232 : i32
        %dma_start3A_234 = arith.constant 0 : i32
        %dma_start3A_235 = arith.constant 0 : i32
        %dma_start3A_236 = tpu.memref_slice %arg7[%dma_start3A_234, %dma_start3A_235] : memref<2x125xi32, #tpu.memory_space<vmem>> -> memref<1x125xi32, #tpu.memory_space<vmem>>
        %dma_start3A_237 = tpu.memref_squeeze %dma_start3A_236 : memref<1x125xi32, #tpu.memory_space<vmem>> -> memref<125xi32, #tpu.memory_space<vmem>>
        %dma_start3A_238 = arith.constant 0 : i32
        %dma_start3A_239 = tpu.memref_slice %arg3[%add3A, %add3A_233, %dma_start3A_238] : memref<32x80x125xi32, #tpu.memory_space<hbm>> -> memref<1x1x125xi32, #tpu.memory_space<hbm>>
        %dma_start3A_240 = tpu.memref_squeeze %dma_start3A_239 : memref<1x1x125xi32, #tpu.memory_space<hbm>> -> memref<125xi32, #tpu.memory_space<hbm>>
        %dma_start3A_241 = arith.constant 0 : i32
        %dma_start3A_242 = tpu.memref_slice %arg7[%dma_start3A_234, %dma_start3A_241] : memref<2x125xi32, #tpu.memory_space<vmem>> -> memref<1x125xi32, #tpu.memory_space<vmem>>
        %dma_start3A_243 = tpu.memref_squeeze %dma_start3A_242 : memref<1x125xi32, #tpu.memory_space<vmem>> -> memref<125xi32, #tpu.memory_space<vmem>>
        %dma_start3A_244 = arith.constant 0 : i32
        %dma_start3A_245 = tpu.memref_slice %arg3[%add3A, %add3A_233, %dma_start3A_244] : memref<32x80x125xi32, #tpu.memory_space<hbm>> -> memref<1x1x125xi32, #tpu.memory_space<hbm>>
        %dma_start3A_246 = tpu.memref_squeeze %dma_start3A_245 : memref<1x1x125xi32, #tpu.memory_space<hbm>> -> memref<125xi32, #tpu.memory_space<hbm>>
        tpu.enqueue_dma source(%dma_start3A_246 : memref<125xi32, #tpu.memory_space<hbm>>) target(%dma_start3A_243 : memref<125xi32, #tpu.memory_space<vmem>>) target_semaphore(%arg14 : memref<!tpu.dma_semaphore, #tpu.memory_space<semaphore_mem>>)
        %dma_start3A_247 = arith.constant 0 : i32
        %dma_start3A_248 = arith.constant 0 : i32
        %dma_start3A_249 = tpu.memref_slice %arg8[%dma_start3A_247, %dma_start3A_248] : memref<2x125xi32, #tpu.memory_space<vmem>> -> memref<1x125xi32, #tpu.memory_space<vmem>>
        %dma_start3A_250 = tpu.memref_squeeze %dma_start3A_249 : memref<1x125xi32, #tpu.memory_space<vmem>> -> memref<125xi32, #tpu.memory_space<vmem>>
        %dma_start3A_251 = arith.constant 0 : i32
        %dma_start3A_252 = tpu.memref_slice %arg4[%add3A, %add3A_233, %dma_start3A_251] : memref<32x80x125xi32, #tpu.memory_space<hbm>> -> memref<1x1x125xi32, #tpu.memory_space<hbm>>
        %dma_start3A_253 = tpu.memref_squeeze %dma_start3A_252 : memref<1x1x125xi32, #tpu.memory_space<hbm>> -> memref<125xi32, #tpu.memory_space<hbm>>
        %dma_start3A_254 = arith.constant 0 : i32
        %dma_start3A_255 = tpu.memref_slice %arg8[%dma_start3A_247, %dma_start3A_254] : memref<2x125xi32, #tpu.memory_space<vmem>> -> memref<1x125xi32, #tpu.memory_space<vmem>>
        %dma_start3A_256 = tpu.memref_squeeze %dma_start3A_255 : memref<1x125xi32, #tpu.memory_space<vmem>> -> memref<125xi32, #tpu.memory_space<vmem>>
        %dma_start3A_257 = arith.constant 0 : i32
        %dma_start3A_258 = tpu.memref_slice %arg4[%add3A, %add3A_233, %dma_start3A_257] : memref<32x80x125xi32, #tpu.memory_space<hbm>> -> memref<1x1x125xi32, #tpu.memory_space<hbm>>
        %dma_start3A_259 = tpu.memref_squeeze %dma_start3A_258 : memref<1x1x125xi32, #tpu.memory_space<hbm>> -> memref<125xi32, #tpu.memory_space<hbm>>
        tpu.enqueue_dma source(%dma_start3A_259 : memref<125xi32, #tpu.memory_space<hbm>>) target(%dma_start3A_256 : memref<125xi32, #tpu.memory_space<vmem>>) target_semaphore(%arg14 : memref<!tpu.dma_semaphore, #tpu.memory_space<semaphore_mem>>)
      } else {
      }
      %mul3A_204 = arith.constant 2 : i32
      %mul3A_205 = arith.muli %mul3A_204, %scan3A_181 : i32
      %add3A_206 = arith.constant 1 : i32
      %add3A_207 = arith.addi %mul3A_205, %add3A_206 : i32
      %dma_wait3A_208 = arith.constant 1 : i32
      %dma_wait3A_209 = arith.constant 0 : i32
      %dma_wait3A_210 = tpu.memref_slice %arg7[%dma_wait3A_208, %dma_wait3A_209] : memref<2x125xi32, #tpu.memory_space<vmem>> -> memref<1x125xi32, #tpu.memory_space<vmem>>
      %dma_wait3A_211 = tpu.memref_squeeze %dma_wait3A_210 : memref<1x125xi32, #tpu.memory_space<vmem>> -> memref<125xi32, #tpu.memory_space<vmem>>
      %dma_wait3A_212 = arith.constant 0 : i32
      %dma_wait3A_213 = arith.constant 0 : i32
      %dma_wait3A_214 = tpu.memref_slice %arg2[%dma_wait3A_212, %dma_wait3A_213] : memref<10000x128xf32, #tpu.memory_space<hbm>> -> memref<10000x128xf32, #tpu.memory_space<hbm>>
      tpu.wait_indirect_dma semaphore(%arg15 : memref<!tpu.dma_semaphore, #tpu.memory_space<semaphore_mem>>) src(%dma_wait3A_214 : memref<10000x128xf32, #tpu.memory_space<hbm>>) dst(%arg10 : memref<125x128xf32, #tpu.memory_space<vmem>>)
      %add3A_215 = arith.constant 1 : i32
      %add3A_216 = arith.addi %add3A_207, %add3A_215 : i32
      %lt3A_217 = arith.constant 80 : i32
      %lt3A_218 = arith.cmpi slt, %add3A_216, %lt3A_217 : i32
      %convert_element_type3A_219 = arith.extui %lt3A_218 : i1 to i32
      %cond3A_220 = arith.constant 0 : i32
      %cond3A_221 = arith.cmpi ne, %convert_element_type3A_219, %cond3A_220 : i32
      scf.if %cond3A_221 {
        %add3A_232 = arith.constant 1 : i32
        %add3A_233 = arith.addi %add3A_207, %add3A_232 : i32
        %dma_wait3A_234 = arith.constant 0 : i32
        %dma_wait3A_235 = arith.constant 0 : i32
        %dma_wait3A_236 = tpu.memref_slice %arg7[%dma_wait3A_234, %dma_wait3A_235] : memref<2x125xi32, #tpu.memory_space<vmem>> -> memref<1x125xi32, #tpu.memory_space<vmem>>
        %dma_wait3A_237 = tpu.memref_squeeze %dma_wait3A_236 : memref<1x125xi32, #tpu.memory_space<vmem>> -> memref<125xi32, #tpu.memory_space<vmem>>
        %dma_wait3A_238 = arith.constant 0 : i32
        %dma_wait3A_239 = tpu.memref_slice %arg3[%add3A, %add3A_233, %dma_wait3A_238] : memref<32x80x125xi32, #tpu.memory_space<hbm>> -> memref<1x1x125xi32, #tpu.memory_space<hbm>>
        %dma_wait3A_240 = tpu.memref_squeeze %dma_wait3A_239 : memref<1x1x125xi32, #tpu.memory_space<hbm>> -> memref<125xi32, #tpu.memory_space<hbm>>
        %dma_wait3A_241 = arith.constant 0 : i32
        %dma_wait3A_242 = tpu.memref_slice %arg7[%dma_wait3A_234, %dma_wait3A_241] : memref<2x125xi32, #tpu.memory_space<vmem>> -> memref<1x125xi32, #tpu.memory_space<vmem>>
        %dma_wait3A_243 = tpu.memref_squeeze %dma_wait3A_242 : memref<1x125xi32, #tpu.memory_space<vmem>> -> memref<125xi32, #tpu.memory_space<vmem>>
        %dma_wait3A_244 = arith.constant 0 : i32
        %dma_wait3A_245 = tpu.memref_slice %arg3[%add3A, %add3A_233, %dma_wait3A_244] : memref<32x80x125xi32, #tpu.memory_space<hbm>> -> memref<1x1x125xi32, #tpu.memory_space<hbm>>
        %dma_wait3A_246 = tpu.memref_squeeze %dma_wait3A_245 : memref<1x1x125xi32, #tpu.memory_space<hbm>> -> memref<125xi32, #tpu.memory_space<hbm>>
        tpu.wait_dma2 semaphore(%arg14 : memref<!tpu.dma_semaphore, #tpu.memory_space<semaphore_mem>>) src(%dma_wait3A_246 : memref<125xi32, #tpu.memory_space<hbm>>) dst(%dma_wait3A_243 : memref<125xi32, #tpu.memory_space<vmem>>)
        %dma_wait3A_247 = arith.constant 0 : i32
        %dma_wait3A_248 = arith.constant 0 : i32
        %dma_wait3A_249 = tpu.memref_slice %arg8[%dma_wait3A_247, %dma_wait3A_248] : memref<2x125xi32, #tpu.memory_space<vmem>> -> memref<1x125xi32, #tpu.memory_space<vmem>>
        %dma_wait3A_250 = tpu.memref_squeeze %dma_wait3A_249 : memref<1x125xi32, #tpu.memory_space<vmem>> -> memref<125xi32, #tpu.memory_space<vmem>>
        %dma_wait3A_251 = arith.constant 0 : i32
        %dma_wait3A_252 = tpu.memref_slice %arg4[%add3A, %add3A_233, %dma_wait3A_251] : memref<32x80x125xi32, #tpu.memory_space<hbm>> -> memref<1x1x125xi32, #tpu.memory_space<hbm>>
        %dma_wait3A_253 = tpu.memref_squeeze %dma_wait3A_252 : memref<1x1x125xi32, #tpu.memory_space<hbm>> -> memref<125xi32, #tpu.memory_space<hbm>>
        %dma_wait3A_254 = arith.constant 0 : i32
        %dma_wait3A_255 = tpu.memref_slice %arg8[%dma_wait3A_247, %dma_wait3A_254] : memref<2x125xi32, #tpu.memory_space<vmem>> -> memref<1x125xi32, #tpu.memory_space<vmem>>
        %dma_wait3A_256 = tpu.memref_squeeze %dma_wait3A_255 : memref<1x125xi32, #tpu.memory_space<vmem>> -> memref<125xi32, #tpu.memory_space<vmem>>
        %dma_wait3A_257 = arith.constant 0 : i32
        %dma_wait3A_258 = tpu.memref_slice %arg4[%add3A, %add3A_233, %dma_wait3A_257] : memref<32x80x125xi32, #tpu.memory_space<hbm>> -> memref<1x1x125xi32, #tpu.memory_space<hbm>>
        %dma_wait3A_259 = tpu.memref_squeeze %dma_wait3A_258 : memref<1x1x125xi32, #tpu.memory_space<hbm>> -> memref<125xi32, #tpu.memory_space<hbm>>
        tpu.wait_dma2 semaphore(%arg14 : memref<!tpu.dma_semaphore, #tpu.memory_space<semaphore_mem>>) src(%dma_wait3A_259 : memref<125xi32, #tpu.memory_space<hbm>>) dst(%dma_wait3A_256 : memref<125xi32, #tpu.memory_space<vmem>>)
        %dma_start3A_260 = arith.constant 0 : i32
        %dma_start3A_261 = arith.constant 0 : i32
        %dma_start3A_262 = tpu.memref_slice %arg7[%dma_start3A_260, %dma_start3A_261] : memref<2x125xi32, #tpu.memory_space<vmem>> -> memref<1x125xi32, #tpu.memory_space<vmem>>
        %dma_start3A_263 = tpu.memref_squeeze %dma_start3A_262 : memref<1x125xi32, #tpu.memory_space<vmem>> -> memref<125xi32, #tpu.memory_space<vmem>>
        %dma_start3A_264 = arith.constant 0 : i32
        %dma_start3A_265 = arith.constant 0 : i32
        %dma_start3A_266 = tpu.memref_slice %arg2[%dma_start3A_264, %dma_start3A_265] : memref<10000x128xf32, #tpu.memory_space<hbm>> -> memref<10000x128xf32, #tpu.memory_space<hbm>>
        tpu.enqueue_indirect_dma source(%dma_start3A_266 : memref<10000x128xf32, #tpu.memory_space<hbm>>) target(%arg9 : memref<125x128xf32, #tpu.memory_space<vmem>>) offsets(%dma_start3A_263 : memref<125xi32, #tpu.memory_space<vmem>>) semaphore(%arg15 : memref<!tpu.dma_semaphore, #tpu.memory_space<semaphore_mem>>)
      } else {
      }
      %run_scoped3A_222 = arith.constant 1 : i32
      "tpu.region"() ({
        %run_scoped3A_232 = tpu.sem_alloc : memref<!tpu.dma_semaphore, #tpu.memory_space<semaphore_mem>>
        %dma_start3A_233 = arith.constant 0 : i32
        %dma_start3A_234 = tpu.memref_slice %arg8[%run_scoped3A_222, %dma_start3A_233] : memref<2x125xi32, #tpu.memory_space<vmem>> -> memref<1x125xi32, #tpu.memory_space<vmem>>
        %dma_start3A_235 = tpu.memref_squeeze %dma_start3A_234 : memref<1x125xi32, #tpu.memory_space<vmem>> -> memref<125xi32, #tpu.memory_space<vmem>>
        %dma_start3A_236 = arith.constant 0 : i32
        %dma_start3A_237 = arith.constant 0 : i32
        %dma_start3A_238 = tpu.memref_slice %arg12[%dma_start3A_236, %dma_start3A_237] : memref<10000x128xf32, #tpu.memory_space<vmem_shared>> -> memref<10000x128xf32, #tpu.memory_space<vmem_shared>>
        tpu.enqueue_indirect_dma source(%arg10 : memref<125x128xf32, #tpu.memory_space<vmem>>) target(%dma_start3A_238 : memref<10000x128xf32, #tpu.memory_space<vmem_shared>>) offsets(%dma_start3A_235 : memref<125xi32, #tpu.memory_space<vmem>>) semaphore(%run_scoped3A_232 : memref<!tpu.dma_semaphore, #tpu.memory_space<semaphore_mem>>) {add = true}
        %dma_wait3A_239 = arith.constant 0 : i32
        %dma_wait3A_240 = tpu.memref_slice %arg8[%run_scoped3A_222, %dma_wait3A_239] : memref<2x125xi32, #tpu.memory_space<vmem>> -> memref<1x125xi32, #tpu.memory_space<vmem>>
        %dma_wait3A_241 = tpu.memref_squeeze %dma_wait3A_240 : memref<1x125xi32, #tpu.memory_space<vmem>> -> memref<125xi32, #tpu.memory_space<vmem>>
        %dma_wait3A_242 = arith.constant 0 : i32
        %dma_wait3A_243 = arith.constant 0 : i32
        %dma_wait3A_244 = tpu.memref_slice %arg12[%dma_wait3A_242, %dma_wait3A_243] : memref<10000x128xf32, #tpu.memory_space<vmem_shared>> -> memref<10000x128xf32, #tpu.memory_space<vmem_shared>>
        tpu.wait_indirect_dma semaphore(%run_scoped3A_232 : memref<!tpu.dma_semaphore, #tpu.memory_space<semaphore_mem>>) src(%arg10 : memref<125x128xf32, #tpu.memory_space<vmem>>) dst(%dma_wait3A_244 : memref<10000x128xf32, #tpu.memory_space<vmem_shared>>)
        tpu.yield
      }) : () -> ()
      %run_scoped3A_223 = arith.constant 1 : i32
      "tpu.region"() ({
        %run_scoped3A_232 = tpu.sem_alloc : memref<!tpu.dma_semaphore, #tpu.memory_space<semaphore_mem>>
        %dma_start3A_233 = arith.constant 0 : i32
        %dma_start3A_234 = tpu.memref_slice %arg8[%run_scoped3A_223, %dma_start3A_233] : memref<2x125xi32, #tpu.memory_space<vmem>> -> memref<1x125xi32, #tpu.memory_space<vmem>>
        %dma_start3A_235 = tpu.memref_squeeze %dma_start3A_234 : memref<1x125xi32, #tpu.memory_space<vmem>> -> memref<125xi32, #tpu.memory_space<vmem>>
        %dma_start3A_236 = arith.constant 0 : i32
        %dma_start3A_237 = arith.constant 0 : i32
        %dma_start3A_238 = tpu.memref_slice %arg13[%dma_start3A_236, %dma_start3A_237] : memref<10000x16xf32, #tpu.memory_space<vmem_shared>> -> memref<10000x16xf32, #tpu.memory_space<vmem_shared>>
        tpu.enqueue_indirect_dma source(%arg11 : memref<125x16xf32, #tpu.memory_space<vmem>>) target(%dma_start3A_238 : memref<10000x16xf32, #tpu.memory_space<vmem_shared>>) offsets(%dma_start3A_235 : memref<125xi32, #tpu.memory_space<vmem>>) semaphore(%run_scoped3A_232 : memref<!tpu.dma_semaphore, #tpu.memory_space<semaphore_mem>>) {add = true}
        %dma_wait3A_239 = arith.constant 0 : i32
        %dma_wait3A_240 = tpu.memref_slice %arg8[%run_scoped3A_223, %dma_wait3A_239] : memref<2x125xi32, #tpu.memory_space<vmem>> -> memref<1x125xi32, #tpu.memory_space<vmem>>
        %dma_wait3A_241 = tpu.memref_squeeze %dma_wait3A_240 : memref<1x125xi32, #tpu.memory_space<vmem>> -> memref<125xi32, #tpu.memory_space<vmem>>
        %dma_wait3A_242 = arith.constant 0 : i32
        %dma_wait3A_243 = arith.constant 0 : i32
        %dma_wait3A_244 = tpu.memref_slice %arg13[%dma_wait3A_242, %dma_wait3A_243] : memref<10000x16xf32, #tpu.memory_space<vmem_shared>> -> memref<10000x16xf32, #tpu.memory_space<vmem_shared>>
        tpu.wait_indirect_dma semaphore(%run_scoped3A_232 : memref<!tpu.dma_semaphore, #tpu.memory_space<semaphore_mem>>) src(%arg11 : memref<125x16xf32, #tpu.memory_space<vmem>>) dst(%dma_wait3A_244 : memref<10000x16xf32, #tpu.memory_space<vmem_shared>>)
        tpu.yield
      }) : () -> ()
      %add3A_224 = arith.constant 2 : i32
      %add3A_225 = arith.addi %add3A_207, %add3A_224 : i32
      %lt3A_226 = arith.constant 80 : i32
      %lt3A_227 = arith.cmpi slt, %add3A_225, %lt3A_226 : i32
      %convert_element_type3A_228 = arith.extui %lt3A_227 : i1 to i32
      %cond3A_229 = arith.constant 0 : i32
      %cond3A_230 = arith.cmpi ne, %convert_element_type3A_228, %cond3A_229 : i32
      scf.if %cond3A_230 {
        %add3A_232 = arith.constant 2 : i32
        %add3A_233 = arith.addi %add3A_207, %add3A_232 : i32
        %dma_start3A_234 = arith.constant 1 : i32
        %dma_start3A_235 = arith.constant 0 : i32
        %dma_start3A_236 = tpu.memref_slice %arg7[%dma_start3A_234, %dma_start3A_235] : memref<2x125xi32, #tpu.memory_space<vmem>> -> memref<1x125xi32, #tpu.memory_space<vmem>>
        %dma_start3A_237 = tpu.memref_squeeze %dma_start3A_236 : memref<1x125xi32, #tpu.memory_space<vmem>> -> memref<125xi32, #tpu.memory_space<vmem>>
        %dma_start3A_238 = arith.constant 0 : i32
        %dma_start3A_239 = tpu.memref_slice %arg3[%add3A, %add3A_233, %dma_start3A_238] : memref<32x80x125xi32, #tpu.memory_space<hbm>> -> memref<1x1x125xi32, #tpu.memory_space<hbm>>
        %dma_start3A_240 = tpu.memref_squeeze %dma_start3A_239 : memref<1x1x125xi32, #tpu.memory_space<hbm>> -> memref<125xi32, #tpu.memory_space<hbm>>
        %dma_start3A_241 = arith.constant 0 : i32
        %dma_start3A_242 = tpu.memref_slice %arg7[%dma_start3A_234, %dma_start3A_241] : memref<2x125xi32, #tpu.memory_space<vmem>> -> memref<1x125xi32, #tpu.memory_space<vmem>>
        %dma_start3A_243 = tpu.memref_squeeze %dma_start3A_242 : memref<1x125xi32, #tpu.memory_space<vmem>> -> memref<125xi32, #tpu.memory_space<vmem>>
        %dma_start3A_244 = arith.constant 0 : i32
        %dma_start3A_245 = tpu.memref_slice %arg3[%add3A, %add3A_233, %dma_start3A_244] : memref<32x80x125xi32, #tpu.memory_space<hbm>> -> memref<1x1x125xi32, #tpu.memory_space<hbm>>
        %dma_start3A_246 = tpu.memref_squeeze %dma_start3A_245 : memref<1x1x125xi32, #tpu.memory_space<hbm>> -> memref<125xi32, #tpu.memory_space<hbm>>
        tpu.enqueue_dma source(%dma_start3A_246 : memref<125xi32, #tpu.memory_space<hbm>>) target(%dma_start3A_243 : memref<125xi32, #tpu.memory_space<vmem>>) target_semaphore(%arg14 : memref<!tpu.dma_semaphore, #tpu.memory_space<semaphore_mem>>)
        %dma_start3A_247 = arith.constant 1 : i32
        %dma_start3A_248 = arith.constant 0 : i32
        %dma_start3A_249 = tpu.memref_slice %arg8[%dma_start3A_247, %dma_start3A_248] : memref<2x125xi32, #tpu.memory_space<vmem>> -> memref<1x125xi32, #tpu.memory_space<vmem>>
        %dma_start3A_250 = tpu.memref_squeeze %dma_start3A_249 : memref<1x125xi32, #tpu.memory_space<vmem>> -> memref<125xi32, #tpu.memory_space<vmem>>
        %dma_start3A_251 = arith.constant 0 : i32
        %dma_start3A_252 = tpu.memref_slice %arg4[%add3A, %add3A_233, %dma_start3A_251] : memref<32x80x125xi32, #tpu.memory_space<hbm>> -> memref<1x1x125xi32, #tpu.memory_space<hbm>>
        %dma_start3A_253 = tpu.memref_squeeze %dma_start3A_252 : memref<1x1x125xi32, #tpu.memory_space<hbm>> -> memref<125xi32, #tpu.memory_space<hbm>>
        %dma_start3A_254 = arith.constant 0 : i32
        %dma_start3A_255 = tpu.memref_slice %arg8[%dma_start3A_247, %dma_start3A_254] : memref<2x125xi32, #tpu.memory_space<vmem>> -> memref<1x125xi32, #tpu.memory_space<vmem>>
        %dma_start3A_256 = tpu.memref_squeeze %dma_start3A_255 : memref<1x125xi32, #tpu.memory_space<vmem>> -> memref<125xi32, #tpu.memory_space<vmem>>
        %dma_start3A_257 = arith.constant 0 : i32
        %dma_start3A_258 = tpu.memref_slice %arg4[%add3A, %add3A_233, %dma_start3A_257] : memref<32x80x125xi32, #tpu.memory_space<hbm>> -> memref<1x1x125xi32, #tpu.memory_space<hbm>>
        %dma_start3A_259 = tpu.memref_squeeze %dma_start3A_258 : memref<1x1x125xi32, #tpu.memory_space<hbm>> -> memref<125xi32, #tpu.memory_space<hbm>>
        tpu.enqueue_dma source(%dma_start3A_259 : memref<125xi32, #tpu.memory_space<hbm>>) target(%dma_start3A_256 : memref<125xi32, #tpu.memory_space<vmem>>) target_semaphore(%arg14 : memref<!tpu.dma_semaphore, #tpu.memory_space<semaphore_mem>>)
      } else {
      }
      %scan3A_231 = arith.constant 0 : i32
      scf.yield %scan3A_231 : i32
    }
    %scan3A_159 = arith.constant 40 : i32
    %barrier3A_160 = arith.constant 0 : index
    tpu.barrier barrier_id(%barrier3A_160)
    %mul3A_161 = arith.constant 625 : i32
    %mul3A_162 = arith.muli %arg1, %mul3A_161 : i32
    %add3A_163 = arith.constant 0 : i32
    %add3A_164 = arith.addi %mul3A_162, %add3A_163 : i32
    "tpu.region"() ({
      %run_scoped3A = tpu.sem_alloc : memref<!tpu.dma_semaphore, #tpu.memory_space<semaphore_mem>>
      %dma_start3A_181 = arith.constant 0 : i32
      %dma_start3A_182 = tpu.memref_slice %arg5[%arg0, %add3A_164, %dma_start3A_181] : memref<2x10000x128xf32, #tpu.memory_space<hbm>> -> memref<1x125x128xf32, #tpu.memory_space<hbm>>
      %dma_start3A_183 = tpu.memref_squeeze %dma_start3A_182 : memref<1x125x128xf32, #tpu.memory_space<hbm>> -> memref<125x128xf32, #tpu.memory_space<hbm>>
      %dma_start3A_184 = arith.constant 0 : i32
      %dma_start3A_185 = tpu.memref_slice %arg12[%add3A_164, %dma_start3A_184] : memref<10000x128xf32, #tpu.memory_space<vmem_shared>> -> memref<125x128xf32, #tpu.memory_space<vmem_shared>>
      tpu.enqueue_dma source(%dma_start3A_185 : memref<125x128xf32, #tpu.memory_space<vmem_shared>>) target(%dma_start3A_183 : memref<125x128xf32, #tpu.memory_space<hbm>>) target_semaphore(%run_scoped3A : memref<!tpu.dma_semaphore, #tpu.memory_space<semaphore_mem>>)
      %dma_wait3A_186 = arith.constant 0 : i32
      %dma_wait3A_187 = tpu.memref_slice %arg5[%arg0, %add3A_164, %dma_wait3A_186] : memref<2x10000x128xf32, #tpu.memory_space<hbm>> -> memref<1x125x128xf32, #tpu.memory_space<hbm>>
      %dma_wait3A_188 = tpu.memref_squeeze %dma_wait3A_187 : memref<1x125x128xf32, #tpu.memory_space<hbm>> -> memref<125x128xf32, #tpu.memory_space<hbm>>
      %dma_wait3A_189 = arith.constant 0 : i32
      %dma_wait3A_190 = tpu.memref_slice %arg12[%add3A_164, %dma_wait3A_189] : memref<10000x128xf32, #tpu.memory_space<vmem_shared>> -> memref<125x128xf32, #tpu.memory_space<vmem_shared>>
      tpu.wait_dma2 semaphore(%run_scoped3A : memref<!tpu.dma_semaphore, #tpu.memory_space<semaphore_mem>>) src(%dma_wait3A_190 : memref<125x128xf32, #tpu.memory_space<vmem_shared>>) dst(%dma_wait3A_188 : memref<125x128xf32, #tpu.memory_space<hbm>>)
      tpu.yield
    }) : () -> ()
    "tpu.region"() ({
      %run_scoped3A = tpu.sem_alloc : memref<!tpu.dma_semaphore, #tpu.memory_space<semaphore_mem>>
      %dma_start3A_181 = arith.constant 0 : i32
      %dma_start3A_182 = tpu.memref_slice %arg6[%arg0, %add3A_164, %dma_start3A_181] : memref<2x10000x16xf32, #tpu.memory_space<hbm>> -> memref<1x125x16xf32, #tpu.memory_space<hbm>>
      %dma_start3A_183 = tpu.memref_squeeze %dma_start3A_182 : memref<1x125x16xf32, #tpu.memory_space<hbm>> -> memref<125x16xf32, #tpu.memory_space<hbm>>
      %dma_start3A_184 = arith.constant 0 : i32
      %dma_start3A_185 = tpu.memref_slice %arg13[%add3A_164, %dma_start3A_184] : memref<10000x16xf32, #tpu.memory_space<vmem_shared>> -> memref<125x16xf32, #tpu.memory_space<vmem_shared>>
      tpu.enqueue_dma source(%dma_start3A_185 : memref<125x16xf32, #tpu.memory_space<vmem_shared>>) target(%dma_start3A_183 : memref<125x16xf32, #tpu.memory_space<hbm>>) target_semaphore(%run_scoped3A : memref<!tpu.dma_semaphore, #tpu.memory_space<semaphore_mem>>)
      %dma_wait3A_186 = arith.constant 0 : i32
      %dma_wait3A_187 = tpu.memref_slice %arg6[%arg0, %add3A_164, %dma_wait3A_186] : memref<2x10000x16xf32, #tpu.memory_space<hbm>> -> memref<1x125x16xf32, #tpu.memory_space<hbm>>
      %dma_wait3A_188 = tpu.memref_squeeze %dma_wait3A_187 : memref<1x125x16xf32, #tpu.memory_space<hbm>> -> memref<125x16xf32, #tpu.memory_space<hbm>>
      %dma_wait3A_189 = arith.constant 0 : i32
      %dma_wait3A_190 = tpu.memref_slice %arg13[%add3A_164, %dma_wait3A_189] : memref<10000x16xf32, #tpu.memory_space<vmem_shared>> -> memref<125x16xf32, #tpu.memory_space<vmem_shared>>
      tpu.wait_dma2 semaphore(%run_scoped3A : memref<!tpu.dma_semaphore, #tpu.memory_space<semaphore_mem>>) src(%dma_wait3A_190 : memref<125x16xf32, #tpu.memory_space<vmem_shared>>) dst(%dma_wait3A_188 : memref<125x16xf32, #tpu.memory_space<hbm>>)
      tpu.yield
    }) : () -> ()
    %mul3A_165 = arith.constant 625 : i32
    %mul3A_166 = arith.muli %arg1, %mul3A_165 : i32
    %add3A_167 = arith.constant 125 : i32
    %add3A_168 = arith.addi %mul3A_166, %add3A_167 : i32
    "tpu.region"() ({
      %run_scoped3A = tpu.sem_alloc : memref<!tpu.dma_semaphore, #tpu.memory_space<semaphore_mem>>
      %dma_start3A_181 = arith.constant 0 : i32
      %dma_start3A_182 = tpu.memref_slice %arg5[%arg0, %add3A_168, %dma_start3A_181] : memref<2x10000x128xf32, #tpu.memory_space<hbm>> -> memref<1x125x128xf32, #tpu.memory_space<hbm>>
      %dma_start3A_183 = tpu.memref_squeeze %dma_start3A_182 : memref<1x125x128xf32, #tpu.memory_space<hbm>> -> memref<125x128xf32, #tpu.memory_space<hbm>>
      %dma_start3A_184 = arith.constant 0 : i32
      %dma_start3A_185 = tpu.memref_slice %arg12[%add3A_168, %dma_start3A_184] : memref<10000x128xf32, #tpu.memory_space<vmem_shared>> -> memref<125x128xf32, #tpu.memory_space<vmem_shared>>
      tpu.enqueue_dma source(%dma_start3A_185 : memref<125x128xf32, #tpu.memory_space<vmem_shared>>) target(%dma_start3A_183 : memref<125x128xf32, #tpu.memory_space<hbm>>) target_semaphore(%run_scoped3A : memref<!tpu.dma_semaphore, #tpu.memory_space<semaphore_mem>>)
      %dma_wait3A_186 = arith.constant 0 : i32
      %dma_wait3A_187 = tpu.memref_slice %arg5[%arg0, %add3A_168, %dma_wait3A_186] : memref<2x10000x128xf32, #tpu.memory_space<hbm>> -> memref<1x125x128xf32, #tpu.memory_space<hbm>>
      %dma_wait3A_188 = tpu.memref_squeeze %dma_wait3A_187 : memref<1x125x128xf32, #tpu.memory_space<hbm>> -> memref<125x128xf32, #tpu.memory_space<hbm>>
      %dma_wait3A_189 = arith.constant 0 : i32
      %dma_wait3A_190 = tpu.memref_slice %arg12[%add3A_168, %dma_wait3A_189] : memref<10000x128xf32, #tpu.memory_space<vmem_shared>> -> memref<125x128xf32, #tpu.memory_space<vmem_shared>>
      tpu.wait_dma2 semaphore(%run_scoped3A : memref<!tpu.dma_semaphore, #tpu.memory_space<semaphore_mem>>) src(%dma_wait3A_190 : memref<125x128xf32, #tpu.memory_space<vmem_shared>>) dst(%dma_wait3A_188 : memref<125x128xf32, #tpu.memory_space<hbm>>)
      tpu.yield
    }) : () -> ()
    "tpu.region"() ({
      %run_scoped3A = tpu.sem_alloc : memref<!tpu.dma_semaphore, #tpu.memory_space<semaphore_mem>>
      %dma_start3A_181 = arith.constant 0 : i32
      %dma_start3A_182 = tpu.memref_slice %arg6[%arg0, %add3A_168, %dma_start3A_181] : memref<2x10000x16xf32, #tpu.memory_space<hbm>> -> memref<1x125x16xf32, #tpu.memory_space<hbm>>
      %dma_start3A_183 = tpu.memref_squeeze %dma_start3A_182 : memref<1x125x16xf32, #tpu.memory_space<hbm>> -> memref<125x16xf32, #tpu.memory_space<hbm>>
      %dma_start3A_184 = arith.constant 0 : i32
      %dma_start3A_185 = tpu.memref_slice %arg13[%add3A_168, %dma_start3A_184] : memref<10000x16xf32, #tpu.memory_space<vmem_shared>> -> memref<125x16xf32, #tpu.memory_space<vmem_shared>>
      tpu.enqueue_dma source(%dma_start3A_185 : memref<125x16xf32, #tpu.memory_space<vmem_shared>>) target(%dma_start3A_183 : memref<125x16xf32, #tpu.memory_space<hbm>>) target_semaphore(%run_scoped3A : memref<!tpu.dma_semaphore, #tpu.memory_space<semaphore_mem>>)
      %dma_wait3A_186 = arith.constant 0 : i32
      %dma_wait3A_187 = tpu.memref_slice %arg6[%arg0, %add3A_168, %dma_wait3A_186] : memref<2x10000x16xf32, #tpu.memory_space<hbm>> -> memref<1x125x16xf32, #tpu.memory_space<hbm>>
      %dma_wait3A_188 = tpu.memref_squeeze %dma_wait3A_187 : memref<1x125x16xf32, #tpu.memory_space<hbm>> -> memref<125x16xf32, #tpu.memory_space<hbm>>
      %dma_wait3A_189 = arith.constant 0 : i32
      %dma_wait3A_190 = tpu.memref_slice %arg13[%add3A_168, %dma_wait3A_189] : memref<10000x16xf32, #tpu.memory_space<vmem_shared>> -> memref<125x16xf32, #tpu.memory_space<vmem_shared>>
      tpu.wait_dma2 semaphore(%run_scoped3A : memref<!tpu.dma_semaphore, #tpu.memory_space<semaphore_mem>>) src(%dma_wait3A_190 : memref<125x16xf32, #tpu.memory_space<vmem_shared>>) dst(%dma_wait3A_188 : memref<125x16xf32, #tpu.memory_space<hbm>>)
      tpu.yield
    }) : () -> ()
    %mul3A_169 = arith.constant 625 : i32
    %mul3A_170 = arith.muli %arg1, %mul3A_169 : i32
    %add3A_171 = arith.constant 250 : i32
    %add3A_172 = arith.addi %mul3A_170, %add3A_171 : i32
    "tpu.region"() ({
      %run_scoped3A = tpu.sem_alloc : memref<!tpu.dma_semaphore, #tpu.memory_space<semaphore_mem>>
      %dma_start3A_181 = arith.constant 0 : i32
      %dma_start3A_182 = tpu.memref_slice %arg5[%arg0, %add3A_172, %dma_start3A_181] : memref<2x10000x128xf32, #tpu.memory_space<hbm>> -> memref<1x125x128xf32, #tpu.memory_space<hbm>>
      %dma_start3A_183 = tpu.memref_squeeze %dma_start3A_182 : memref<1x125x128xf32, #tpu.memory_space<hbm>> -> memref<125x128xf32, #tpu.memory_space<hbm>>
      %dma_start3A_184 = arith.constant 0 : i32
      %dma_start3A_185 = tpu.memref_slice %arg12[%add3A_172, %dma_start3A_184] : memref<10000x128xf32, #tpu.memory_space<vmem_shared>> -> memref<125x128xf32, #tpu.memory_space<vmem_shared>>
      tpu.enqueue_dma source(%dma_start3A_185 : memref<125x128xf32, #tpu.memory_space<vmem_shared>>) target(%dma_start3A_183 : memref<125x128xf32, #tpu.memory_space<hbm>>) target_semaphore(%run_scoped3A : memref<!tpu.dma_semaphore, #tpu.memory_space<semaphore_mem>>)
      %dma_wait3A_186 = arith.constant 0 : i32
      %dma_wait3A_187 = tpu.memref_slice %arg5[%arg0, %add3A_172, %dma_wait3A_186] : memref<2x10000x128xf32, #tpu.memory_space<hbm>> -> memref<1x125x128xf32, #tpu.memory_space<hbm>>
      %dma_wait3A_188 = tpu.memref_squeeze %dma_wait3A_187 : memref<1x125x128xf32, #tpu.memory_space<hbm>> -> memref<125x128xf32, #tpu.memory_space<hbm>>
      %dma_wait3A_189 = arith.constant 0 : i32
      %dma_wait3A_190 = tpu.memref_slice %arg12[%add3A_172, %dma_wait3A_189] : memref<10000x128xf32, #tpu.memory_space<vmem_shared>> -> memref<125x128xf32, #tpu.memory_space<vmem_shared>>
      tpu.wait_dma2 semaphore(%run_scoped3A : memref<!tpu.dma_semaphore, #tpu.memory_space<semaphore_mem>>) src(%dma_wait3A_190 : memref<125x128xf32, #tpu.memory_space<vmem_shared>>) dst(%dma_wait3A_188 : memref<125x128xf32, #tpu.memory_space<hbm>>)
      tpu.yield
    }) : () -> ()
    "tpu.region"() ({
      %run_scoped3A = tpu.sem_alloc : memref<!tpu.dma_semaphore, #tpu.memory_space<semaphore_mem>>
      %dma_start3A_181 = arith.constant 0 : i32
      %dma_start3A_182 = tpu.memref_slice %arg6[%arg0, %add3A_172, %dma_start3A_181] : memref<2x10000x16xf32, #tpu.memory_space<hbm>> -> memref<1x125x16xf32, #tpu.memory_space<hbm>>
      %dma_start3A_183 = tpu.memref_squeeze %dma_start3A_182 : memref<1x125x16xf32, #tpu.memory_space<hbm>> -> memref<125x16xf32, #tpu.memory_space<hbm>>
      %dma_start3A_184 = arith.constant 0 : i32
      %dma_start3A_185 = tpu.memref_slice %arg13[%add3A_172, %dma_start3A_184] : memref<10000x16xf32, #tpu.memory_space<vmem_shared>> -> memref<125x16xf32, #tpu.memory_space<vmem_shared>>
      tpu.enqueue_dma source(%dma_start3A_185 : memref<125x16xf32, #tpu.memory_space<vmem_shared>>) target(%dma_start3A_183 : memref<125x16xf32, #tpu.memory_space<hbm>>) target_semaphore(%run_scoped3A : memref<!tpu.dma_semaphore, #tpu.memory_space<semaphore_mem>>)
      %dma_wait3A_186 = arith.constant 0 : i32
      %dma_wait3A_187 = tpu.memref_slice %arg6[%arg0, %add3A_172, %dma_wait3A_186] : memref<2x10000x16xf32, #tpu.memory_space<hbm>> -> memref<1x125x16xf32, #tpu.memory_space<hbm>>
      %dma_wait3A_188 = tpu.memref_squeeze %dma_wait3A_187 : memref<1x125x16xf32, #tpu.memory_space<hbm>> -> memref<125x16xf32, #tpu.memory_space<hbm>>
      %dma_wait3A_189 = arith.constant 0 : i32
      %dma_wait3A_190 = tpu.memref_slice %arg13[%add3A_172, %dma_wait3A_189] : memref<10000x16xf32, #tpu.memory_space<vmem_shared>> -> memref<125x16xf32, #tpu.memory_space<vmem_shared>>
      tpu.wait_dma2 semaphore(%run_scoped3A : memref<!tpu.dma_semaphore, #tpu.memory_space<semaphore_mem>>) src(%dma_wait3A_190 : memref<125x16xf32, #tpu.memory_space<vmem_shared>>) dst(%dma_wait3A_188 : memref<125x16xf32, #tpu.memory_space<hbm>>)
      tpu.yield
    }) : () -> ()
    %mul3A_173 = arith.constant 625 : i32
    %mul3A_174 = arith.muli %arg1, %mul3A_173 : i32
    %add3A_175 = arith.constant 375 : i32
    %add3A_176 = arith.addi %mul3A_174, %add3A_175 : i32
    "tpu.region"() ({
      %run_scoped3A = tpu.sem_alloc : memref<!tpu.dma_semaphore, #tpu.memory_space<semaphore_mem>>
      %dma_start3A_181 = arith.constant 0 : i32
      %dma_start3A_182 = tpu.memref_slice %arg5[%arg0, %add3A_176, %dma_start3A_181] : memref<2x10000x128xf32, #tpu.memory_space<hbm>> -> memref<1x125x128xf32, #tpu.memory_space<hbm>>
      %dma_start3A_183 = tpu.memref_squeeze %dma_start3A_182 : memref<1x125x128xf32, #tpu.memory_space<hbm>> -> memref<125x128xf32, #tpu.memory_space<hbm>>
      %dma_start3A_184 = arith.constant 0 : i32
      %dma_start3A_185 = tpu.memref_slice %arg12[%add3A_176, %dma_start3A_184] : memref<10000x128xf32, #tpu.memory_space<vmem_shared>> -> memref<125x128xf32, #tpu.memory_space<vmem_shared>>
      tpu.enqueue_dma source(%dma_start3A_185 : memref<125x128xf32, #tpu.memory_space<vmem_shared>>) target(%dma_start3A_183 : memref<125x128xf32, #tpu.memory_space<hbm>>) target_semaphore(%run_scoped3A : memref<!tpu.dma_semaphore, #tpu.memory_space<semaphore_mem>>)
      %dma_wait3A_186 = arith.constant 0 : i32
      %dma_wait3A_187 = tpu.memref_slice %arg5[%arg0, %add3A_176, %dma_wait3A_186] : memref<2x10000x128xf32, #tpu.memory_space<hbm>> -> memref<1x125x128xf32, #tpu.memory_space<hbm>>
      %dma_wait3A_188 = tpu.memref_squeeze %dma_wait3A_187 : memref<1x125x128xf32, #tpu.memory_space<hbm>> -> memref<125x128xf32, #tpu.memory_space<hbm>>
      %dma_wait3A_189 = arith.constant 0 : i32
      %dma_wait3A_190 = tpu.memref_slice %arg12[%add3A_176, %dma_wait3A_189] : memref<10000x128xf32, #tpu.memory_space<vmem_shared>> -> memref<125x128xf32, #tpu.memory_space<vmem_shared>>
      tpu.wait_dma2 semaphore(%run_scoped3A : memref<!tpu.dma_semaphore, #tpu.memory_space<semaphore_mem>>) src(%dma_wait3A_190 : memref<125x128xf32, #tpu.memory_space<vmem_shared>>) dst(%dma_wait3A_188 : memref<125x128xf32, #tpu.memory_space<hbm>>)
      tpu.yield
    }) : () -> ()
    "tpu.region"() ({
      %run_scoped3A = tpu.sem_alloc : memref<!tpu.dma_semaphore, #tpu.memory_space<semaphore_mem>>
      %dma_start3A_181 = arith.constant 0 : i32
      %dma_start3A_182 = tpu.memref_slice %arg6[%arg0, %add3A_176, %dma_start3A_181] : memref<2x10000x16xf32, #tpu.memory_space<hbm>> -> memref<1x125x16xf32, #tpu.memory_space<hbm>>
      %dma_start3A_183 = tpu.memref_squeeze %dma_start3A_182 : memref<1x125x16xf32, #tpu.memory_space<hbm>> -> memref<125x16xf32, #tpu.memory_space<hbm>>
      %dma_start3A_184 = arith.constant 0 : i32
      %dma_start3A_185 = tpu.memref_slice %arg13[%add3A_176, %dma_start3A_184] : memref<10000x16xf32, #tpu.memory_space<vmem_shared>> -> memref<125x16xf32, #tpu.memory_space<vmem_shared>>
      tpu.enqueue_dma source(%dma_start3A_185 : memref<125x16xf32, #tpu.memory_space<vmem_shared>>) target(%dma_start3A_183 : memref<125x16xf32, #tpu.memory_space<hbm>>) target_semaphore(%run_scoped3A : memref<!tpu.dma_semaphore, #tpu.memory_space<semaphore_mem>>)
      %dma_wait3A_186 = arith.constant 0 : i32
      %dma_wait3A_187 = tpu.memref_slice %arg6[%arg0, %add3A_176, %dma_wait3A_186] : memref<2x10000x16xf32, #tpu.memory_space<hbm>> -> memref<1x125x16xf32, #tpu.memory_space<hbm>>
      %dma_wait3A_188 = tpu.memref_squeeze %dma_wait3A_187 : memref<1x125x16xf32, #tpu.memory_space<hbm>> -> memref<125x16xf32, #tpu.memory_space<hbm>>
      %dma_wait3A_189 = arith.constant 0 : i32
      %dma_wait3A_190 = tpu.memref_slice %arg13[%add3A_176, %dma_wait3A_189] : memref<10000x16xf32, #tpu.memory_space<vmem_shared>> -> memref<125x16xf32, #tpu.memory_space<vmem_shared>>
      tpu.wait_dma2 semaphore(%run_scoped3A : memref<!tpu.dma_semaphore, #tpu.memory_space<semaphore_mem>>) src(%dma_wait3A_190 : memref<125x16xf32, #tpu.memory_space<vmem_shared>>) dst(%dma_wait3A_188 : memref<125x16xf32, #tpu.memory_space<hbm>>)
      tpu.yield
    }) : () -> ()
    %mul3A_177 = arith.constant 625 : i32
    %mul3A_178 = arith.muli %arg1, %mul3A_177 : i32
    %add3A_179 = arith.constant 500 : i32
    %add3A_180 = arith.addi %mul3A_178, %add3A_179 : i32
    "tpu.region"() ({
      %run_scoped3A = tpu.sem_alloc : memref<!tpu.dma_semaphore, #tpu.memory_space<semaphore_mem>>
      %dma_start3A_181 = arith.constant 0 : i32
      %dma_start3A_182 = tpu.memref_slice %arg5[%arg0, %add3A_180, %dma_start3A_181] : memref<2x10000x128xf32, #tpu.memory_space<hbm>> -> memref<1x125x128xf32, #tpu.memory_space<hbm>>
      %dma_start3A_183 = tpu.memref_squeeze %dma_start3A_182 : memref<1x125x128xf32, #tpu.memory_space<hbm>> -> memref<125x128xf32, #tpu.memory_space<hbm>>
      %dma_start3A_184 = arith.constant 0 : i32
      %dma_start3A_185 = tpu.memref_slice %arg12[%add3A_180, %dma_start3A_184] : memref<10000x128xf32, #tpu.memory_space<vmem_shared>> -> memref<125x128xf32, #tpu.memory_space<vmem_shared>>
      tpu.enqueue_dma source(%dma_start3A_185 : memref<125x128xf32, #tpu.memory_space<vmem_shared>>) target(%dma_start3A_183 : memref<125x128xf32, #tpu.memory_space<hbm>>) target_semaphore(%run_scoped3A : memref<!tpu.dma_semaphore, #tpu.memory_space<semaphore_mem>>)
      %dma_wait3A_186 = arith.constant 0 : i32
      %dma_wait3A_187 = tpu.memref_slice %arg5[%arg0, %add3A_180, %dma_wait3A_186] : memref<2x10000x128xf32, #tpu.memory_space<hbm>> -> memref<1x125x128xf32, #tpu.memory_space<hbm>>
      %dma_wait3A_188 = tpu.memref_squeeze %dma_wait3A_187 : memref<1x125x128xf32, #tpu.memory_space<hbm>> -> memref<125x128xf32, #tpu.memory_space<hbm>>
      %dma_wait3A_189 = arith.constant 0 : i32
      %dma_wait3A_190 = tpu.memref_slice %arg12[%add3A_180, %dma_wait3A_189] : memref<10000x128xf32, #tpu.memory_space<vmem_shared>> -> memref<125x128xf32, #tpu.memory_space<vmem_shared>>
      tpu.wait_dma2 semaphore(%run_scoped3A : memref<!tpu.dma_semaphore, #tpu.memory_space<semaphore_mem>>) src(%dma_wait3A_190 : memref<125x128xf32, #tpu.memory_space<vmem_shared>>) dst(%dma_wait3A_188 : memref<125x128xf32, #tpu.memory_space<hbm>>)
      tpu.yield
    }) : () -> ()
    "tpu.region"() ({
      %run_scoped3A = tpu.sem_alloc : memref<!tpu.dma_semaphore, #tpu.memory_space<semaphore_mem>>
      %dma_start3A_181 = arith.constant 0 : i32
      %dma_start3A_182 = tpu.memref_slice %arg6[%arg0, %add3A_180, %dma_start3A_181] : memref<2x10000x16xf32, #tpu.memory_space<hbm>> -> memref<1x125x16xf32, #tpu.memory_space<hbm>>
      %dma_start3A_183 = tpu.memref_squeeze %dma_start3A_182 : memref<1x125x16xf32, #tpu.memory_space<hbm>> -> memref<125x16xf32, #tpu.memory_space<hbm>>
      %dma_start3A_184 = arith.constant 0 : i32
      %dma_start3A_185 = tpu.memref_slice %arg13[%add3A_180, %dma_start3A_184] : memref<10000x16xf32, #tpu.memory_space<vmem_shared>> -> memref<125x16xf32, #tpu.memory_space<vmem_shared>>
      tpu.enqueue_dma source(%dma_start3A_185 : memref<125x16xf32, #tpu.memory_space<vmem_shared>>) target(%dma_start3A_183 : memref<125x16xf32, #tpu.memory_space<hbm>>) target_semaphore(%run_scoped3A : memref<!tpu.dma_semaphore, #tpu.memory_space<semaphore_mem>>)
      %dma_wait3A_186 = arith.constant 0 : i32
      %dma_wait3A_187 = tpu.memref_slice %arg6[%arg0, %add3A_180, %dma_wait3A_186] : memref<2x10000x16xf32, #tpu.memory_space<hbm>> -> memref<1x125x16xf32, #tpu.memory_space<hbm>>
      %dma_wait3A_188 = tpu.memref_squeeze %dma_wait3A_187 : memref<1x125x16xf32, #tpu.memory_space<hbm>> -> memref<125x16xf32, #tpu.memory_space<hbm>>
      %dma_wait3A_189 = arith.constant 0 : i32
      %dma_wait3A_190 = tpu.memref_slice %arg13[%add3A_180, %dma_wait3A_189] : memref<10000x16xf32, #tpu.memory_space<vmem_shared>> -> memref<125x16xf32, #tpu.memory_space<vmem_shared>>
      tpu.wait_dma2 semaphore(%run_scoped3A : memref<!tpu.dma_semaphore, #tpu.memory_space<semaphore_mem>>) src(%dma_wait3A_190 : memref<125x16xf32, #tpu.memory_space<vmem_shared>>) dst(%dma_wait3A_188 : memref<125x16xf32, #tpu.memory_space<hbm>>)
      tpu.yield
    }) : () -> ()
    return
  }
}

#map = affine_map<(d0, d1) -> (0, 0)>
#map1 = affine_map<(d0, d1) -> (0, 0, 0)>
module attributes {stable_mosaic.version = 14 : i64} {
  func.func @_sc_agg_body(%arg0: i32, %arg1: i32, %arg2: memref<10000x128xf32, #tpu.memory_space<hbm>>, %arg3: memref<32x80x125xi32, #tpu.memory_space<hbm>>, %arg4: memref<32x80x125xi32, #tpu.memory_space<hbm>>, %arg5: memref<2x10000x128xf32, #tpu.memory_space<hbm>>, %arg6: memref<2x125xi32, #tpu.memory_space<vmem>>, %arg7: memref<2x125xi32, #tpu.memory_space<vmem>>, %arg8: memref<125x128xf32, #tpu.memory_space<vmem>>, %arg9: memref<125x128xf32, #tpu.memory_space<vmem>>, %arg10: memref<10000x128xf32, #tpu.memory_space<vmem_shared>>, %arg11: memref<!tpu.dma_semaphore, #tpu.memory_space<semaphore_mem>>, %arg12: memref<!tpu.dma_semaphore, #tpu.memory_space<semaphore_mem>>) attributes {dimension_semantics = [#tpu.dimension_semantics<core_parallel>, #tpu.dimension_semantics<subcore_parallel>], iteration_bounds = array<i64: 2, 16>, scalar_prefetch = 0 : i64, scratch_operands = 7 : i64, tpu.core_type = #tpu.core_type<sc_vector_subcore>, window_params = [{transform_indices = #map}, {transform_indices = #map1}, {transform_indices = #map1}, {transform_indices = #map1}]} {
    %mul3A = arith.constant 16 : i32
    %mul3A_0 = arith.muli %arg0, %mul3A : i32
    %add3A = arith.addi %mul3A_0, %arg1 : i32
    %broadcast_in_dim3A = arith.constant 0.000000e+00 : f32
    %broadcast_in_dim3A_1 = vector.broadcast %broadcast_in_dim3A : f32 to vector<16xf32>
    %scan3A = arith.constant 0 : i32
    %scan3A_2 = arith.constant 0 : i32
    %scan3A_3 = arith.constant 1000 : i32
    %scan3A_4 = arith.addi %scan3A_2, %scan3A_3 : i32
    %scan3A_5 = arith.constant 1 : i32
    %scan3A_6 = scf.for %scan3A_145 = %scan3A_2 to %scan3A_4 step %scan3A_5 iter_args(%scan3A_146 = %scan3A) -> (i32)  : i32 {
      %jit3A = arith.constant 8 : i32
      %div3A = arith.divsi %scan3A_145, %jit3A : i32
      %sign3A = arith.constant 0 : i32
      %sign3A_147 = arith.cmpi sgt, %scan3A_145, %sign3A : i32
      %sign3A_148 = arith.extui %sign3A_147 : i1 to i32
      %sign3A_149 = arith.constant 0 : i32
      %sign3A_150 = arith.cmpi slt, %scan3A_145, %sign3A_149 : i32
      %sign3A_151 = arith.extui %sign3A_150 : i1 to i32
      %sign3A_152 = arith.subi %sign3A_148, %sign3A_151 : i32
      %sign3A_153 = arith.constant 0 : i32
      %sign3A_154 = arith.cmpi sgt, %jit3A, %sign3A_153 : i32
      %sign3A_155 = arith.extui %sign3A_154 : i1 to i32
      %sign3A_156 = arith.constant 0 : i32
      %sign3A_157 = arith.cmpi slt, %jit3A, %sign3A_156 : i32
      %sign3A_158 = arith.extui %sign3A_157 : i1 to i32
      %sign3A_159 = arith.subi %sign3A_155, %sign3A_158 : i32
      %ne3A = arith.cmpi ne, %sign3A_152, %sign3A_159 : i32
      %rem3A = arith.remsi %scan3A_145, %jit3A : i32
      %ne3A_160 = arith.constant 0 : i32
      %ne3A_161 = arith.cmpi ne, %rem3A, %ne3A_160 : i32
      %and3A = arith.andi %ne3A, %ne3A_161 : i1
      %sub3A = arith.constant 1 : i32
      %sub3A_162 = arith.subi %div3A, %sub3A : i32
      %select_n3A = arith.select %and3A, %sub3A_162, %div3A : i32
      %jit3A_163 = arith.constant 8 : i32
      %eq3A = arith.constant 0 : i32
      %eq3A_164 = arith.cmpi eq, %jit3A_163, %eq3A : i32
      %jit3A_165 = arith.constant 1 : i32
      %select_n3A_166 = arith.select %eq3A_164, %jit3A_165, %jit3A_163 : i32
      %rem3A_167 = arith.remsi %scan3A_145, %select_n3A_166 : i32
      %ne3A_168 = arith.constant 0 : i32
      %ne3A_169 = arith.cmpi ne, %rem3A_167, %ne3A_168 : i32
      %lt3A = arith.constant 0 : i32
      %lt3A_170 = arith.cmpi slt, %rem3A_167, %lt3A : i32
      %lt3A_171 = arith.constant 0 : i32
      %lt3A_172 = arith.cmpi slt, %select_n3A_166, %lt3A_171 : i32
      %ne3A_173 = arith.xori %lt3A_170, %lt3A_172 : i1
      %and3A_174 = arith.andi %ne3A_173, %ne3A_169 : i1
      %add3A_175 = arith.addi %rem3A_167, %select_n3A_166 : i32
      %select_n3A_176 = arith.select %and3A_174, %add3A_175, %rem3A_167 : i32
      %mul3A_177 = arith.constant 16 : i32
      %mul3A_178 = arith.muli %select_n3A_176, %mul3A_177 : i32
      %swap3A = arith.index_cast %select_n3A : i32 to index
      %swap3A_179 = arith.index_cast %mul3A_178 : i32 to index
      %swap3A_180 = tpu.vector_load %arg8[%swap3A, %swap3A_179] {strides = array<i32>} : memref<125x128xf32, #tpu.memory_space<vmem>>, vector<1x16xf32>,
      %swap3A_181 = vector.shape_cast %swap3A_180 : vector<1x16xf32> to vector<16xf32>
      %swap3A_182 = vector.shape_cast %broadcast_in_dim3A_1 : vector<16xf32> to vector<1x16xf32>
      tpu.vector_store %arg8[%swap3A, %swap3A_179], %swap3A_182 {strides = array<i32>} : memref<125x128xf32, #tpu.memory_space<vmem>>, vector<1x16xf32>,
      %scan3A_183 = arith.constant 0 : i32
      scf.yield %scan3A_183 : i32
    }
    %scan3A_7 = arith.constant 1000 : i32
    %mul3A_8 = arith.constant 625 : i32
    %mul3A_9 = arith.muli %arg1, %mul3A_8 : i32
    %add3A_10 = arith.constant 0 : i32
    %add3A_11 = arith.addi %mul3A_9, %add3A_10 : i32
    "tpu.region"() ({
      %run_scoped3A = tpu.sem_alloc : memref<!tpu.dma_semaphore, #tpu.memory_space<semaphore_mem>>
      %dma_start3A_145 = arith.constant 0 : i32
      %dma_start3A_146 = tpu.memref_slice %arg10[%add3A_11, %dma_start3A_145] : memref<10000x128xf32, #tpu.memory_space<vmem_shared>> -> memref<125x128xf32, #tpu.memory_space<vmem_shared>>
      %dma_start3A_147 = arith.constant 0 : i32
      %dma_start3A_148 = tpu.memref_slice %arg10[%add3A_11, %dma_start3A_147] : memref<10000x128xf32, #tpu.memory_space<vmem_shared>> -> memref<125x128xf32, #tpu.memory_space<vmem_shared>>
      tpu.enqueue_dma source(%arg8 : memref<125x128xf32, #tpu.memory_space<vmem>>) target(%dma_start3A_148 : memref<125x128xf32, #tpu.memory_space<vmem_shared>>) target_semaphore(%run_scoped3A : memref<!tpu.dma_semaphore, #tpu.memory_space<semaphore_mem>>)
      %dma_wait3A_149 = arith.constant 0 : i32
      %dma_wait3A_150 = tpu.memref_slice %arg10[%add3A_11, %dma_wait3A_149] : memref<10000x128xf32, #tpu.memory_space<vmem_shared>> -> memref<125x128xf32, #tpu.memory_space<vmem_shared>>
      %dma_wait3A_151 = arith.constant 0 : i32
      %dma_wait3A_152 = tpu.memref_slice %arg10[%add3A_11, %dma_wait3A_151] : memref<10000x128xf32, #tpu.memory_space<vmem_shared>> -> memref<125x128xf32, #tpu.memory_space<vmem_shared>>
      tpu.wait_dma2 semaphore(%run_scoped3A : memref<!tpu.dma_semaphore, #tpu.memory_space<semaphore_mem>>) src(%arg8 : memref<125x128xf32, #tpu.memory_space<vmem>>) dst(%dma_wait3A_152 : memref<125x128xf32, #tpu.memory_space<vmem_shared>>)
      tpu.yield
    }) : () -> ()
    %mul3A_12 = arith.constant 625 : i32
    %mul3A_13 = arith.muli %arg1, %mul3A_12 : i32
    %add3A_14 = arith.constant 125 : i32
    %add3A_15 = arith.addi %mul3A_13, %add3A_14 : i32
    "tpu.region"() ({
      %run_scoped3A = tpu.sem_alloc : memref<!tpu.dma_semaphore, #tpu.memory_space<semaphore_mem>>
      %dma_start3A_145 = arith.constant 0 : i32
      %dma_start3A_146 = tpu.memref_slice %arg10[%add3A_15, %dma_start3A_145] : memref<10000x128xf32, #tpu.memory_space<vmem_shared>> -> memref<125x128xf32, #tpu.memory_space<vmem_shared>>
      %dma_start3A_147 = arith.constant 0 : i32
      %dma_start3A_148 = tpu.memref_slice %arg10[%add3A_15, %dma_start3A_147] : memref<10000x128xf32, #tpu.memory_space<vmem_shared>> -> memref<125x128xf32, #tpu.memory_space<vmem_shared>>
      tpu.enqueue_dma source(%arg8 : memref<125x128xf32, #tpu.memory_space<vmem>>) target(%dma_start3A_148 : memref<125x128xf32, #tpu.memory_space<vmem_shared>>) target_semaphore(%run_scoped3A : memref<!tpu.dma_semaphore, #tpu.memory_space<semaphore_mem>>)
      %dma_wait3A_149 = arith.constant 0 : i32
      %dma_wait3A_150 = tpu.memref_slice %arg10[%add3A_15, %dma_wait3A_149] : memref<10000x128xf32, #tpu.memory_space<vmem_shared>> -> memref<125x128xf32, #tpu.memory_space<vmem_shared>>
      %dma_wait3A_151 = arith.constant 0 : i32
      %dma_wait3A_152 = tpu.memref_slice %arg10[%add3A_15, %dma_wait3A_151] : memref<10000x128xf32, #tpu.memory_space<vmem_shared>> -> memref<125x128xf32, #tpu.memory_space<vmem_shared>>
      tpu.wait_dma2 semaphore(%run_scoped3A : memref<!tpu.dma_semaphore, #tpu.memory_space<semaphore_mem>>) src(%arg8 : memref<125x128xf32, #tpu.memory_space<vmem>>) dst(%dma_wait3A_152 : memref<125x128xf32, #tpu.memory_space<vmem_shared>>)
      tpu.yield
    }) : () -> ()
    %mul3A_16 = arith.constant 625 : i32
    %mul3A_17 = arith.muli %arg1, %mul3A_16 : i32
    %add3A_18 = arith.constant 250 : i32
    %add3A_19 = arith.addi %mul3A_17, %add3A_18 : i32
    "tpu.region"() ({
      %run_scoped3A = tpu.sem_alloc : memref<!tpu.dma_semaphore, #tpu.memory_space<semaphore_mem>>
      %dma_start3A_145 = arith.constant 0 : i32
      %dma_start3A_146 = tpu.memref_slice %arg10[%add3A_19, %dma_start3A_145] : memref<10000x128xf32, #tpu.memory_space<vmem_shared>> -> memref<125x128xf32, #tpu.memory_space<vmem_shared>>
      %dma_start3A_147 = arith.constant 0 : i32
      %dma_start3A_148 = tpu.memref_slice %arg10[%add3A_19, %dma_start3A_147] : memref<10000x128xf32, #tpu.memory_space<vmem_shared>> -> memref<125x128xf32, #tpu.memory_space<vmem_shared>>
      tpu.enqueue_dma source(%arg8 : memref<125x128xf32, #tpu.memory_space<vmem>>) target(%dma_start3A_148 : memref<125x128xf32, #tpu.memory_space<vmem_shared>>) target_semaphore(%run_scoped3A : memref<!tpu.dma_semaphore, #tpu.memory_space<semaphore_mem>>)
      %dma_wait3A_149 = arith.constant 0 : i32
      %dma_wait3A_150 = tpu.memref_slice %arg10[%add3A_19, %dma_wait3A_149] : memref<10000x128xf32, #tpu.memory_space<vmem_shared>> -> memref<125x128xf32, #tpu.memory_space<vmem_shared>>
      %dma_wait3A_151 = arith.constant 0 : i32
      %dma_wait3A_152 = tpu.memref_slice %arg10[%add3A_19, %dma_wait3A_151] : memref<10000x128xf32, #tpu.memory_space<vmem_shared>> -> memref<125x128xf32, #tpu.memory_space<vmem_shared>>
      tpu.wait_dma2 semaphore(%run_scoped3A : memref<!tpu.dma_semaphore, #tpu.memory_space<semaphore_mem>>) src(%arg8 : memref<125x128xf32, #tpu.memory_space<vmem>>) dst(%dma_wait3A_152 : memref<125x128xf32, #tpu.memory_space<vmem_shared>>)
      tpu.yield
    }) : () -> ()
    %mul3A_20 = arith.constant 625 : i32
    %mul3A_21 = arith.muli %arg1, %mul3A_20 : i32
    %add3A_22 = arith.constant 375 : i32
    %add3A_23 = arith.addi %mul3A_21, %add3A_22 : i32
    "tpu.region"() ({
      %run_scoped3A = tpu.sem_alloc : memref<!tpu.dma_semaphore, #tpu.memory_space<semaphore_mem>>
      %dma_start3A_145 = arith.constant 0 : i32
      %dma_start3A_146 = tpu.memref_slice %arg10[%add3A_23, %dma_start3A_145] : memref<10000x128xf32, #tpu.memory_space<vmem_shared>> -> memref<125x128xf32, #tpu.memory_space<vmem_shared>>
      %dma_start3A_147 = arith.constant 0 : i32
      %dma_start3A_148 = tpu.memref_slice %arg10[%add3A_23, %dma_start3A_147] : memref<10000x128xf32, #tpu.memory_space<vmem_shared>> -> memref<125x128xf32, #tpu.memory_space<vmem_shared>>
      tpu.enqueue_dma source(%arg8 : memref<125x128xf32, #tpu.memory_space<vmem>>) target(%dma_start3A_148 : memref<125x128xf32, #tpu.memory_space<vmem_shared>>) target_semaphore(%run_scoped3A : memref<!tpu.dma_semaphore, #tpu.memory_space<semaphore_mem>>)
      %dma_wait3A_149 = arith.constant 0 : i32
      %dma_wait3A_150 = tpu.memref_slice %arg10[%add3A_23, %dma_wait3A_149] : memref<10000x128xf32, #tpu.memory_space<vmem_shared>> -> memref<125x128xf32, #tpu.memory_space<vmem_shared>>
      %dma_wait3A_151 = arith.constant 0 : i32
      %dma_wait3A_152 = tpu.memref_slice %arg10[%add3A_23, %dma_wait3A_151] : memref<10000x128xf32, #tpu.memory_space<vmem_shared>> -> memref<125x128xf32, #tpu.memory_space<vmem_shared>>
      tpu.wait_dma2 semaphore(%run_scoped3A : memref<!tpu.dma_semaphore, #tpu.memory_space<semaphore_mem>>) src(%arg8 : memref<125x128xf32, #tpu.memory_space<vmem>>) dst(%dma_wait3A_152 : memref<125x128xf32, #tpu.memory_space<vmem_shared>>)
      tpu.yield
    }) : () -> ()
    %mul3A_24 = arith.constant 625 : i32
    %mul3A_25 = arith.muli %arg1, %mul3A_24 : i32
    %add3A_26 = arith.constant 500 : i32
    %add3A_27 = arith.addi %mul3A_25, %add3A_26 : i32
    "tpu.region"() ({
      %run_scoped3A = tpu.sem_alloc : memref<!tpu.dma_semaphore, #tpu.memory_space<semaphore_mem>>
      %dma_start3A_145 = arith.constant 0 : i32
      %dma_start3A_146 = tpu.memref_slice %arg10[%add3A_27, %dma_start3A_145] : memref<10000x128xf32, #tpu.memory_space<vmem_shared>> -> memref<125x128xf32, #tpu.memory_space<vmem_shared>>
      %dma_start3A_147 = arith.constant 0 : i32
      %dma_start3A_148 = tpu.memref_slice %arg10[%add3A_27, %dma_start3A_147] : memref<10000x128xf32, #tpu.memory_space<vmem_shared>> -> memref<125x128xf32, #tpu.memory_space<vmem_shared>>
      tpu.enqueue_dma source(%arg8 : memref<125x128xf32, #tpu.memory_space<vmem>>) target(%dma_start3A_148 : memref<125x128xf32, #tpu.memory_space<vmem_shared>>) target_semaphore(%run_scoped3A : memref<!tpu.dma_semaphore, #tpu.memory_space<semaphore_mem>>)
      %dma_wait3A_149 = arith.constant 0 : i32
      %dma_wait3A_150 = tpu.memref_slice %arg10[%add3A_27, %dma_wait3A_149] : memref<10000x128xf32, #tpu.memory_space<vmem_shared>> -> memref<125x128xf32, #tpu.memory_space<vmem_shared>>
      %dma_wait3A_151 = arith.constant 0 : i32
      %dma_wait3A_152 = tpu.memref_slice %arg10[%add3A_27, %dma_wait3A_151] : memref<10000x128xf32, #tpu.memory_space<vmem_shared>> -> memref<125x128xf32, #tpu.memory_space<vmem_shared>>
      tpu.wait_dma2 semaphore(%run_scoped3A : memref<!tpu.dma_semaphore, #tpu.memory_space<semaphore_mem>>) src(%arg8 : memref<125x128xf32, #tpu.memory_space<vmem>>) dst(%dma_wait3A_152 : memref<125x128xf32, #tpu.memory_space<vmem_shared>>)
      tpu.yield
    }) : () -> ()
    %barrier3A = arith.constant 0 : index
    tpu.barrier barrier_id(%barrier3A)
    %dma_start3A = arith.constant 0 : i32
    %dma_start3A_28 = arith.constant 0 : i32
    %dma_start3A_29 = arith.constant 0 : i32
    %dma_start3A_30 = tpu.memref_slice %arg6[%dma_start3A_28, %dma_start3A_29] : memref<2x125xi32, #tpu.memory_space<vmem>> -> memref<1x125xi32, #tpu.memory_space<vmem>>
    %dma_start3A_31 = tpu.memref_squeeze %dma_start3A_30 : memref<1x125xi32, #tpu.memory_space<vmem>> -> memref<125xi32, #tpu.memory_space<vmem>>
    %dma_start3A_32 = arith.constant 0 : i32
    %dma_start3A_33 = tpu.memref_slice %arg3[%add3A, %dma_start3A, %dma_start3A_32] : memref<32x80x125xi32, #tpu.memory_space<hbm>> -> memref<1x1x125xi32, #tpu.memory_space<hbm>>
    %dma_start3A_34 = tpu.memref_squeeze %dma_start3A_33 : memref<1x1x125xi32, #tpu.memory_space<hbm>> -> memref<125xi32, #tpu.memory_space<hbm>>
    %dma_start3A_35 = arith.constant 0 : i32
    %dma_start3A_36 = tpu.memref_slice %arg6[%dma_start3A_28, %dma_start3A_35] : memref<2x125xi32, #tpu.memory_space<vmem>> -> memref<1x125xi32, #tpu.memory_space<vmem>>
    %dma_start3A_37 = tpu.memref_squeeze %dma_start3A_36 : memref<1x125xi32, #tpu.memory_space<vmem>> -> memref<125xi32, #tpu.memory_space<vmem>>
    %dma_start3A_38 = arith.constant 0 : i32
    %dma_start3A_39 = tpu.memref_slice %arg3[%add3A, %dma_start3A, %dma_start3A_38] : memref<32x80x125xi32, #tpu.memory_space<hbm>> -> memref<1x1x125xi32, #tpu.memory_space<hbm>>
    %dma_start3A_40 = tpu.memref_squeeze %dma_start3A_39 : memref<1x1x125xi32, #tpu.memory_space<hbm>> -> memref<125xi32, #tpu.memory_space<hbm>>
    tpu.enqueue_dma source(%dma_start3A_40 : memref<125xi32, #tpu.memory_space<hbm>>) target(%dma_start3A_37 : memref<125xi32, #tpu.memory_space<vmem>>) target_semaphore(%arg11 : memref<!tpu.dma_semaphore, #tpu.memory_space<semaphore_mem>>)
    %dma_start3A_41 = arith.constant 0 : i32
    %dma_start3A_42 = arith.constant 0 : i32
    %dma_start3A_43 = arith.constant 0 : i32
    %dma_start3A_44 = tpu.memref_slice %arg7[%dma_start3A_42, %dma_start3A_43] : memref<2x125xi32, #tpu.memory_space<vmem>> -> memref<1x125xi32, #tpu.memory_space<vmem>>
    %dma_start3A_45 = tpu.memref_squeeze %dma_start3A_44 : memref<1x125xi32, #tpu.memory_space<vmem>> -> memref<125xi32, #tpu.memory_space<vmem>>
    %dma_start3A_46 = arith.constant 0 : i32
    %dma_start3A_47 = tpu.memref_slice %arg4[%add3A, %dma_start3A_41, %dma_start3A_46] : memref<32x80x125xi32, #tpu.memory_space<hbm>> -> memref<1x1x125xi32, #tpu.memory_space<hbm>>
    %dma_start3A_48 = tpu.memref_squeeze %dma_start3A_47 : memref<1x1x125xi32, #tpu.memory_space<hbm>> -> memref<125xi32, #tpu.memory_space<hbm>>
    %dma_start3A_49 = arith.constant 0 : i32
    %dma_start3A_50 = tpu.memref_slice %arg7[%dma_start3A_42, %dma_start3A_49] : memref<2x125xi32, #tpu.memory_space<vmem>> -> memref<1x125xi32, #tpu.memory_space<vmem>>
    %dma_start3A_51 = tpu.memref_squeeze %dma_start3A_50 : memref<1x125xi32, #tpu.memory_space<vmem>> -> memref<125xi32, #tpu.memory_space<vmem>>
    %dma_start3A_52 = arith.constant 0 : i32
    %dma_start3A_53 = tpu.memref_slice %arg4[%add3A, %dma_start3A_41, %dma_start3A_52] : memref<32x80x125xi32, #tpu.memory_space<hbm>> -> memref<1x1x125xi32, #tpu.memory_space<hbm>>
    %dma_start3A_54 = tpu.memref_squeeze %dma_start3A_53 : memref<1x1x125xi32, #tpu.memory_space<hbm>> -> memref<125xi32, #tpu.memory_space<hbm>>
    tpu.enqueue_dma source(%dma_start3A_54 : memref<125xi32, #tpu.memory_space<hbm>>) target(%dma_start3A_51 : memref<125xi32, #tpu.memory_space<vmem>>) target_semaphore(%arg11 : memref<!tpu.dma_semaphore, #tpu.memory_space<semaphore_mem>>)
    %dma_wait3A = arith.constant 0 : i32
    %dma_wait3A_55 = arith.constant 0 : i32
    %dma_wait3A_56 = arith.constant 0 : i32
    %dma_wait3A_57 = tpu.memref_slice %arg6[%dma_wait3A_55, %dma_wait3A_56] : memref<2x125xi32, #tpu.memory_space<vmem>> -> memref<1x125xi32, #tpu.memory_space<vmem>>
    %dma_wait3A_58 = tpu.memref_squeeze %dma_wait3A_57 : memref<1x125xi32, #tpu.memory_space<vmem>> -> memref<125xi32, #tpu.memory_space<vmem>>
    %dma_wait3A_59 = arith.constant 0 : i32
    %dma_wait3A_60 = tpu.memref_slice %arg3[%add3A, %dma_wait3A, %dma_wait3A_59] : memref<32x80x125xi32, #tpu.memory_space<hbm>> -> memref<1x1x125xi32, #tpu.memory_space<hbm>>
    %dma_wait3A_61 = tpu.memref_squeeze %dma_wait3A_60 : memref<1x1x125xi32, #tpu.memory_space<hbm>> -> memref<125xi32, #tpu.memory_space<hbm>>
    %dma_wait3A_62 = arith.constant 0 : i32
    %dma_wait3A_63 = tpu.memref_slice %arg6[%dma_wait3A_55, %dma_wait3A_62] : memref<2x125xi32, #tpu.memory_space<vmem>> -> memref<1x125xi32, #tpu.memory_space<vmem>>
    %dma_wait3A_64 = tpu.memref_squeeze %dma_wait3A_63 : memref<1x125xi32, #tpu.memory_space<vmem>> -> memref<125xi32, #tpu.memory_space<vmem>>
    %dma_wait3A_65 = arith.constant 0 : i32
    %dma_wait3A_66 = tpu.memref_slice %arg3[%add3A, %dma_wait3A, %dma_wait3A_65] : memref<32x80x125xi32, #tpu.memory_space<hbm>> -> memref<1x1x125xi32, #tpu.memory_space<hbm>>
    %dma_wait3A_67 = tpu.memref_squeeze %dma_wait3A_66 : memref<1x1x125xi32, #tpu.memory_space<hbm>> -> memref<125xi32, #tpu.memory_space<hbm>>
    tpu.wait_dma2 semaphore(%arg11 : memref<!tpu.dma_semaphore, #tpu.memory_space<semaphore_mem>>) src(%dma_wait3A_67 : memref<125xi32, #tpu.memory_space<hbm>>) dst(%dma_wait3A_64 : memref<125xi32, #tpu.memory_space<vmem>>)
    %dma_wait3A_68 = arith.constant 0 : i32
    %dma_wait3A_69 = arith.constant 0 : i32
    %dma_wait3A_70 = arith.constant 0 : i32
    %dma_wait3A_71 = tpu.memref_slice %arg7[%dma_wait3A_69, %dma_wait3A_70] : memref<2x125xi32, #tpu.memory_space<vmem>> -> memref<1x125xi32, #tpu.memory_space<vmem>>
    %dma_wait3A_72 = tpu.memref_squeeze %dma_wait3A_71 : memref<1x125xi32, #tpu.memory_space<vmem>> -> memref<125xi32, #tpu.memory_space<vmem>>
    %dma_wait3A_73 = arith.constant 0 : i32
    %dma_wait3A_74 = tpu.memref_slice %arg4[%add3A, %dma_wait3A_68, %dma_wait3A_73] : memref<32x80x125xi32, #tpu.memory_space<hbm>> -> memref<1x1x125xi32, #tpu.memory_space<hbm>>
    %dma_wait3A_75 = tpu.memref_squeeze %dma_wait3A_74 : memref<1x1x125xi32, #tpu.memory_space<hbm>> -> memref<125xi32, #tpu.memory_space<hbm>>
    %dma_wait3A_76 = arith.constant 0 : i32
    %dma_wait3A_77 = tpu.memref_slice %arg7[%dma_wait3A_69, %dma_wait3A_76] : memref<2x125xi32, #tpu.memory_space<vmem>> -> memref<1x125xi32, #tpu.memory_space<vmem>>
    %dma_wait3A_78 = tpu.memref_squeeze %dma_wait3A_77 : memref<1x125xi32, #tpu.memory_space<vmem>> -> memref<125xi32, #tpu.memory_space<vmem>>
    %dma_wait3A_79 = arith.constant 0 : i32
    %dma_wait3A_80 = tpu.memref_slice %arg4[%add3A, %dma_wait3A_68, %dma_wait3A_79] : memref<32x80x125xi32, #tpu.memory_space<hbm>> -> memref<1x1x125xi32, #tpu.memory_space<hbm>>
    %dma_wait3A_81 = tpu.memref_squeeze %dma_wait3A_80 : memref<1x1x125xi32, #tpu.memory_space<hbm>> -> memref<125xi32, #tpu.memory_space<hbm>>
    tpu.wait_dma2 semaphore(%arg11 : memref<!tpu.dma_semaphore, #tpu.memory_space<semaphore_mem>>) src(%dma_wait3A_81 : memref<125xi32, #tpu.memory_space<hbm>>) dst(%dma_wait3A_78 : memref<125xi32, #tpu.memory_space<vmem>>)
    %dma_start3A_82 = arith.constant 0 : i32
    %dma_start3A_83 = arith.constant 0 : i32
    %dma_start3A_84 = tpu.memref_slice %arg6[%dma_start3A_82, %dma_start3A_83] : memref<2x125xi32, #tpu.memory_space<vmem>> -> memref<1x125xi32, #tpu.memory_space<vmem>>
    %dma_start3A_85 = tpu.memref_squeeze %dma_start3A_84 : memref<1x125xi32, #tpu.memory_space<vmem>> -> memref<125xi32, #tpu.memory_space<vmem>>
    %dma_start3A_86 = arith.constant 0 : i32
    %dma_start3A_87 = arith.constant 0 : i32
    %dma_start3A_88 = tpu.memref_slice %arg2[%dma_start3A_86, %dma_start3A_87] : memref<10000x128xf32, #tpu.memory_space<hbm>> -> memref<10000x128xf32, #tpu.memory_space<hbm>>
    tpu.enqueue_indirect_dma source(%dma_start3A_88 : memref<10000x128xf32, #tpu.memory_space<hbm>>) target(%arg8 : memref<125x128xf32, #tpu.memory_space<vmem>>) offsets(%dma_start3A_85 : memref<125xi32, #tpu.memory_space<vmem>>) semaphore(%arg12 : memref<!tpu.dma_semaphore, #tpu.memory_space<semaphore_mem>>)
    %dma_start3A_89 = arith.constant 1 : i32
    %dma_start3A_90 = arith.constant 1 : i32
    %dma_start3A_91 = arith.constant 0 : i32
    %dma_start3A_92 = tpu.memref_slice %arg6[%dma_start3A_90, %dma_start3A_91] : memref<2x125xi32, #tpu.memory_space<vmem>> -> memref<1x125xi32, #tpu.memory_space<vmem>>
    %dma_start3A_93 = tpu.memref_squeeze %dma_start3A_92 : memref<1x125xi32, #tpu.memory_space<vmem>> -> memref<125xi32, #tpu.memory_space<vmem>>
    %dma_start3A_94 = arith.constant 0 : i32
    %dma_start3A_95 = tpu.memref_slice %arg3[%add3A, %dma_start3A_89, %dma_start3A_94] : memref<32x80x125xi32, #tpu.memory_space<hbm>> -> memref<1x1x125xi32, #tpu.memory_space<hbm>>
    %dma_start3A_96 = tpu.memref_squeeze %dma_start3A_95 : memref<1x1x125xi32, #tpu.memory_space<hbm>> -> memref<125xi32, #tpu.memory_space<hbm>>
    %dma_start3A_97 = arith.constant 0 : i32
    %dma_start3A_98 = tpu.memref_slice %arg6[%dma_start3A_90, %dma_start3A_97] : memref<2x125xi32, #tpu.memory_space<vmem>> -> memref<1x125xi32, #tpu.memory_space<vmem>>
    %dma_start3A_99 = tpu.memref_squeeze %dma_start3A_98 : memref<1x125xi32, #tpu.memory_space<vmem>> -> memref<125xi32, #tpu.memory_space<vmem>>
    %dma_start3A_100 = arith.constant 0 : i32
    %dma_start3A_101 = tpu.memref_slice %arg3[%add3A, %dma_start3A_89, %dma_start3A_100] : memref<32x80x125xi32, #tpu.memory_space<hbm>> -> memref<1x1x125xi32, #tpu.memory_space<hbm>>
    %dma_start3A_102 = tpu.memref_squeeze %dma_start3A_101 : memref<1x1x125xi32, #tpu.memory_space<hbm>> -> memref<125xi32, #tpu.memory_space<hbm>>
    tpu.enqueue_dma source(%dma_start3A_102 : memref<125xi32, #tpu.memory_space<hbm>>) target(%dma_start3A_99 : memref<125xi32, #tpu.memory_space<vmem>>) target_semaphore(%arg11 : memref<!tpu.dma_semaphore, #tpu.memory_space<semaphore_mem>>)
    %dma_start3A_103 = arith.constant 1 : i32
    %dma_start3A_104 = arith.constant 1 : i32
    %dma_start3A_105 = arith.constant 0 : i32
    %dma_start3A_106 = tpu.memref_slice %arg7[%dma_start3A_104, %dma_start3A_105] : memref<2x125xi32, #tpu.memory_space<vmem>> -> memref<1x125xi32, #tpu.memory_space<vmem>>
    %dma_start3A_107 = tpu.memref_squeeze %dma_start3A_106 : memref<1x125xi32, #tpu.memory_space<vmem>> -> memref<125xi32, #tpu.memory_space<vmem>>
    %dma_start3A_108 = arith.constant 0 : i32
    %dma_start3A_109 = tpu.memref_slice %arg4[%add3A, %dma_start3A_103, %dma_start3A_108] : memref<32x80x125xi32, #tpu.memory_space<hbm>> -> memref<1x1x125xi32, #tpu.memory_space<hbm>>
    %dma_start3A_110 = tpu.memref_squeeze %dma_start3A_109 : memref<1x1x125xi32, #tpu.memory_space<hbm>> -> memref<125xi32, #tpu.memory_space<hbm>>
    %dma_start3A_111 = arith.constant 0 : i32
    %dma_start3A_112 = tpu.memref_slice %arg7[%dma_start3A_104, %dma_start3A_111] : memref<2x125xi32, #tpu.memory_space<vmem>> -> memref<1x125xi32, #tpu.memory_space<vmem>>
    %dma_start3A_113 = tpu.memref_squeeze %dma_start3A_112 : memref<1x125xi32, #tpu.memory_space<vmem>> -> memref<125xi32, #tpu.memory_space<vmem>>
    %dma_start3A_114 = arith.constant 0 : i32
    %dma_start3A_115 = tpu.memref_slice %arg4[%add3A, %dma_start3A_103, %dma_start3A_114] : memref<32x80x125xi32, #tpu.memory_space<hbm>> -> memref<1x1x125xi32, #tpu.memory_space<hbm>>
    %dma_start3A_116 = tpu.memref_squeeze %dma_start3A_115 : memref<1x1x125xi32, #tpu.memory_space<hbm>> -> memref<125xi32, #tpu.memory_space<hbm>>
    tpu.enqueue_dma source(%dma_start3A_116 : memref<125xi32, #tpu.memory_space<hbm>>) target(%dma_start3A_113 : memref<125xi32, #tpu.memory_space<vmem>>) target_semaphore(%arg11 : memref<!tpu.dma_semaphore, #tpu.memory_space<semaphore_mem>>)
    %scan3A_117 = arith.constant 0 : i32
    %scan3A_118 = arith.constant 0 : i32
    %scan3A_119 = arith.constant 40 : i32
    %scan3A_120 = arith.addi %scan3A_118, %scan3A_119 : i32
    %scan3A_121 = arith.constant 1 : i32
    %scan3A_122 = scf.for %scan3A_145 = %scan3A_118 to %scan3A_120 step %scan3A_121 iter_args(%scan3A_146 = %scan3A_117) -> (i32)  : i32 {
      %mul3A_147 = arith.constant 2 : i32
      %mul3A_148 = arith.muli %mul3A_147, %scan3A_145 : i32
      %dma_wait3A_149 = arith.constant 0 : i32
      %dma_wait3A_150 = arith.constant 0 : i32
      %dma_wait3A_151 = tpu.memref_slice %arg6[%dma_wait3A_149, %dma_wait3A_150] : memref<2x125xi32, #tpu.memory_space<vmem>> -> memref<1x125xi32, #tpu.memory_space<vmem>>
      %dma_wait3A_152 = tpu.memref_squeeze %dma_wait3A_151 : memref<1x125xi32, #tpu.memory_space<vmem>> -> memref<125xi32, #tpu.memory_space<vmem>>
      %dma_wait3A_153 = arith.constant 0 : i32
      %dma_wait3A_154 = arith.constant 0 : i32
      %dma_wait3A_155 = tpu.memref_slice %arg2[%dma_wait3A_153, %dma_wait3A_154] : memref<10000x128xf32, #tpu.memory_space<hbm>> -> memref<10000x128xf32, #tpu.memory_space<hbm>>
      tpu.wait_indirect_dma semaphore(%arg12 : memref<!tpu.dma_semaphore, #tpu.memory_space<semaphore_mem>>) src(%dma_wait3A_155 : memref<10000x128xf32, #tpu.memory_space<hbm>>) dst(%arg8 : memref<125x128xf32, #tpu.memory_space<vmem>>)
      %add3A_156 = arith.constant 1 : i32
      %add3A_157 = arith.addi %mul3A_148, %add3A_156 : i32
      %lt3A = arith.constant 80 : i32
      %lt3A_158 = arith.cmpi slt, %add3A_157, %lt3A : i32
      %convert_element_type3A = arith.extui %lt3A_158 : i1 to i32
      %cond3A = arith.constant 0 : i32
      %cond3A_159 = arith.cmpi ne, %convert_element_type3A, %cond3A : i32
      scf.if %cond3A_159 {
        %add3A_194 = arith.constant 1 : i32
        %add3A_195 = arith.addi %mul3A_148, %add3A_194 : i32
        %dma_wait3A_196 = arith.constant 1 : i32
        %dma_wait3A_197 = arith.constant 0 : i32
        %dma_wait3A_198 = tpu.memref_slice %arg6[%dma_wait3A_196, %dma_wait3A_197] : memref<2x125xi32, #tpu.memory_space<vmem>> -> memref<1x125xi32, #tpu.memory_space<vmem>>
        %dma_wait3A_199 = tpu.memref_squeeze %dma_wait3A_198 : memref<1x125xi32, #tpu.memory_space<vmem>> -> memref<125xi32, #tpu.memory_space<vmem>>
        %dma_wait3A_200 = arith.constant 0 : i32
        %dma_wait3A_201 = tpu.memref_slice %arg3[%add3A, %add3A_195, %dma_wait3A_200] : memref<32x80x125xi32, #tpu.memory_space<hbm>> -> memref<1x1x125xi32, #tpu.memory_space<hbm>>
        %dma_wait3A_202 = tpu.memref_squeeze %dma_wait3A_201 : memref<1x1x125xi32, #tpu.memory_space<hbm>> -> memref<125xi32, #tpu.memory_space<hbm>>
        %dma_wait3A_203 = arith.constant 0 : i32
        %dma_wait3A_204 = tpu.memref_slice %arg6[%dma_wait3A_196, %dma_wait3A_203] : memref<2x125xi32, #tpu.memory_space<vmem>> -> memref<1x125xi32, #tpu.memory_space<vmem>>
        %dma_wait3A_205 = tpu.memref_squeeze %dma_wait3A_204 : memref<1x125xi32, #tpu.memory_space<vmem>> -> memref<125xi32, #tpu.memory_space<vmem>>
        %dma_wait3A_206 = arith.constant 0 : i32
        %dma_wait3A_207 = tpu.memref_slice %arg3[%add3A, %add3A_195, %dma_wait3A_206] : memref<32x80x125xi32, #tpu.memory_space<hbm>> -> memref<1x1x125xi32, #tpu.memory_space<hbm>>
        %dma_wait3A_208 = tpu.memref_squeeze %dma_wait3A_207 : memref<1x1x125xi32, #tpu.memory_space<hbm>> -> memref<125xi32, #tpu.memory_space<hbm>>
        tpu.wait_dma2 semaphore(%arg11 : memref<!tpu.dma_semaphore, #tpu.memory_space<semaphore_mem>>) src(%dma_wait3A_208 : memref<125xi32, #tpu.memory_space<hbm>>) dst(%dma_wait3A_205 : memref<125xi32, #tpu.memory_space<vmem>>)
        %dma_wait3A_209 = arith.constant 1 : i32
        %dma_wait3A_210 = arith.constant 0 : i32
        %dma_wait3A_211 = tpu.memref_slice %arg7[%dma_wait3A_209, %dma_wait3A_210] : memref<2x125xi32, #tpu.memory_space<vmem>> -> memref<1x125xi32, #tpu.memory_space<vmem>>
        %dma_wait3A_212 = tpu.memref_squeeze %dma_wait3A_211 : memref<1x125xi32, #tpu.memory_space<vmem>> -> memref<125xi32, #tpu.memory_space<vmem>>
        %dma_wait3A_213 = arith.constant 0 : i32
        %dma_wait3A_214 = tpu.memref_slice %arg4[%add3A, %add3A_195, %dma_wait3A_213] : memref<32x80x125xi32, #tpu.memory_space<hbm>> -> memref<1x1x125xi32, #tpu.memory_space<hbm>>
        %dma_wait3A_215 = tpu.memref_squeeze %dma_wait3A_214 : memref<1x1x125xi32, #tpu.memory_space<hbm>> -> memref<125xi32, #tpu.memory_space<hbm>>
        %dma_wait3A_216 = arith.constant 0 : i32
        %dma_wait3A_217 = tpu.memref_slice %arg7[%dma_wait3A_209, %dma_wait3A_216] : memref<2x125xi32, #tpu.memory_space<vmem>> -> memref<1x125xi32, #tpu.memory_space<vmem>>
        %dma_wait3A_218 = tpu.memref_squeeze %dma_wait3A_217 : memref<1x125xi32, #tpu.memory_space<vmem>> -> memref<125xi32, #tpu.memory_space<vmem>>
        %dma_wait3A_219 = arith.constant 0 : i32
        %dma_wait3A_220 = tpu.memref_slice %arg4[%add3A, %add3A_195, %dma_wait3A_219] : memref<32x80x125xi32, #tpu.memory_space<hbm>> -> memref<1x1x125xi32, #tpu.memory_space<hbm>>
        %dma_wait3A_221 = tpu.memref_squeeze %dma_wait3A_220 : memref<1x1x125xi32, #tpu.memory_space<hbm>> -> memref<125xi32, #tpu.memory_space<hbm>>
        tpu.wait_dma2 semaphore(%arg11 : memref<!tpu.dma_semaphore, #tpu.memory_space<semaphore_mem>>) src(%dma_wait3A_221 : memref<125xi32, #tpu.memory_space<hbm>>) dst(%dma_wait3A_218 : memref<125xi32, #tpu.memory_space<vmem>>)
        %dma_start3A_222 = arith.constant 1 : i32
        %dma_start3A_223 = arith.constant 0 : i32
        %dma_start3A_224 = tpu.memref_slice %arg6[%dma_start3A_222, %dma_start3A_223] : memref<2x125xi32, #tpu.memory_space<vmem>> -> memref<1x125xi32, #tpu.memory_space<vmem>>
        %dma_start3A_225 = tpu.memref_squeeze %dma_start3A_224 : memref<1x125xi32, #tpu.memory_space<vmem>> -> memref<125xi32, #tpu.memory_space<vmem>>
        %dma_start3A_226 = arith.constant 0 : i32
        %dma_start3A_227 = arith.constant 0 : i32
        %dma_start3A_228 = tpu.memref_slice %arg2[%dma_start3A_226, %dma_start3A_227] : memref<10000x128xf32, #tpu.memory_space<hbm>> -> memref<10000x128xf32, #tpu.memory_space<hbm>>
        tpu.enqueue_indirect_dma source(%dma_start3A_228 : memref<10000x128xf32, #tpu.memory_space<hbm>>) target(%arg9 : memref<125x128xf32, #tpu.memory_space<vmem>>) offsets(%dma_start3A_225 : memref<125xi32, #tpu.memory_space<vmem>>) semaphore(%arg12 : memref<!tpu.dma_semaphore, #tpu.memory_space<semaphore_mem>>)
      } else {
      }
      %run_scoped3A = arith.constant 0 : i32
      "tpu.region"() ({
        %run_scoped3A_194 = tpu.sem_alloc : memref<!tpu.dma_semaphore, #tpu.memory_space<semaphore_mem>>
        %dma_start3A_195 = arith.constant 0 : i32
        %dma_start3A_196 = tpu.memref_slice %arg7[%run_scoped3A, %dma_start3A_195] : memref<2x125xi32, #tpu.memory_space<vmem>> -> memref<1x125xi32, #tpu.memory_space<vmem>>
        %dma_start3A_197 = tpu.memref_squeeze %dma_start3A_196 : memref<1x125xi32, #tpu.memory_space<vmem>> -> memref<125xi32, #tpu.memory_space<vmem>>
        %dma_start3A_198 = arith.constant 0 : i32
        %dma_start3A_199 = arith.constant 0 : i32
        %dma_start3A_200 = tpu.memref_slice %arg10[%dma_start3A_198, %dma_start3A_199] : memref<10000x128xf32, #tpu.memory_space<vmem_shared>> -> memref<10000x128xf32, #tpu.memory_space<vmem_shared>>
        tpu.enqueue_indirect_dma source(%arg8 : memref<125x128xf32, #tpu.memory_space<vmem>>) target(%dma_start3A_200 : memref<10000x128xf32, #tpu.memory_space<vmem_shared>>) offsets(%dma_start3A_197 : memref<125xi32, #tpu.memory_space<vmem>>) semaphore(%run_scoped3A_194 : memref<!tpu.dma_semaphore, #tpu.memory_space<semaphore_mem>>) {add = true}
        %dma_wait3A_201 = arith.constant 0 : i32
        %dma_wait3A_202 = tpu.memref_slice %arg7[%run_scoped3A, %dma_wait3A_201] : memref<2x125xi32, #tpu.memory_space<vmem>> -> memref<1x125xi32, #tpu.memory_space<vmem>>
        %dma_wait3A_203 = tpu.memref_squeeze %dma_wait3A_202 : memref<1x125xi32, #tpu.memory_space<vmem>> -> memref<125xi32, #tpu.memory_space<vmem>>
        %dma_wait3A_204 = arith.constant 0 : i32
        %dma_wait3A_205 = arith.constant 0 : i32
        %dma_wait3A_206 = tpu.memref_slice %arg10[%dma_wait3A_204, %dma_wait3A_205] : memref<10000x128xf32, #tpu.memory_space<vmem_shared>> -> memref<10000x128xf32, #tpu.memory_space<vmem_shared>>
        tpu.wait_indirect_dma semaphore(%run_scoped3A_194 : memref<!tpu.dma_semaphore, #tpu.memory_space<semaphore_mem>>) src(%arg8 : memref<125x128xf32, #tpu.memory_space<vmem>>) dst(%dma_wait3A_206 : memref<10000x128xf32, #tpu.memory_space<vmem_shared>>)
        tpu.yield
      }) : () -> ()
      %add3A_160 = arith.constant 2 : i32
      %add3A_161 = arith.addi %mul3A_148, %add3A_160 : i32
      %lt3A_162 = arith.constant 80 : i32
      %lt3A_163 = arith.cmpi slt, %add3A_161, %lt3A_162 : i32
      %convert_element_type3A_164 = arith.extui %lt3A_163 : i1 to i32
      %cond3A_165 = arith.constant 0 : i32
      %cond3A_166 = arith.cmpi ne, %convert_element_type3A_164, %cond3A_165 : i32
      scf.if %cond3A_166 {
        %add3A_194 = arith.constant 2 : i32
        %add3A_195 = arith.addi %mul3A_148, %add3A_194 : i32
        %dma_start3A_196 = arith.constant 0 : i32
        %dma_start3A_197 = arith.constant 0 : i32
        %dma_start3A_198 = tpu.memref_slice %arg6[%dma_start3A_196, %dma_start3A_197] : memref<2x125xi32, #tpu.memory_space<vmem>> -> memref<1x125xi32, #tpu.memory_space<vmem>>
        %dma_start3A_199 = tpu.memref_squeeze %dma_start3A_198 : memref<1x125xi32, #tpu.memory_space<vmem>> -> memref<125xi32, #tpu.memory_space<vmem>>
        %dma_start3A_200 = arith.constant 0 : i32
        %dma_start3A_201 = tpu.memref_slice %arg3[%add3A, %add3A_195, %dma_start3A_200] : memref<32x80x125xi32, #tpu.memory_space<hbm>> -> memref<1x1x125xi32, #tpu.memory_space<hbm>>
        %dma_start3A_202 = tpu.memref_squeeze %dma_start3A_201 : memref<1x1x125xi32, #tpu.memory_space<hbm>> -> memref<125xi32, #tpu.memory_space<hbm>>
        %dma_start3A_203 = arith.constant 0 : i32
        %dma_start3A_204 = tpu.memref_slice %arg6[%dma_start3A_196, %dma_start3A_203] : memref<2x125xi32, #tpu.memory_space<vmem>> -> memref<1x125xi32, #tpu.memory_space<vmem>>
        %dma_start3A_205 = tpu.memref_squeeze %dma_start3A_204 : memref<1x125xi32, #tpu.memory_space<vmem>> -> memref<125xi32, #tpu.memory_space<vmem>>
        %dma_start3A_206 = arith.constant 0 : i32
        %dma_start3A_207 = tpu.memref_slice %arg3[%add3A, %add3A_195, %dma_start3A_206] : memref<32x80x125xi32, #tpu.memory_space<hbm>> -> memref<1x1x125xi32, #tpu.memory_space<hbm>>
        %dma_start3A_208 = tpu.memref_squeeze %dma_start3A_207 : memref<1x1x125xi32, #tpu.memory_space<hbm>> -> memref<125xi32, #tpu.memory_space<hbm>>
        tpu.enqueue_dma source(%dma_start3A_208 : memref<125xi32, #tpu.memory_space<hbm>>) target(%dma_start3A_205 : memref<125xi32, #tpu.memory_space<vmem>>) target_semaphore(%arg11 : memref<!tpu.dma_semaphore, #tpu.memory_space<semaphore_mem>>)
        %dma_start3A_209 = arith.constant 0 : i32
        %dma_start3A_210 = arith.constant 0 : i32
        %dma_start3A_211 = tpu.memref_slice %arg7[%dma_start3A_209, %dma_start3A_210] : memref<2x125xi32, #tpu.memory_space<vmem>> -> memref<1x125xi32, #tpu.memory_space<vmem>>
        %dma_start3A_212 = tpu.memref_squeeze %dma_start3A_211 : memref<1x125xi32, #tpu.memory_space<vmem>> -> memref<125xi32, #tpu.memory_space<vmem>>
        %dma_start3A_213 = arith.constant 0 : i32
        %dma_start3A_214 = tpu.memref_slice %arg4[%add3A, %add3A_195, %dma_start3A_213] : memref<32x80x125xi32, #tpu.memory_space<hbm>> -> memref<1x1x125xi32, #tpu.memory_space<hbm>>
        %dma_start3A_215 = tpu.memref_squeeze %dma_start3A_214 : memref<1x1x125xi32, #tpu.memory_space<hbm>> -> memref<125xi32, #tpu.memory_space<hbm>>
        %dma_start3A_216 = arith.constant 0 : i32
        %dma_start3A_217 = tpu.memref_slice %arg7[%dma_start3A_209, %dma_start3A_216] : memref<2x125xi32, #tpu.memory_space<vmem>> -> memref<1x125xi32, #tpu.memory_space<vmem>>
        %dma_start3A_218 = tpu.memref_squeeze %dma_start3A_217 : memref<1x125xi32, #tpu.memory_space<vmem>> -> memref<125xi32, #tpu.memory_space<vmem>>
        %dma_start3A_219 = arith.constant 0 : i32
        %dma_start3A_220 = tpu.memref_slice %arg4[%add3A, %add3A_195, %dma_start3A_219] : memref<32x80x125xi32, #tpu.memory_space<hbm>> -> memref<1x1x125xi32, #tpu.memory_space<hbm>>
        %dma_start3A_221 = tpu.memref_squeeze %dma_start3A_220 : memref<1x1x125xi32, #tpu.memory_space<hbm>> -> memref<125xi32, #tpu.memory_space<hbm>>
        tpu.enqueue_dma source(%dma_start3A_221 : memref<125xi32, #tpu.memory_space<hbm>>) target(%dma_start3A_218 : memref<125xi32, #tpu.memory_space<vmem>>) target_semaphore(%arg11 : memref<!tpu.dma_semaphore, #tpu.memory_space<semaphore_mem>>)
      } else {
      }
      %mul3A_167 = arith.constant 2 : i32
      %mul3A_168 = arith.muli %mul3A_167, %scan3A_145 : i32
      %add3A_169 = arith.constant 1 : i32
      %add3A_170 = arith.addi %mul3A_168, %add3A_169 : i32
      %dma_wait3A_171 = arith.constant 1 : i32
      %dma_wait3A_172 = arith.constant 0 : i32
      %dma_wait3A_173 = tpu.memref_slice %arg6[%dma_wait3A_171, %dma_wait3A_172] : memref<2x125xi32, #tpu.memory_space<vmem>> -> memref<1x125xi32, #tpu.memory_space<vmem>>
      %dma_wait3A_174 = tpu.memref_squeeze %dma_wait3A_173 : memref<1x125xi32, #tpu.memory_space<vmem>> -> memref<125xi32, #tpu.memory_space<vmem>>
      %dma_wait3A_175 = arith.constant 0 : i32
      %dma_wait3A_176 = arith.constant 0 : i32
      %dma_wait3A_177 = tpu.memref_slice %arg2[%dma_wait3A_175, %dma_wait3A_176] : memref<10000x128xf32, #tpu.memory_space<hbm>> -> memref<10000x128xf32, #tpu.memory_space<hbm>>
      tpu.wait_indirect_dma semaphore(%arg12 : memref<!tpu.dma_semaphore, #tpu.memory_space<semaphore_mem>>) src(%dma_wait3A_177 : memref<10000x128xf32, #tpu.memory_space<hbm>>) dst(%arg9 : memref<125x128xf32, #tpu.memory_space<vmem>>)
      %add3A_178 = arith.constant 1 : i32
      %add3A_179 = arith.addi %add3A_170, %add3A_178 : i32
      %lt3A_180 = arith.constant 80 : i32
      %lt3A_181 = arith.cmpi slt, %add3A_179, %lt3A_180 : i32
      %convert_element_type3A_182 = arith.extui %lt3A_181 : i1 to i32
      %cond3A_183 = arith.constant 0 : i32
      %cond3A_184 = arith.cmpi ne, %convert_element_type3A_182, %cond3A_183 : i32
      scf.if %cond3A_184 {
        %add3A_194 = arith.constant 1 : i32
        %add3A_195 = arith.addi %add3A_170, %add3A_194 : i32
        %dma_wait3A_196 = arith.constant 0 : i32
        %dma_wait3A_197 = arith.constant 0 : i32
        %dma_wait3A_198 = tpu.memref_slice %arg6[%dma_wait3A_196, %dma_wait3A_197] : memref<2x125xi32, #tpu.memory_space<vmem>> -> memref<1x125xi32, #tpu.memory_space<vmem>>
        %dma_wait3A_199 = tpu.memref_squeeze %dma_wait3A_198 : memref<1x125xi32, #tpu.memory_space<vmem>> -> memref<125xi32, #tpu.memory_space<vmem>>
        %dma_wait3A_200 = arith.constant 0 : i32
        %dma_wait3A_201 = tpu.memref_slice %arg3[%add3A, %add3A_195, %dma_wait3A_200] : memref<32x80x125xi32, #tpu.memory_space<hbm>> -> memref<1x1x125xi32, #tpu.memory_space<hbm>>
        %dma_wait3A_202 = tpu.memref_squeeze %dma_wait3A_201 : memref<1x1x125xi32, #tpu.memory_space<hbm>> -> memref<125xi32, #tpu.memory_space<hbm>>
        %dma_wait3A_203 = arith.constant 0 : i32
        %dma_wait3A_204 = tpu.memref_slice %arg6[%dma_wait3A_196, %dma_wait3A_203] : memref<2x125xi32, #tpu.memory_space<vmem>> -> memref<1x125xi32, #tpu.memory_space<vmem>>
        %dma_wait3A_205 = tpu.memref_squeeze %dma_wait3A_204 : memref<1x125xi32, #tpu.memory_space<vmem>> -> memref<125xi32, #tpu.memory_space<vmem>>
        %dma_wait3A_206 = arith.constant 0 : i32
        %dma_wait3A_207 = tpu.memref_slice %arg3[%add3A, %add3A_195, %dma_wait3A_206] : memref<32x80x125xi32, #tpu.memory_space<hbm>> -> memref<1x1x125xi32, #tpu.memory_space<hbm>>
        %dma_wait3A_208 = tpu.memref_squeeze %dma_wait3A_207 : memref<1x1x125xi32, #tpu.memory_space<hbm>> -> memref<125xi32, #tpu.memory_space<hbm>>
        tpu.wait_dma2 semaphore(%arg11 : memref<!tpu.dma_semaphore, #tpu.memory_space<semaphore_mem>>) src(%dma_wait3A_208 : memref<125xi32, #tpu.memory_space<hbm>>) dst(%dma_wait3A_205 : memref<125xi32, #tpu.memory_space<vmem>>)
        %dma_wait3A_209 = arith.constant 0 : i32
        %dma_wait3A_210 = arith.constant 0 : i32
        %dma_wait3A_211 = tpu.memref_slice %arg7[%dma_wait3A_209, %dma_wait3A_210] : memref<2x125xi32, #tpu.memory_space<vmem>> -> memref<1x125xi32, #tpu.memory_space<vmem>>
        %dma_wait3A_212 = tpu.memref_squeeze %dma_wait3A_211 : memref<1x125xi32, #tpu.memory_space<vmem>> -> memref<125xi32, #tpu.memory_space<vmem>>
        %dma_wait3A_213 = arith.constant 0 : i32
        %dma_wait3A_214 = tpu.memref_slice %arg4[%add3A, %add3A_195, %dma_wait3A_213] : memref<32x80x125xi32, #tpu.memory_space<hbm>> -> memref<1x1x125xi32, #tpu.memory_space<hbm>>
        %dma_wait3A_215 = tpu.memref_squeeze %dma_wait3A_214 : memref<1x1x125xi32, #tpu.memory_space<hbm>> -> memref<125xi32, #tpu.memory_space<hbm>>
        %dma_wait3A_216 = arith.constant 0 : i32
        %dma_wait3A_217 = tpu.memref_slice %arg7[%dma_wait3A_209, %dma_wait3A_216] : memref<2x125xi32, #tpu.memory_space<vmem>> -> memref<1x125xi32, #tpu.memory_space<vmem>>
        %dma_wait3A_218 = tpu.memref_squeeze %dma_wait3A_217 : memref<1x125xi32, #tpu.memory_space<vmem>> -> memref<125xi32, #tpu.memory_space<vmem>>
        %dma_wait3A_219 = arith.constant 0 : i32
        %dma_wait3A_220 = tpu.memref_slice %arg4[%add3A, %add3A_195, %dma_wait3A_219] : memref<32x80x125xi32, #tpu.memory_space<hbm>> -> memref<1x1x125xi32, #tpu.memory_space<hbm>>
        %dma_wait3A_221 = tpu.memref_squeeze %dma_wait3A_220 : memref<1x1x125xi32, #tpu.memory_space<hbm>> -> memref<125xi32, #tpu.memory_space<hbm>>
        tpu.wait_dma2 semaphore(%arg11 : memref<!tpu.dma_semaphore, #tpu.memory_space<semaphore_mem>>) src(%dma_wait3A_221 : memref<125xi32, #tpu.memory_space<hbm>>) dst(%dma_wait3A_218 : memref<125xi32, #tpu.memory_space<vmem>>)
        %dma_start3A_222 = arith.constant 0 : i32
        %dma_start3A_223 = arith.constant 0 : i32
        %dma_start3A_224 = tpu.memref_slice %arg6[%dma_start3A_222, %dma_start3A_223] : memref<2x125xi32, #tpu.memory_space<vmem>> -> memref<1x125xi32, #tpu.memory_space<vmem>>
        %dma_start3A_225 = tpu.memref_squeeze %dma_start3A_224 : memref<1x125xi32, #tpu.memory_space<vmem>> -> memref<125xi32, #tpu.memory_space<vmem>>
        %dma_start3A_226 = arith.constant 0 : i32
        %dma_start3A_227 = arith.constant 0 : i32
        %dma_start3A_228 = tpu.memref_slice %arg2[%dma_start3A_226, %dma_start3A_227] : memref<10000x128xf32, #tpu.memory_space<hbm>> -> memref<10000x128xf32, #tpu.memory_space<hbm>>
        tpu.enqueue_indirect_dma source(%dma_start3A_228 : memref<10000x128xf32, #tpu.memory_space<hbm>>) target(%arg8 : memref<125x128xf32, #tpu.memory_space<vmem>>) offsets(%dma_start3A_225 : memref<125xi32, #tpu.memory_space<vmem>>) semaphore(%arg12 : memref<!tpu.dma_semaphore, #tpu.memory_space<semaphore_mem>>)
      } else {
      }
      %run_scoped3A_185 = arith.constant 1 : i32
      "tpu.region"() ({
        %run_scoped3A_194 = tpu.sem_alloc : memref<!tpu.dma_semaphore, #tpu.memory_space<semaphore_mem>>
        %dma_start3A_195 = arith.constant 0 : i32
        %dma_start3A_196 = tpu.memref_slice %arg7[%run_scoped3A_185, %dma_start3A_195] : memref<2x125xi32, #tpu.memory_space<vmem>> -> memref<1x125xi32, #tpu.memory_space<vmem>>
        %dma_start3A_197 = tpu.memref_squeeze %dma_start3A_196 : memref<1x125xi32, #tpu.memory_space<vmem>> -> memref<125xi32, #tpu.memory_space<vmem>>
        %dma_start3A_198 = arith.constant 0 : i32
        %dma_start3A_199 = arith.constant 0 : i32
        %dma_start3A_200 = tpu.memref_slice %arg10[%dma_start3A_198, %dma_start3A_199] : memref<10000x128xf32, #tpu.memory_space<vmem_shared>> -> memref<10000x128xf32, #tpu.memory_space<vmem_shared>>
        tpu.enqueue_indirect_dma source(%arg9 : memref<125x128xf32, #tpu.memory_space<vmem>>) target(%dma_start3A_200 : memref<10000x128xf32, #tpu.memory_space<vmem_shared>>) offsets(%dma_start3A_197 : memref<125xi32, #tpu.memory_space<vmem>>) semaphore(%run_scoped3A_194 : memref<!tpu.dma_semaphore, #tpu.memory_space<semaphore_mem>>) {add = true}
        %dma_wait3A_201 = arith.constant 0 : i32
        %dma_wait3A_202 = tpu.memref_slice %arg7[%run_scoped3A_185, %dma_wait3A_201] : memref<2x125xi32, #tpu.memory_space<vmem>> -> memref<1x125xi32, #tpu.memory_space<vmem>>
        %dma_wait3A_203 = tpu.memref_squeeze %dma_wait3A_202 : memref<1x125xi32, #tpu.memory_space<vmem>> -> memref<125xi32, #tpu.memory_space<vmem>>
        %dma_wait3A_204 = arith.constant 0 : i32
        %dma_wait3A_205 = arith.constant 0 : i32
        %dma_wait3A_206 = tpu.memref_slice %arg10[%dma_wait3A_204, %dma_wait3A_205] : memref<10000x128xf32, #tpu.memory_space<vmem_shared>> -> memref<10000x128xf32, #tpu.memory_space<vmem_shared>>
        tpu.wait_indirect_dma semaphore(%run_scoped3A_194 : memref<!tpu.dma_semaphore, #tpu.memory_space<semaphore_mem>>) src(%arg9 : memref<125x128xf32, #tpu.memory_space<vmem>>) dst(%dma_wait3A_206 : memref<10000x128xf32, #tpu.memory_space<vmem_shared>>)
        tpu.yield
      }) : () -> ()
      %add3A_186 = arith.constant 2 : i32
      %add3A_187 = arith.addi %add3A_170, %add3A_186 : i32
      %lt3A_188 = arith.constant 80 : i32
      %lt3A_189 = arith.cmpi slt, %add3A_187, %lt3A_188 : i32
      %convert_element_type3A_190 = arith.extui %lt3A_189 : i1 to i32
      %cond3A_191 = arith.constant 0 : i32
      %cond3A_192 = arith.cmpi ne, %convert_element_type3A_190, %cond3A_191 : i32
      scf.if %cond3A_192 {
        %add3A_194 = arith.constant 2 : i32
        %add3A_195 = arith.addi %add3A_170, %add3A_194 : i32
        %dma_start3A_196 = arith.constant 1 : i32
        %dma_start3A_197 = arith.constant 0 : i32
        %dma_start3A_198 = tpu.memref_slice %arg6[%dma_start3A_196, %dma_start3A_197] : memref<2x125xi32, #tpu.memory_space<vmem>> -> memref<1x125xi32, #tpu.memory_space<vmem>>
        %dma_start3A_199 = tpu.memref_squeeze %dma_start3A_198 : memref<1x125xi32, #tpu.memory_space<vmem>> -> memref<125xi32, #tpu.memory_space<vmem>>
        %dma_start3A_200 = arith.constant 0 : i32
        %dma_start3A_201 = tpu.memref_slice %arg3[%add3A, %add3A_195, %dma_start3A_200] : memref<32x80x125xi32, #tpu.memory_space<hbm>> -> memref<1x1x125xi32, #tpu.memory_space<hbm>>
        %dma_start3A_202 = tpu.memref_squeeze %dma_start3A_201 : memref<1x1x125xi32, #tpu.memory_space<hbm>> -> memref<125xi32, #tpu.memory_space<hbm>>
        %dma_start3A_203 = arith.constant 0 : i32
        %dma_start3A_204 = tpu.memref_slice %arg6[%dma_start3A_196, %dma_start3A_203] : memref<2x125xi32, #tpu.memory_space<vmem>> -> memref<1x125xi32, #tpu.memory_space<vmem>>
        %dma_start3A_205 = tpu.memref_squeeze %dma_start3A_204 : memref<1x125xi32, #tpu.memory_space<vmem>> -> memref<125xi32, #tpu.memory_space<vmem>>
        %dma_start3A_206 = arith.constant 0 : i32
        %dma_start3A_207 = tpu.memref_slice %arg3[%add3A, %add3A_195, %dma_start3A_206] : memref<32x80x125xi32, #tpu.memory_space<hbm>> -> memref<1x1x125xi32, #tpu.memory_space<hbm>>
        %dma_start3A_208 = tpu.memref_squeeze %dma_start3A_207 : memref<1x1x125xi32, #tpu.memory_space<hbm>> -> memref<125xi32, #tpu.memory_space<hbm>>
        tpu.enqueue_dma source(%dma_start3A_208 : memref<125xi32, #tpu.memory_space<hbm>>) target(%dma_start3A_205 : memref<125xi32, #tpu.memory_space<vmem>>) target_semaphore(%arg11 : memref<!tpu.dma_semaphore, #tpu.memory_space<semaphore_mem>>)
        %dma_start3A_209 = arith.constant 1 : i32
        %dma_start3A_210 = arith.constant 0 : i32
        %dma_start3A_211 = tpu.memref_slice %arg7[%dma_start3A_209, %dma_start3A_210] : memref<2x125xi32, #tpu.memory_space<vmem>> -> memref<1x125xi32, #tpu.memory_space<vmem>>
        %dma_start3A_212 = tpu.memref_squeeze %dma_start3A_211 : memref<1x125xi32, #tpu.memory_space<vmem>> -> memref<125xi32, #tpu.memory_space<vmem>>
        %dma_start3A_213 = arith.constant 0 : i32
        %dma_start3A_214 = tpu.memref_slice %arg4[%add3A, %add3A_195, %dma_start3A_213] : memref<32x80x125xi32, #tpu.memory_space<hbm>> -> memref<1x1x125xi32, #tpu.memory_space<hbm>>
        %dma_start3A_215 = tpu.memref_squeeze %dma_start3A_214 : memref<1x1x125xi32, #tpu.memory_space<hbm>> -> memref<125xi32, #tpu.memory_space<hbm>>
        %dma_start3A_216 = arith.constant 0 : i32
        %dma_start3A_217 = tpu.memref_slice %arg7[%dma_start3A_209, %dma_start3A_216] : memref<2x125xi32, #tpu.memory_space<vmem>> -> memref<1x125xi32, #tpu.memory_space<vmem>>
        %dma_start3A_218 = tpu.memref_squeeze %dma_start3A_217 : memref<1x125xi32, #tpu.memory_space<vmem>> -> memref<125xi32, #tpu.memory_space<vmem>>
        %dma_start3A_219 = arith.constant 0 : i32
        %dma_start3A_220 = tpu.memref_slice %arg4[%add3A, %add3A_195, %dma_start3A_219] : memref<32x80x125xi32, #tpu.memory_space<hbm>> -> memref<1x1x125xi32, #tpu.memory_space<hbm>>
        %dma_start3A_221 = tpu.memref_squeeze %dma_start3A_220 : memref<1x1x125xi32, #tpu.memory_space<hbm>> -> memref<125xi32, #tpu.memory_space<hbm>>
        tpu.enqueue_dma source(%dma_start3A_221 : memref<125xi32, #tpu.memory_space<hbm>>) target(%dma_start3A_218 : memref<125xi32, #tpu.memory_space<vmem>>) target_semaphore(%arg11 : memref<!tpu.dma_semaphore, #tpu.memory_space<semaphore_mem>>)
      } else {
      }
      %scan3A_193 = arith.constant 0 : i32
      scf.yield %scan3A_193 : i32
    }
    %scan3A_123 = arith.constant 40 : i32
    %barrier3A_124 = arith.constant 0 : index
    tpu.barrier barrier_id(%barrier3A_124)
    %mul3A_125 = arith.constant 625 : i32
    %mul3A_126 = arith.muli %arg1, %mul3A_125 : i32
    %add3A_127 = arith.constant 0 : i32
    %add3A_128 = arith.addi %mul3A_126, %add3A_127 : i32
    "tpu.region"() ({
      %run_scoped3A = tpu.sem_alloc : memref<!tpu.dma_semaphore, #tpu.memory_space<semaphore_mem>>
      %dma_start3A_145 = arith.constant 0 : i32
      %dma_start3A_146 = tpu.memref_slice %arg5[%arg0, %add3A_128, %dma_start3A_145] : memref<2x10000x128xf32, #tpu.memory_space<hbm>> -> memref<1x125x128xf32, #tpu.memory_space<hbm>>
      %dma_start3A_147 = tpu.memref_squeeze %dma_start3A_146 : memref<1x125x128xf32, #tpu.memory_space<hbm>> -> memref<125x128xf32, #tpu.memory_space<hbm>>
      %dma_start3A_148 = arith.constant 0 : i32
      %dma_start3A_149 = tpu.memref_slice %arg10[%add3A_128, %dma_start3A_148] : memref<10000x128xf32, #tpu.memory_space<vmem_shared>> -> memref<125x128xf32, #tpu.memory_space<vmem_shared>>
      tpu.enqueue_dma source(%dma_start3A_149 : memref<125x128xf32, #tpu.memory_space<vmem_shared>>) target(%dma_start3A_147 : memref<125x128xf32, #tpu.memory_space<hbm>>) target_semaphore(%run_scoped3A : memref<!tpu.dma_semaphore, #tpu.memory_space<semaphore_mem>>)
      %dma_wait3A_150 = arith.constant 0 : i32
      %dma_wait3A_151 = tpu.memref_slice %arg5[%arg0, %add3A_128, %dma_wait3A_150] : memref<2x10000x128xf32, #tpu.memory_space<hbm>> -> memref<1x125x128xf32, #tpu.memory_space<hbm>>
      %dma_wait3A_152 = tpu.memref_squeeze %dma_wait3A_151 : memref<1x125x128xf32, #tpu.memory_space<hbm>> -> memref<125x128xf32, #tpu.memory_space<hbm>>
      %dma_wait3A_153 = arith.constant 0 : i32
      %dma_wait3A_154 = tpu.memref_slice %arg10[%add3A_128, %dma_wait3A_153] : memref<10000x128xf32, #tpu.memory_space<vmem_shared>> -> memref<125x128xf32, #tpu.memory_space<vmem_shared>>
      tpu.wait_dma2 semaphore(%run_scoped3A : memref<!tpu.dma_semaphore, #tpu.memory_space<semaphore_mem>>) src(%dma_wait3A_154 : memref<125x128xf32, #tpu.memory_space<vmem_shared>>) dst(%dma_wait3A_152 : memref<125x128xf32, #tpu.memory_space<hbm>>)
      tpu.yield
    }) : () -> ()
    %mul3A_129 = arith.constant 625 : i32
    %mul3A_130 = arith.muli %arg1, %mul3A_129 : i32
    %add3A_131 = arith.constant 125 : i32
    %add3A_132 = arith.addi %mul3A_130, %add3A_131 : i32
    "tpu.region"() ({
      %run_scoped3A = tpu.sem_alloc : memref<!tpu.dma_semaphore, #tpu.memory_space<semaphore_mem>>
      %dma_start3A_145 = arith.constant 0 : i32
      %dma_start3A_146 = tpu.memref_slice %arg5[%arg0, %add3A_132, %dma_start3A_145] : memref<2x10000x128xf32, #tpu.memory_space<hbm>> -> memref<1x125x128xf32, #tpu.memory_space<hbm>>
      %dma_start3A_147 = tpu.memref_squeeze %dma_start3A_146 : memref<1x125x128xf32, #tpu.memory_space<hbm>> -> memref<125x128xf32, #tpu.memory_space<hbm>>
      %dma_start3A_148 = arith.constant 0 : i32
      %dma_start3A_149 = tpu.memref_slice %arg10[%add3A_132, %dma_start3A_148] : memref<10000x128xf32, #tpu.memory_space<vmem_shared>> -> memref<125x128xf32, #tpu.memory_space<vmem_shared>>
      tpu.enqueue_dma source(%dma_start3A_149 : memref<125x128xf32, #tpu.memory_space<vmem_shared>>) target(%dma_start3A_147 : memref<125x128xf32, #tpu.memory_space<hbm>>) target_semaphore(%run_scoped3A : memref<!tpu.dma_semaphore, #tpu.memory_space<semaphore_mem>>)
      %dma_wait3A_150 = arith.constant 0 : i32
      %dma_wait3A_151 = tpu.memref_slice %arg5[%arg0, %add3A_132, %dma_wait3A_150] : memref<2x10000x128xf32, #tpu.memory_space<hbm>> -> memref<1x125x128xf32, #tpu.memory_space<hbm>>
      %dma_wait3A_152 = tpu.memref_squeeze %dma_wait3A_151 : memref<1x125x128xf32, #tpu.memory_space<hbm>> -> memref<125x128xf32, #tpu.memory_space<hbm>>
      %dma_wait3A_153 = arith.constant 0 : i32
      %dma_wait3A_154 = tpu.memref_slice %arg10[%add3A_132, %dma_wait3A_153] : memref<10000x128xf32, #tpu.memory_space<vmem_shared>> -> memref<125x128xf32, #tpu.memory_space<vmem_shared>>
      tpu.wait_dma2 semaphore(%run_scoped3A : memref<!tpu.dma_semaphore, #tpu.memory_space<semaphore_mem>>) src(%dma_wait3A_154 : memref<125x128xf32, #tpu.memory_space<vmem_shared>>) dst(%dma_wait3A_152 : memref<125x128xf32, #tpu.memory_space<hbm>>)
      tpu.yield
    }) : () -> ()
    %mul3A_133 = arith.constant 625 : i32
    %mul3A_134 = arith.muli %arg1, %mul3A_133 : i32
    %add3A_135 = arith.constant 250 : i32
    %add3A_136 = arith.addi %mul3A_134, %add3A_135 : i32
    "tpu.region"() ({
      %run_scoped3A = tpu.sem_alloc : memref<!tpu.dma_semaphore, #tpu.memory_space<semaphore_mem>>
      %dma_start3A_145 = arith.constant 0 : i32
      %dma_start3A_146 = tpu.memref_slice %arg5[%arg0, %add3A_136, %dma_start3A_145] : memref<2x10000x128xf32, #tpu.memory_space<hbm>> -> memref<1x125x128xf32, #tpu.memory_space<hbm>>
      %dma_start3A_147 = tpu.memref_squeeze %dma_start3A_146 : memref<1x125x128xf32, #tpu.memory_space<hbm>> -> memref<125x128xf32, #tpu.memory_space<hbm>>
      %dma_start3A_148 = arith.constant 0 : i32
      %dma_start3A_149 = tpu.memref_slice %arg10[%add3A_136, %dma_start3A_148] : memref<10000x128xf32, #tpu.memory_space<vmem_shared>> -> memref<125x128xf32, #tpu.memory_space<vmem_shared>>
      tpu.enqueue_dma source(%dma_start3A_149 : memref<125x128xf32, #tpu.memory_space<vmem_shared>>) target(%dma_start3A_147 : memref<125x128xf32, #tpu.memory_space<hbm>>) target_semaphore(%run_scoped3A : memref<!tpu.dma_semaphore, #tpu.memory_space<semaphore_mem>>)
      %dma_wait3A_150 = arith.constant 0 : i32
      %dma_wait3A_151 = tpu.memref_slice %arg5[%arg0, %add3A_136, %dma_wait3A_150] : memref<2x10000x128xf32, #tpu.memory_space<hbm>> -> memref<1x125x128xf32, #tpu.memory_space<hbm>>
      %dma_wait3A_152 = tpu.memref_squeeze %dma_wait3A_151 : memref<1x125x128xf32, #tpu.memory_space<hbm>> -> memref<125x128xf32, #tpu.memory_space<hbm>>
      %dma_wait3A_153 = arith.constant 0 : i32
      %dma_wait3A_154 = tpu.memref_slice %arg10[%add3A_136, %dma_wait3A_153] : memref<10000x128xf32, #tpu.memory_space<vmem_shared>> -> memref<125x128xf32, #tpu.memory_space<vmem_shared>>
      tpu.wait_dma2 semaphore(%run_scoped3A : memref<!tpu.dma_semaphore, #tpu.memory_space<semaphore_mem>>) src(%dma_wait3A_154 : memref<125x128xf32, #tpu.memory_space<vmem_shared>>) dst(%dma_wait3A_152 : memref<125x128xf32, #tpu.memory_space<hbm>>)
      tpu.yield
    }) : () -> ()
    %mul3A_137 = arith.constant 625 : i32
    %mul3A_138 = arith.muli %arg1, %mul3A_137 : i32
    %add3A_139 = arith.constant 375 : i32
    %add3A_140 = arith.addi %mul3A_138, %add3A_139 : i32
    "tpu.region"() ({
      %run_scoped3A = tpu.sem_alloc : memref<!tpu.dma_semaphore, #tpu.memory_space<semaphore_mem>>
      %dma_start3A_145 = arith.constant 0 : i32
      %dma_start3A_146 = tpu.memref_slice %arg5[%arg0, %add3A_140, %dma_start3A_145] : memref<2x10000x128xf32, #tpu.memory_space<hbm>> -> memref<1x125x128xf32, #tpu.memory_space<hbm>>
      %dma_start3A_147 = tpu.memref_squeeze %dma_start3A_146 : memref<1x125x128xf32, #tpu.memory_space<hbm>> -> memref<125x128xf32, #tpu.memory_space<hbm>>
      %dma_start3A_148 = arith.constant 0 : i32
      %dma_start3A_149 = tpu.memref_slice %arg10[%add3A_140, %dma_start3A_148] : memref<10000x128xf32, #tpu.memory_space<vmem_shared>> -> memref<125x128xf32, #tpu.memory_space<vmem_shared>>
      tpu.enqueue_dma source(%dma_start3A_149 : memref<125x128xf32, #tpu.memory_space<vmem_shared>>) target(%dma_start3A_147 : memref<125x128xf32, #tpu.memory_space<hbm>>) target_semaphore(%run_scoped3A : memref<!tpu.dma_semaphore, #tpu.memory_space<semaphore_mem>>)
      %dma_wait3A_150 = arith.constant 0 : i32
      %dma_wait3A_151 = tpu.memref_slice %arg5[%arg0, %add3A_140, %dma_wait3A_150] : memref<2x10000x128xf32, #tpu.memory_space<hbm>> -> memref<1x125x128xf32, #tpu.memory_space<hbm>>
      %dma_wait3A_152 = tpu.memref_squeeze %dma_wait3A_151 : memref<1x125x128xf32, #tpu.memory_space<hbm>> -> memref<125x128xf32, #tpu.memory_space<hbm>>
      %dma_wait3A_153 = arith.constant 0 : i32
      %dma_wait3A_154 = tpu.memref_slice %arg10[%add3A_140, %dma_wait3A_153] : memref<10000x128xf32, #tpu.memory_space<vmem_shared>> -> memref<125x128xf32, #tpu.memory_space<vmem_shared>>
      tpu.wait_dma2 semaphore(%run_scoped3A : memref<!tpu.dma_semaphore, #tpu.memory_space<semaphore_mem>>) src(%dma_wait3A_154 : memref<125x128xf32, #tpu.memory_space<vmem_shared>>) dst(%dma_wait3A_152 : memref<125x128xf32, #tpu.memory_space<hbm>>)
      tpu.yield
    }) : () -> ()
    %mul3A_141 = arith.constant 625 : i32
    %mul3A_142 = arith.muli %arg1, %mul3A_141 : i32
    %add3A_143 = arith.constant 500 : i32
    %add3A_144 = arith.addi %mul3A_142, %add3A_143 : i32
    "tpu.region"() ({
      %run_scoped3A = tpu.sem_alloc : memref<!tpu.dma_semaphore, #tpu.memory_space<semaphore_mem>>
      %dma_start3A_145 = arith.constant 0 : i32
      %dma_start3A_146 = tpu.memref_slice %arg5[%arg0, %add3A_144, %dma_start3A_145] : memref<2x10000x128xf32, #tpu.memory_space<hbm>> -> memref<1x125x128xf32, #tpu.memory_space<hbm>>
      %dma_start3A_147 = tpu.memref_squeeze %dma_start3A_146 : memref<1x125x128xf32, #tpu.memory_space<hbm>> -> memref<125x128xf32, #tpu.memory_space<hbm>>
      %dma_start3A_148 = arith.constant 0 : i32
      %dma_start3A_149 = tpu.memref_slice %arg10[%add3A_144, %dma_start3A_148] : memref<10000x128xf32, #tpu.memory_space<vmem_shared>> -> memref<125x128xf32, #tpu.memory_space<vmem_shared>>
      tpu.enqueue_dma source(%dma_start3A_149 : memref<125x128xf32, #tpu.memory_space<vmem_shared>>) target(%dma_start3A_147 : memref<125x128xf32, #tpu.memory_space<hbm>>) target_semaphore(%run_scoped3A : memref<!tpu.dma_semaphore, #tpu.memory_space<semaphore_mem>>)
      %dma_wait3A_150 = arith.constant 0 : i32
      %dma_wait3A_151 = tpu.memref_slice %arg5[%arg0, %add3A_144, %dma_wait3A_150] : memref<2x10000x128xf32, #tpu.memory_space<hbm>> -> memref<1x125x128xf32, #tpu.memory_space<hbm>>
      %dma_wait3A_152 = tpu.memref_squeeze %dma_wait3A_151 : memref<1x125x128xf32, #tpu.memory_space<hbm>> -> memref<125x128xf32, #tpu.memory_space<hbm>>
      %dma_wait3A_153 = arith.constant 0 : i32
      %dma_wait3A_154 = tpu.memref_slice %arg10[%add3A_144, %dma_wait3A_153] : memref<10000x128xf32, #tpu.memory_space<vmem_shared>> -> memref<125x128xf32, #tpu.memory_space<vmem_shared>>
      tpu.wait_dma2 semaphore(%run_scoped3A : memref<!tpu.dma_semaphore, #tpu.memory_space<semaphore_mem>>) src(%dma_wait3A_154 : memref<125x128xf32, #tpu.memory_space<vmem_shared>>) dst(%dma_wait3A_152 : memref<125x128xf32, #tpu.memory_space<hbm>>)
      tpu.yield
    }) : () -> ()
    return
  }
}

module attributes {stable_mosaic.version = 14 : i64} {
  func.func @_tc_layer1(%arg0: memref<2x10000x128xf32, #tpu.memory_space<vmem>>, %arg1: memref<2x10000x16xf32, #tpu.memory_space<vmem>>, %arg2: memref<10000x128xf32, #tpu.memory_space<vmem>>, %arg3: memref<128x128xf32, #tpu.memory_space<vmem>>, %arg4: memref<1x128xf32, #tpu.memory_space<vmem>>, %arg5: memref<128x128xf32, #tpu.memory_space<vmem>>, %arg6: memref<1x128xf32, #tpu.memory_space<vmem>>, %arg7: memref<1x128xf32, #tpu.memory_space<vmem>>, %arg8: memref<10000x128xf32, #tpu.memory_space<vmem>>, %arg9: memref<10000x1xf32, #tpu.memory_space<vmem>>) attributes {dimension_semantics = [], scalar_prefetch = 0 : i64, scratch_operands = 0 : i64, tpu.core_type = #tpu.core_type<tc>} {
    %get3A = arith.constant 0 : index
    %get3A_0 = arith.constant 0 : index
    %get3A_1 = arith.constant 0 : index
    %get3A_2 = vector.load %arg0[%get3A, %get3A_0, %get3A_1] : memref<2x10000x128xf32, #tpu.memory_space<vmem>>, vector<1x10000x128xf32>
    %get3A_3 = vector.shape_cast %get3A_2 : vector<1x10000x128xf32> to vector<10000x128xf32>
    %get3A_4 = arith.constant 1 : index
    %get3A_5 = arith.constant 0 : index
    %get3A_6 = arith.constant 0 : index
    %get3A_7 = vector.load %arg0[%get3A_4, %get3A_5, %get3A_6] : memref<2x10000x128xf32, #tpu.memory_space<vmem>>, vector<1x10000x128xf32>
    %get3A_8 = vector.shape_cast %get3A_7 : vector<1x10000x128xf32> to vector<10000x128xf32>
    %add3A = arith.addf %get3A_3, %get3A_8 : vector<10000x128xf32>
    %get3A_9 = arith.constant 0 : index
    %get3A_10 = arith.constant 0 : index
    %get3A_11 = arith.constant 0 : index
    %get3A_12 = vector.load %arg1[%get3A_9, %get3A_10, %get3A_11] : memref<2x10000x16xf32, #tpu.memory_space<vmem>>, vector<1x10000x1xf32>
    %get3A_13 = vector.shape_cast %get3A_12 : vector<1x10000x1xf32> to vector<10000x1xf32>
    %get3A_14 = arith.constant 1 : index
    %get3A_15 = arith.constant 0 : index
    %get3A_16 = arith.constant 0 : index
    %get3A_17 = vector.load %arg1[%get3A_14, %get3A_15, %get3A_16] : memref<2x10000x16xf32, #tpu.memory_space<vmem>>, vector<1x10000x1xf32>
    %get3A_18 = vector.shape_cast %get3A_17 : vector<1x10000x1xf32> to vector<10000x1xf32>
    %add3A_19 = arith.addf %get3A_13, %get3A_18 : vector<10000x1xf32>
    %max3A = arith.constant 1.000000e+00 : f32
    %max3A_20 = vector.broadcast %max3A : f32 to vector<10000x1xf32>
    %max3A_21 = arith.maximumf %add3A_19, %max3A_20 : vector<10000x1xf32>
    %div3A = arith.constant 1.000000e+00 : f32
    %div3A_22 = vector.broadcast %div3A : f32 to vector<10000x1xf32>
    %div3A_23 = arith.divf %div3A_22, %max3A_21 : vector<10000x1xf32>
    %mul3A = vector.broadcast %div3A_23 : vector<10000x1xf32> to vector<10000x128xf32>
    %mul3A_24 = arith.mulf %add3A, %mul3A : vector<10000x128xf32>
    %get3A_25 = arith.constant 0 : index
    %get3A_26 = arith.constant 0 : index
    %get3A_27 = vector.load %arg3[%get3A_25, %get3A_26] : memref<128x128xf32, #tpu.memory_space<vmem>>, vector<128x128xf32>
    %dot_general3A = arith.constant dense<0.000000e+00> : vector<10000x128xf32>
    %dot_general3A_28 = tpu.matmul %mul3A_24, %get3A_27, %dot_general3A {dimension_numbers = #tpu.dot_dimension_numbers<[1], [0], [0], [1], [0, 0, 1, 1], [], []>, transpose_lhs_hint = false} : vector<10000x128xf32>, vector<128x128xf32>, vector<10000x128xf32> -> vector<10000x128xf32>
    %get3A_29 = arith.constant 0 : index
    %get3A_30 = arith.constant 0 : index
    %get3A_31 = vector.load %arg4[%get3A_29, %get3A_30] : memref<1x128xf32, #tpu.memory_space<vmem>>, vector<1x128xf32>
    %add3A_32 = vector.broadcast %get3A_31 : vector<1x128xf32> to vector<10000x128xf32>
    %add3A_33 = arith.addf %dot_general3A_28, %add3A_32 : vector<10000x128xf32>
    %get3A_34 = arith.constant 0 : index
    %get3A_35 = arith.constant 0 : index
    %get3A_36 = vector.load %arg2[%get3A_34, %get3A_35] : memref<10000x128xf32, #tpu.memory_space<vmem>>, vector<10000x128xf32>
    %get3A_37 = arith.constant 0 : index
    %get3A_38 = arith.constant 0 : index
    %get3A_39 = vector.load %arg5[%get3A_37, %get3A_38] : memref<128x128xf32, #tpu.memory_space<vmem>>, vector<128x128xf32>
    %dot_general3A_40 = arith.constant dense<0.000000e+00> : vector<10000x128xf32>
    %dot_general3A_41 = tpu.matmul %get3A_36, %get3A_39, %dot_general3A_40 {dimension_numbers = #tpu.dot_dimension_numbers<[1], [0], [0], [1], [0, 0, 1, 1], [], []>, transpose_lhs_hint = false} : vector<10000x128xf32>, vector<128x128xf32>, vector<10000x128xf32> -> vector<10000x128xf32>
    %add3A_42 = arith.addf %add3A_33, %dot_general3A_41 : vector<10000x128xf32>
    %mul3A_43 = arith.mulf %add3A_42, %add3A_42 : vector<10000x128xf32>
    %reduce_sum3A = arith.constant dense<0.000000e+00> : vector<10000xf32>
    %reduce_sum3A_44 = vector.multi_reduction <add>, %mul3A_43, %reduce_sum3A [1] : vector<10000x128xf32> to vector<10000xf32>
    %broadcast_in_dim3A = vector.shape_cast %reduce_sum3A_44 : vector<10000xf32> to vector<10000x1xf32>
    %sqrt3A = math.sqrt %broadcast_in_dim3A : vector<10000x1xf32>
    %max3A_45 = arith.constant 9.99999996E-13 : f32
    %max3A_46 = vector.broadcast %max3A_45 : f32 to vector<10000x1xf32>
    %max3A_47 = arith.maximumf %sqrt3A, %max3A_46 : vector<10000x1xf32>
    %div3A_48 = vector.broadcast %max3A_47 : vector<10000x1xf32> to vector<10000x128xf32>
    %div3A_49 = arith.divf %add3A_42, %div3A_48 : vector<10000x128xf32>
    %reduce_sum3A_50 = arith.constant dense<0.000000e+00> : vector<128xf32>
    %reduce_sum3A_51 = vector.multi_reduction <add>, %div3A_49, %reduce_sum3A_50 [0] : vector<10000x128xf32> to vector<128xf32>
    %broadcast_in_dim3A_52 = vector.shape_cast %reduce_sum3A_51 : vector<128xf32> to vector<1x128xf32>
    %div3A_53 = arith.constant 1.000000e+04 : f32
    %div3A_54 = vector.broadcast %div3A_53 : f32 to vector<1x128xf32>
    %div3A_55 = arith.divf %broadcast_in_dim3A_52, %div3A_54 : vector<1x128xf32>
    %sub3A = vector.broadcast %div3A_55 : vector<1x128xf32> to vector<10000x128xf32>
    %sub3A_56 = arith.subf %div3A_49, %sub3A : vector<10000x128xf32>
    %integer_pow3A = arith.mulf %sub3A_56, %sub3A_56 : vector<10000x128xf32>
    %reduce_sum3A_57 = arith.constant dense<0.000000e+00> : vector<128xf32>
    %reduce_sum3A_58 = vector.multi_reduction <add>, %integer_pow3A, %reduce_sum3A_57 [0] : vector<10000x128xf32> to vector<128xf32>
    %broadcast_in_dim3A_59 = vector.shape_cast %reduce_sum3A_58 : vector<128xf32> to vector<1x128xf32>
    %div3A_60 = arith.constant 1.000000e+04 : f32
    %div3A_61 = vector.broadcast %div3A_60 : f32 to vector<1x128xf32>
    %div3A_62 = arith.divf %broadcast_in_dim3A_59, %div3A_61 : vector<1x128xf32>
    %sub3A_63 = vector.broadcast %div3A_55 : vector<1x128xf32> to vector<10000x128xf32>
    %sub3A_64 = arith.subf %div3A_49, %sub3A_63 : vector<10000x128xf32>
    %add3A_65 = arith.constant 9.99999974E-6 : f32
    %add3A_66 = vector.broadcast %add3A_65 : f32 to vector<1x128xf32>
    %add3A_67 = arith.addf %div3A_62, %add3A_66 : vector<1x128xf32>
    %sqrt3A_68 = math.sqrt %add3A_67 : vector<1x128xf32>
    %div3A_69 = vector.broadcast %sqrt3A_68 : vector<1x128xf32> to vector<10000x128xf32>
    %div3A_70 = arith.divf %sub3A_64, %div3A_69 : vector<10000x128xf32>
    %get3A_71 = arith.constant 0 : index
    %get3A_72 = arith.constant 0 : index
    %get3A_73 = vector.load %arg6[%get3A_71, %get3A_72] : memref<1x128xf32, #tpu.memory_space<vmem>>, vector<1x128xf32>
    %mul3A_74 = vector.broadcast %get3A_73 : vector<1x128xf32> to vector<10000x128xf32>
    %mul3A_75 = arith.mulf %div3A_70, %mul3A_74 : vector<10000x128xf32>
    %get3A_76 = arith.constant 0 : index
    %get3A_77 = arith.constant 0 : index
    %get3A_78 = vector.load %arg7[%get3A_76, %get3A_77] : memref<1x128xf32, #tpu.memory_space<vmem>>, vector<1x128xf32>
    %add3A_79 = vector.broadcast %get3A_78 : vector<1x128xf32> to vector<10000x128xf32>
    %add3A_80 = arith.addf %mul3A_75, %add3A_79 : vector<10000x128xf32>
    %max3A_81 = arith.constant 0.000000e+00 : f32
    %max3A_82 = vector.broadcast %max3A_81 : f32 to vector<10000x128xf32>
    %max3A_83 = arith.maximumf %add3A_80, %max3A_82 : vector<10000x128xf32>
    %swap3A = arith.constant 0 : index
    %swap3A_84 = arith.constant 0 : index
    %swap3A_85 = vector.load %arg8[%swap3A, %swap3A_84] : memref<10000x128xf32, #tpu.memory_space<vmem>>, vector<10000x128xf32>
    tpu.vector_store %arg8[%swap3A, %swap3A_84], %max3A_83 {strides = array<i32>} : memref<10000x128xf32, #tpu.memory_space<vmem>>, vector<10000x128xf32>,
    %swap3A_86 = arith.constant 0 : index
    %swap3A_87 = arith.constant 0 : index
    %swap3A_88 = vector.load %arg9[%swap3A_86, %swap3A_87] : memref<10000x1xf32, #tpu.memory_space<vmem>>, vector<10000x1xf32>
    tpu.vector_store %arg9[%swap3A_86, %swap3A_87], %div3A_23 {strides = array<i32>} : memref<10000x1xf32, #tpu.memory_space<vmem>>, vector<10000x1xf32>,
    return
  }
}

module attributes {stable_mosaic.version = 14 : i64} {
  func.func @_tc_layer2(%arg0: memref<2x10000x128xf32, #tpu.memory_space<vmem>>, %arg1: memref<10000x1xf32, #tpu.memory_space<vmem>>, %arg2: memref<10000x128xf32, #tpu.memory_space<vmem>>, %arg3: memref<128x128xf32, #tpu.memory_space<vmem>>, %arg4: memref<1x128xf32, #tpu.memory_space<vmem>>, %arg5: memref<128x128xf32, #tpu.memory_space<vmem>>, %arg6: memref<10000x128xf32, #tpu.memory_space<vmem>>) attributes {dimension_semantics = [], scalar_prefetch = 0 : i64, scratch_operands = 0 : i64, tpu.core_type = #tpu.core_type<tc>} {
    %get3A = arith.constant 0 : index
    %get3A_0 = arith.constant 0 : index
    %get3A_1 = arith.constant 0 : index
    %get3A_2 = vector.load %arg0[%get3A, %get3A_0, %get3A_1] : memref<2x10000x128xf32, #tpu.memory_space<vmem>>, vector<1x10000x128xf32>
    %get3A_3 = vector.shape_cast %get3A_2 : vector<1x10000x128xf32> to vector<10000x128xf32>
    %get3A_4 = arith.constant 1 : index
    %get3A_5 = arith.constant 0 : index
    %get3A_6 = arith.constant 0 : index
    %get3A_7 = vector.load %arg0[%get3A_4, %get3A_5, %get3A_6] : memref<2x10000x128xf32, #tpu.memory_space<vmem>>, vector<1x10000x128xf32>
    %get3A_8 = vector.shape_cast %get3A_7 : vector<1x10000x128xf32> to vector<10000x128xf32>
    %add3A = arith.addf %get3A_3, %get3A_8 : vector<10000x128xf32>
    %get3A_9 = arith.constant 0 : index
    %get3A_10 = arith.constant 0 : index
    %get3A_11 = vector.load %arg1[%get3A_9, %get3A_10] : memref<10000x1xf32, #tpu.memory_space<vmem>>, vector<10000x1xf32>
    %mul3A = vector.broadcast %get3A_11 : vector<10000x1xf32> to vector<10000x128xf32>
    %mul3A_12 = arith.mulf %add3A, %mul3A : vector<10000x128xf32>
    %get3A_13 = arith.constant 0 : index
    %get3A_14 = arith.constant 0 : index
    %get3A_15 = vector.load %arg3[%get3A_13, %get3A_14] : memref<128x128xf32, #tpu.memory_space<vmem>>, vector<128x128xf32>
    %dot_general3A = arith.constant dense<0.000000e+00> : vector<10000x128xf32>
    %dot_general3A_16 = tpu.matmul %mul3A_12, %get3A_15, %dot_general3A {dimension_numbers = #tpu.dot_dimension_numbers<[1], [0], [0], [1], [0, 0, 1, 1], [], []>, transpose_lhs_hint = false} : vector<10000x128xf32>, vector<128x128xf32>, vector<10000x128xf32> -> vector<10000x128xf32>
    %get3A_17 = arith.constant 0 : index
    %get3A_18 = arith.constant 0 : index
    %get3A_19 = vector.load %arg4[%get3A_17, %get3A_18] : memref<1x128xf32, #tpu.memory_space<vmem>>, vector<1x128xf32>
    %add3A_20 = vector.broadcast %get3A_19 : vector<1x128xf32> to vector<10000x128xf32>
    %add3A_21 = arith.addf %dot_general3A_16, %add3A_20 : vector<10000x128xf32>
    %get3A_22 = arith.constant 0 : index
    %get3A_23 = arith.constant 0 : index
    %get3A_24 = vector.load %arg2[%get3A_22, %get3A_23] : memref<10000x128xf32, #tpu.memory_space<vmem>>, vector<10000x128xf32>
    %get3A_25 = arith.constant 0 : index
    %get3A_26 = arith.constant 0 : index
    %get3A_27 = vector.load %arg5[%get3A_25, %get3A_26] : memref<128x128xf32, #tpu.memory_space<vmem>>, vector<128x128xf32>
    %dot_general3A_28 = arith.constant dense<0.000000e+00> : vector<10000x128xf32>
    %dot_general3A_29 = tpu.matmul %get3A_24, %get3A_27, %dot_general3A_28 {dimension_numbers = #tpu.dot_dimension_numbers<[1], [0], [0], [1], [0, 0, 1, 1], [], []>, transpose_lhs_hint = false} : vector<10000x128xf32>, vector<128x128xf32>, vector<10000x128xf32> -> vector<10000x128xf32>
    %add3A_30 = arith.addf %add3A_21, %dot_general3A_29 : vector<10000x128xf32>
    %mul3A_31 = arith.mulf %add3A_30, %add3A_30 : vector<10000x128xf32>
    %reduce_sum3A = arith.constant dense<0.000000e+00> : vector<10000xf32>
    %reduce_sum3A_32 = vector.multi_reduction <add>, %mul3A_31, %reduce_sum3A [1] : vector<10000x128xf32> to vector<10000xf32>
    %broadcast_in_dim3A = vector.shape_cast %reduce_sum3A_32 : vector<10000xf32> to vector<10000x1xf32>
    %sqrt3A = math.sqrt %broadcast_in_dim3A : vector<10000x1xf32>
    %max3A = arith.constant 9.99999996E-13 : f32
    %max3A_33 = vector.broadcast %max3A : f32 to vector<10000x1xf32>
    %max3A_34 = arith.maximumf %sqrt3A, %max3A_33 : vector<10000x1xf32>
    %div3A = vector.broadcast %max3A_34 : vector<10000x1xf32> to vector<10000x128xf32>
    %div3A_35 = arith.divf %add3A_30, %div3A : vector<10000x128xf32>
    %swap3A = arith.constant 0 : index
    %swap3A_36 = arith.constant 0 : index
    %swap3A_37 = vector.load %arg6[%swap3A, %swap3A_36] : memref<10000x128xf32, #tpu.memory_space<vmem>>, vector<10000x128xf32>
    tpu.vector_store %arg6[%swap3A, %swap3A_36], %div3A_35 {strides = array<i32>} : memref<10000x128xf32, #tpu.memory_space<vmem>>, vector<10000x128xf32>,
    return
  }
}

</mosaic_0001>

<sc_bundles>
// kernel: kernel.6.cloned.1.call-start
scs
__scs_entry_jumppad:
0x0: {  	(pc) =	sbr.rel $0x88, $3  }
0x1: {  	(tag) =	ssettag $0x0;
	lr =	simm.s32 $0x1  }
0x2: {  	[smem:$0x3F97] =	sst lr;
	_ =	strace $0xD0000000  }
0x3: {  	_ = 	snop  }
0x4: {  	_ = 	snop  }
0x5: {  	_ = 	snop  }
0x6: {  	_ = 	snop  }
0x7: {  	_ = 	snop  }
__scs_overlays_trampoline_lowered:
0x8: {  	[smem:$0x3FA6] =	sst s0  }
0x9: {  	[smem:$0x3FA7] =	sst s1  }
0xa: {  	[smem:$0x3FA8] =	sst s2  }
0xb: {  	[smem:$0x3FA9] =	sst s3  }
0xc: {  	[smem:$0x3FAA] =	sst s4  }
0xd: {  	[smem:$0x3FAB] =	sst s5  }
0xe: {  	[smem:$0x3FAC] =	sst s6  }
0xf: {  	[smem:$0x3FAD] =	sst s7  }
0x10: {  	[smem:$0x3FAE] =	sst s8  }
0x11: {  	[smem:$0x3FAF] =	sst s9;
	s0 =	simm.s32 @!p0 $0x0  }
0x12: {  	s1 =	sld [smem:$0x3F95];
	s0 =	simm.s32 @p0 $0x1  }
0x13: {  	[smem:$0x3FB0] =	sst s0;
	s0 =	simm.s32 @!p1 $0x0  }
0x14: {  	s2 =	sld [smem:$0x3F94];
	s0 =	simm.s32 @p1 $0x1  }
0x15: {  	[smem:$0x3FB1] =	sst s0;
	s0 =	simm.s32 @!p2 $0x0  }
0x16: {  	s3 =	sld [smem:$0x3FDB];
	s0 =	simm.s32 @p2 $0x1  }
0x17: {  	s4 =	simm.s32 $0x1BF5;
	[smem:$0x3FB3] =	sst s0  }
0x18: {  	s0 =	sld [smem:$0x3F96];
	_ =	swait.ge [sflag:s4], $0x0  }
0x19: {  	s7 =	sld [smem:$0x3F97]  }
0x1a: {  	s8 =	sadd.s32 $0xFFFFE003, lr  }
0x1b: {  	s9 =	sadd.s32 $0xFFFFFEF7, lr;
	s5 =	simm.s32 $0xFFFFFFFF;
	p2 =	slt.u32 s8, $0xFFFFF086  }
0x1c: {  	p1 =	slt.u32 s9, $0xF7A;
	s5 =	simm.s32 @!p2 $0x0  }
0x1d: {  	s5 =	simm.s32 @p1 $0x1;
	p0 =	seq.s32 s7, s2  }
0x1e: {  	s7 =	smul.u32 @!p0 $0xF7A, s2;
	p2 =	seq.s32 @!p0 s5, $0x0  }
0x1f: {  	s9 =	smul.u32 $0xF7A, s1;
	s8 =	simm.s32 @!p0 $0x1BF5;
	p2 =	por !p2, p0  }
0x20: {  	[sflag:s8] =	ssyncset.s32 @!p0 $0xFFFFF086;
	s6 =	sadd.s32 @!p0 s3, s7;
	s7 =	simm.s32 @!p0 $0x108  }
0x21: {  	s3 =	sadd.s32 s3, s9;
	s6 =	sadd.s32 @!p0 $0x88, s6;
	s7 =	simm.s32 @p2 $0x1082  }
0x22: {  	[simem:s7], [sflag:s8] =	dma.local @!p0 [hbm:s6], $0xF7A  }
0x23: {  	s9 =	sor.u32 $0xD0000000, s2;
	s6 =	simm.s32 $0x108;
	_ =	swait.ge @!p0 [sflag:s8], $0x0  }
0x24: {  	s3 =	sadd.s32 $0x88, s3;
	s6 =	simm.s32 @!p1 $0x1082;
	[sflag:s4] =	ssyncset.s32 $0xFFFFF086  }
0x25: {  	[simem:s6], [sflag:s4] =	dma.local [hbm:s3], $0xF7A  }
0x26: {  	[smem:$0x3F97] =	sst s1;
	(tag) =	ssettag s2;
	_ =	strace s9  }
0x27: {  	s1 =	sld [smem:$0x3FA7]  }
0x28: {  	s2 =	sld [smem:$0x3FA8]  }
0x29: {  	s4 =	sld [smem:$0x3FAA]  }
0x2a: {  	p0 =	seq.s32 s5, $0x0;
	s5 =	sld [smem:$0x3FAB]  }
0x2b: {  	s6 =	sld [smem:$0x3FAC]  }
0x2c: {  	s7 =	sld [smem:$0x3FAD]  }
0x2d: {  	s3 =	simm.s32 $0x108;
	s8 =	sld [smem:$0x3FAE]  }
0x2e: {  	s3 =	simm.s32 @!p0 $0x1082;
	s9 =	sld [smem:$0x3FAF]  }
0x2f: {  	lr =	sadd.s32 s0, s3;
	s0 =	sld [smem:$0x3FA6]  }
0x30: {  	s3 =	sld [smem:$0x3FA9]  }
0x31: {  	[smem:$0x3FB2] =	sst s10  }
0x32: {  	s10 =	sld [smem:$0x3FB0];
	_ =	sdelay $0x3  }
0x33: {  	p0 =	seq.s32 s10, $0x1;
	s10 =	sld [smem:$0x3FB2];
	_ =	sdelay $0x3  }
0x34: {  	[smem:$0x3FB2] =	sst s10  }
0x35: {  	s10 =	sld [smem:$0x3FB1];
	_ =	sdelay $0x3  }
0x36: {  	p1 =	seq.s32 s10, $0x1;
	s10 =	sld [smem:$0x3FB2];
	_ =	sdelay $0x3  }
0x37: {  	[smem:$0x3FB2] =	sst s10  }
0x38: {  	s10 =	sld [smem:$0x3FB3]  }
0x39: {  	_ = 	snop;
	(pc) =	sbr.ind lr, $3  }
0x3a: {  	_ = 	snop  }
0x3b: {  	_ = 	snop  }
0x3c: {  	p2 =	seq.s32 s10, $0x1;
	s10 =	sld [smem:$0x3FB2]  }
0x3d: {  	_ =	shalt  }
0x3e: {  	_ =	shalt  }
0x3f: {  	_ =	shalt  }
0x40: {  	_ =	shalt  }
0x41: {  	_ =	shalt  }
0x42: {  	_ =	shalt  }
0x43: {  	_ =	shalt  }
0x44: {  	_ =	shalt  }
0x45: {  	_ =	shalt  }
0x46: {  	_ =	shalt  }
0x47: {  	_ =	shalt  }
0x48: {  	_ =	shalt  }
0x49: {  	_ =	shalt  }
0x4a: {  	_ =	shalt  }
0x4b: {  	_ =	shalt  }
0x4c: {  	_ =	shalt  }
0x4d: {  	_ =	shalt  }
0x4e: {  	_ =	shalt  }
0x4f: {  	_ =	shalt  }
0x50: {  	_ =	shalt  }
0x51: {  	_ =	shalt  }
0x52: {  	_ =	shalt  }
0x53: {  	_ =	shalt  }
0x54: {  	_ =	shalt  }
0x55: {  	_ =	shalt  }
0x56: {  	_ =	shalt  }
0x57: {  	_ =	shalt  }
0x58: {  	_ =	shalt  }
0x59: {  	_ =	shalt  }
0x5a: {  	_ =	shalt  }
0x5b: {  	_ =	shalt  }
0x5c: {  	_ =	shalt  }
0x5d: {  	_ =	shalt  }
0x5e: {  	_ =	shalt  }
0x5f: {  	_ =	shalt  }
0x60: {  	_ =	shalt  }
0x61: {  	_ =	shalt  }
0x62: {  	_ =	shalt  }
0x63: {  	_ =	shalt  }
0x64: {  	_ =	shalt  }
0x65: {  	_ =	shalt  }
0x66: {  	_ =	shalt  }
0x67: {  	_ =	shalt  }
0x68: {  	_ =	shalt  }
0x69: {  	_ =	shalt  }
0x6a: {  	_ =	shalt  }
0x6b: {  	_ =	shalt  }
0x6c: {  	_ =	shalt  }
0x6d: {  	_ =	shalt  }
0x6e: {  	_ =	shalt  }
0x6f: {  	_ =	shalt  }
0x70: {  	_ =	shalt  }
0x71: {  	_ =	shalt  }
0x72: {  	_ =	shalt  }
0x73: {  	_ =	shalt  }
0x74: {  	_ =	shalt  }
0x75: {  	_ =	shalt  }
0x76: {  	_ =	shalt  }
0x77: {  	_ =	shalt  }
0x78: {  	_ =	shalt  }
0x79: {  	_ =	shalt  }
0x7a: {  	_ =	shalt  }
0x7b: {  	_ =	shalt  }
0x7c: {  	_ =	shalt  }
0x7d: {  	_ =	shalt  }
0x7e: {  	_ =	shalt  }
0x7f: {  	_ =	shalt  }
0x80: {  	_ =	shalt  }
0x81: {  	_ =	shalt  }
0x82: {  	_ =	shalt  }
0x83: {  	_ =	shalt  }
0x84: {  	_ =	shalt  }
0x85: {  	_ =	shalt  }
0x86: {  	_ =	shalt  }
0x87: {  	_ =	shalt  }
.Lfunc_end0:
.L_simem_size_0:
called_computation_lowered:
.L_overlay_start_0:
0x88: {  	s2 =	sld [smem:$0x3FD9]  }
0x89: {  	s3 =	sld [smem:$0x3FFE];
	_ =	sdelay $0x1  }
0x8a: {  	s1 =	srdreg.scid  }
0x8b: {  	s0 =	sand.u32 $0x1, s1  }
0x8c: {  	s17 =	sshll.u32 s0, $0xA;
	s2 =	sadd.s32 s3, s2  }
0x8d: {  	s2 =	sadd.s32 s2, s17  }
0x8e: {  	[smem:$0x3FBE] =	sst s2  }
0x8f: {  	_ = 	snop  }
0x90: {  	s2 =	sld [smem:$0x3FC9]  }
0x91: {  	s18 =	sld [smem:$0x3FD0];
	(tm) =	ssettm $0x1  }
0x92: {  	s4 =	sld [smem:$0x3FFB];
	_ =	sdelay $0x3  }
0x93: {  	_ =	strace s4  }
0x94: {  	s4 =	sld [smem:$0x3FFC];
	_ =	sdelay $0x3  }
0x95: {  	_ =	strace s4  }
0x96: {  	s4 =	sld [smem:$0x3FFD];
	_ =	sdelay $0x3  }
0x97: {  	_ =	strace s4  }
0x98: {  	_ =	strace $0x8FFFFFFF  }
0x99: {  	s19 =	sld [smem:$0x3FDB];
	_ =	sdelay $0x1  }
0x9a: {  	s5 =	simm.s32 $_scs_section_size  }
0x9b: {  	s6 =	simm.s32 $_size__tile_overlayer_lowered;
	s7 =	simm.s32 $_tile_overlayer_lowered  }
0x9c: {  	s22 =	simm.s32 $0x1BFF;
	s21 =	sshll.u32 s7, $0x1;
	s4 =	sadd.s32 s5, s19  }
0x9d: {  	s8 =	simm.s32 $0x0;
	s20 =	sshll.u32 s6, $0x1;
	s6 =	sadd.s32 s21, s4  }
0x9e: {  	[timem:s8], [sflag:s22] =	dma.local [hbm:s6], s20  }
0x9f: {  	_ =	swait.ge [sflag:s22], s20  }
0xa0: {  	s5 =	ssub.s32 $0x0, s20;
	[sflag:s22] =	ssyncset.done $0x0  }
0xa1: {  	[sflag:s22] =	ssyncadd.s32 s5;
	_ =	sdelay $0x1  }
0xa2: {  	s23 =	simm.s32 $0x1B8B  }
0xa3: {  	_ =	swait.ge [sflag:s23], $0x1  }
0xa4: {  	[sflag:s23] =	ssyncset.done $0x0  }
0xa5: {  	s25 =	simm.s32 $0x1B8E;
	s24 =	sld [smem:$0x3FFE];
	[sflag:s23] =	ssyncadd.s32 $0xFFFFFFFF  }
0xa6: {  	s26 =	simm.s32 $execute0_lowered;
	[smem:$0x3FD2] =	sst s25  }
0xa7: {  	s6 =	sshll.u32 s26, $0x1;
	_ =	strace $0x80000046;
	[dreg:$0x1] =	wrdreg $0xFFFFFFFF  }
0xa8: {  	s28 =	simm.s32 $_size_execute0_lowered;
	s4 =	sadd.s32 s4, s6;
	[dreg:$0x0] =	wrdreg $0x0  }
0xa9: {  	s6 =	sshll.u32 s28, $0x1;
	[dreg:$0x2] =	wrdreg s4  }
0xaa: {  	[dreg:$0x3] =	wrdreg s6  }
0xab: {  	[dreg:$0x4] =	wrdreg $0xC0  }
0xac: {  	_ =	task [dreg:s8], $0x5FFFF  }
0xad: {  	[dreg:$0x1] =	wrdreg $0xFFFFFFFF  }
0xae: {  	[dreg:$0x0] =	wrdreg $0x60  }
0xaf: {  	[dreg:$0x2] =	wrdreg s2  }
0xb0: {  	[dreg:$0x3] =	wrdreg s24  }
0xb1: {  	[dreg:$0x4] =	wrdreg s18  }
0xb2: {  	[dreg:$0x5] =	wrdreg $0x86D00  }
0xb3: {  	[dreg:$0x6] =	wrdreg $0x1BF500  }
0xb4: {  	[dreg:$0x7] =	wrdreg $0x9  }
0xb5: {  	_ =	task.clear_ibuf [dreg:s8], $0x8FFFF;
	_ =	strace $0x90000046  }
0xb6: {  	s29 =	simm.s32 $0x9;
	_ =	strace $0x80000048  }
0xb7: {  	_ =	swait.ge [sflag:s29], $0x1  }
0xb8: {  	[sflag:s29] =	ssyncadd.s32 $0xFFFFFFFF  }
0xb9: {  	_ =	strace $0x90000048  }
0xba: {  	_ =	sfence  }
0xbb: {  	s30 =	sld [smem:$0x0];
	_ =	sdelay $0x2  }
0xbc: {  	s31 =	sshll.u32 s1, $0xD;
	s1 =	sshrl.u32 s1, $0x2  }
0xbd: {  	s3 =	sand.u32 $0x4000, s31;
	s1 =	sadd.s32 s1, s30  }
0xbe: {  	s0 =	sor.u32 s3, s0;
	s1 =	sshll.u32 s1, $0x11  }
0xbf: {  	s0 =	sor.u32 s1, s0  }
0xc0: {  	s0 =	sadd.s32 $0x8F2B, s0  }
0xc1: {  	[sflag:s0] =	ssyncadd.remote.s32 $0x1  }
0xc2: {  	_ =	sfence.sel $0xFFFF  }
0xc3: {  	[dreg:$0x0] =	wrdreg $0xFFFFFFFF;
	(pc) =	sbr.abs _section_cstart, $3  }
0xc4: {  	[dreg:$0x1] =	wrdreg $0xFFFFFFFF  }
0xc5: {  	_ =	task.clear_ibuf [dreg:s8], $0x2FFFF;
	_ =	strace $0x9FFFFFFF  }
0xc6: {  	(tm) =	ssettm $0x7FFFFFFF  }
0xc7: {  	_ =	shalt  }
tec
execute0_lowered:
.L_overlay_start_1:
0x0: {  	(tag) =	ssettag $0x1  }
0x1: {  	s0 =	srdreg.scid  }
0x2: {  	s12 =	rddreg [dreg:$0x1];
	s21 =	stileid.u32  }
0x3: {  	s13 =	rddreg [dreg:$0x2];
	s11 =	sand.u32 $0x1, s0;
	s6 =	smul.u32 $0x271, s21  }
0x4: {  	s14 =	sadd.s32 $0x16A00, s12;
	s0 =	ssub.s32 $0x2, s11;
	s18 =	sshll.u32 s11, $0x4  }
0x5: {  	s16 =	smul.u32 $0x138800, s11;
	s1 =	sshrl.u32 s0, $0x1;
	s15 =	sor.u32 s21, s18  }
0x6: {  	s7 =	sadd.s32 $0x7D, s6;
	s8 =	sadd.s32 $0xFA, s6;
	s18 =	smul.u32 $0x27100, s11  }
0x7: {  	s10 =	sadd.s32 $0x177, s6;
	s2 =	ssub.s32 s0, s1;
	s1 =	smul.u32 $0x13880, s21  }
0x8: {  	s17 =	sadd.s32 $0x1F4, s6;
	s3 =	sshll.u32 s7, $0x7;
	s0 =	smul.u32 $0x2710, s21  }
0x9: {  	s4 =	sshll.u32 s8, $0x7;
	s5 =	sshll.u32 s10, $0x7;
	s9 =	sshll.u32 s17, $0x7  }
0xa: {  	s6 =	sshll.u32 s7, $0x4;
	s7 =	sshll.u32 s8, $0x4;
	s8 =	sshll.u32 s10, $0x4  }
0xb: {  	s10 =	sshll.u32 s17, $0x4;
	s15 =	smul.u32 $0x2800, s15;
	s24 =	sadd.s32 s16, s3  }
0xc: {  	s25 =	sadd.s32 s18, s6;
	s19 =	sadd.s32 s1, s16;
	s20 =	sadd.s32 s0, s18  }
0xd: {  	s26 =	sadd.s32 s16, s4;
	s19 =	sshrl.u32 s19, $0x3;
	s22 =	sshrl.u32 s20, $0x3  }
0xe: {  	s20 =	sshrl.u32 s26, $0x3;
	s17 =	sadd.s32 s14, s19;
	s23 =	sadd.s32 s13, s22  }
0xf: {  	s19 =	sshrl.u32 s25, $0x3;
	s25 =	sadd.s32 s16, s5;
	[dreg:$0x6] =	wrdreg s17  }
0x10: {  	s16 =	sadd.s32 s16, s9;
	[dreg:$0x7] =	wrdreg s23;
	s17 =	sshrl.u32 s24, $0x3  }
0x11: {  	s22 =	sadd.s32 s13, s19;
	s23 =	sadd.s32 s14, s20;
	s24 =	sadd.s32 s18, s7  }
0x12: {  	s19 =	sshrl.u32 s25, $0x3;
	s16 =	sshrl.u32 s16, $0x3;
	[dreg:$0x9] =	wrdreg s22  }
0x13: {  	s25 =	sshrl.u32 s15, $0x3;
	s17 =	sadd.s32 s14, s17;
	[dreg:$0xa] =	wrdreg s23  }
0x14: {  	s26 =	sadd.s32 s14, s19;
	s14 =	sadd.s32 s14, s16;
	[dreg:$0x8] =	wrdreg s17  }
0x15: {  	s16 =	sadd.s32 s18, s8;
	s17 =	sshrl.u32 s24, $0x3;
	[dreg:$0xc] =	wrdreg s26  }
0x16: {  	[dreg:$0xd] =	wrdreg s14;
	s19 =	sshrl.u32 s16, $0x3;
	s26 =	sadd.s32 $0xCA00, s12  }
0x17: {  	s12 =	sadd.s32 $0x2A00, s12;
	s16 =	rddreg [dreg:$0x0];
	s17 =	sadd.s32 s13, s17  }
0x18: {  	s14 =	sadd.s32 s12, s25;
	[dreg:$0xb] =	wrdreg s17;
	s17 =	sadd.s32 s18, s10  }
0x19: {  	s18 =	smul.u32 $0x28000, s11;
	s11 =	sadd.s32 s13, s19;
	[dreg:$0x11] =	wrdreg s14  }
0x1a: {  	s19 =	sor.u32 $0x10, s25;
	[dreg:$0xe] =	wrdreg s11;
	s11 =	simm.s32 $0x0  }
0x1b: {  	s22 =	smul.u32 $0x2800, s21;
	s21 =	sadd.s32 s26, s19;
	[smem:$0x7FF] =	sst s11  }
0x1c: {  	[dreg:$0x12] =	wrdreg s21  }
0x1d: {  	s20 =	sshrl.u32 s17, $0x3;
	s24 =	sadd.s32 s22, s18;
	s18 =	rddreg [dreg:$0x3]  }
0x1e: {  	s23 =	sadd.s32 s13, s20;
	s22 =	sadd.s32 s12, s19;
	s19 =	rddreg [dreg:$0x4]  }
0x1f: {  	s20 =	sadd.s32 s26, s25;
	[dreg:$0xf] =	wrdreg s23  }
0x20: {  	s2 =	smax.u32 s2, $0x1;
	[dreg:$0x10] =	wrdreg s20  }
0x21: {  	s15 =	simm.s32 $0x0;
	[dreg:$0x13] =	wrdreg s22;
	s23 =	sor.u32 $0x180, s24  }
0x22: {  	s13 =	sor.u32 $0x100, s24;
	s25 =	sadd.s32 s1, s18;
	s28 =	sadd.s32 s4, s18  }
0x23: {  	s29 =	sadd.s32 s5, s18;
	s30 =	sadd.s32 s9, s18;
	s31 =	sadd.s32 s0, s19  }
0x24: {  	s17 =	sadd.s32 s6, s19;
	s0 =	sadd.s32 s7, s19;
	s1 =	sadd.s32 s8, s19  }
0x25: {  	s24 =	sadd.s32 s10, s19;
	s4 =	simm.s32 $0x3;
	s5 =	simm.s32 $0x7F00  }
0x26: {  	s6 =	simm.s32 $0x100;
	s7 =	simm.s32 $0x1;
	s8 =	simm.s32 $0x7D  }
0x27: {  	s9 =	simm.s32 $0x80;
	s10 =	simm.s32 $0x180;
	s14 =	sshrl.u32 s23, $0x3  }
0x28: {  	s13 =	sshrl.u32 s13, $0x3;
	_ =	strace $0x80000047;
	[dreg:$0x15] =	wrdreg s2  }
0x29: {  	[dreg:$0x14] =	wrdreg s24;
	s20 =	sadd.s32 s14, s12;
	s21 =	sadd.s32 s14, s26  }
0x2a: {  	s22 =	sadd.s32 s13, s12;
	s23 =	sadd.s32 s13, s26;
	s26 =	sadd.s32 s3, s18  }
0x2b: {  	v0 =	vimm.f32 $0.0e+00;
	v1 =	vimm.f32 $1.000000000e+00;
	s3 =	simm.s32 $0x200;
	s12 =	simm.s32 $0x2;
	s13 =	simm.s32 $0x4080  }
.LBB2_1:
0x2c: {  	[dreg:$0x16] =	wrdreg s15  }
0x2d: {  	s14 =	smov.u32 s1;
	s1 =	smov.u32 s0;
	s0 =	smov.u32 s17  }
0x2e: {  	s17 =	smov.u32 s31;
	s31 =	smov.u32 s30;
	s30 =	smov.u32 s29  }
0x2f: {  	s29 =	smov.u32 s28;
	s28 =	smov.u32 s26;
	s2 =	sand.u32 $0xFE00, s11  }
0x30: {  	s26 =	smov.u32 s25;
	s25 =	sand.u32 $0x70, s11;
	s24 =	sshrl.u32 s2, $0x2  }
0x31: {  	s15 =	simm.s32 $0x0;
	s2 =	simm.s32 $0x40;
	s24 =	sor.u32 s25, s24  }
.LBB2_2:
0x32: {  	p0 =	sne.s32 s2, $0xF9C0  }
0x33: {  	[tilespmem:s24+$0x200] =	vst v0;
	s15 =	sadd.s32 $0x10, s15;
	s24 =	smov.u32 s2;
	s2 =	sadd.s32 $0x40, s2  }
.Ltmp0:
0x34: {  	(pc) =	sbr.rel @p0 .LBB2_2-.Ltmp0, $4  }
0x35: {  	_ = 	snop  }
0x36: {  	s24 =	sand.u32 $0xFE00, s24  }
0x37: {  	s25 =	sand.u32 $0x70, s15;
	s24 =	sshrl.u32 s24, $0x2  }
0x38: {  	s24 =	sor.u32 s25, s24  }
0x39: {  	[tilespmem:s24+$0x200] =	vst v0  }
0x3a: {  	[spmem:s26] =	stream.linear.scatter [tilespmem:s3], [sflag:$0x3], $0x3E80, $0x38;
	[tilespmem:$0x1E660] =	vst v63  }
0x3b: {  	_ =	swait.ge [sflag:s4], $0x3E80  }
0x3c: {  	[sflag:s4] =	ssyncset.done $0x0  }
0x3d: {  	[sflag:s4] =	ssyncadd.s32 $0xFFFFC180  }
0x3e: {  	[spmem:s28] =	stream.linear.scatter [tilespmem:s3], [sflag:$0x3], $0x3E80, $0x38;
	[tilespmem:$0x1E660] =	vst v63  }
0x3f: {  	_ =	swait.ge [sflag:s4], $0x3E80  }
0x40: {  	[sflag:s4] =	ssyncset.done $0x0  }
0x41: {  	[sflag:s4] =	ssyncadd.s32 $0xFFFFC180  }
0x42: {  	[spmem:s29] =	stream.linear.scatter [tilespmem:s3], [sflag:$0x3], $0x3E80, $0x38;
	[tilespmem:$0x1E660] =	vst v63  }
0x43: {  	_ =	swait.ge [sflag:s4], $0x3E80  }
0x44: {  	[sflag:s4] =	ssyncset.done $0x0  }
0x45: {  	[sflag:s4] =	ssyncadd.s32 $0xFFFFC180  }
0x46: {  	[spmem:s30] =	stream.linear.scatter [tilespmem:s3], [sflag:$0x3], $0x3E80, $0x38;
	[tilespmem:$0x1E660] =	vst v63  }
0x47: {  	_ =	swait.ge [sflag:s4], $0x3E80  }
0x48: {  	[sflag:s4] =	ssyncset.done $0x0  }
0x49: {  	s25 =	smov.u32 s26;
	[sflag:s4] =	ssyncadd.s32 $0xFFFFC180  }
0x4a: {  	[spmem:s31] =	stream.linear.scatter [tilespmem:s3], [sflag:$0x3], $0x3E80, $0x38;
	[tilespmem:$0x1E660] =	vst v63  }
0x4b: {  	s2 =	simm.s32 $0x40;
	s15 =	simm.s32 $0x0;
	_ =	swait.ge [sflag:s4], $0x3E80  }
0x4c: {  	s26 =	smov.u32 s28;
	s28 =	smov.u32 s29;
	[sflag:s4] =	ssyncset.done $0x0  }
0x4d: {  	s29 =	smov.u32 s30;
	s30 =	smov.u32 s31;
	[sflag:s4] =	ssyncadd.s32 $0xFFFFC180  }
.LBB2_4:
0x4e: {  	p0 =	sne.s32 s2, $0x1F00;
	[tilespmem:s15+$0x7F00] =	vst v0;
	s15 =	smov.u32 s2;
	s2 =	sadd.s32 $0x40, s2  }
.Ltmp1:
0x4f: {  	(pc) =	sbr.rel @p0 .LBB2_4-.Ltmp1, $2  }
0x50: {  	_ =	sdelay $0x2  }
0x51: {  	s15 =	sshra.s32 s15, $0x2  }
0x52: {  	[tilespmem:s15+$0x7F00] =	vst v0  }
0x53: {  	[spmem:s17] =	stream.linear.scatter [tilespmem:s5], [sflag:$0x3], $0x7D0, $0x38;
	[tilespmem:$0x1E660] =	vst v63  }
0x54: {  	_ =	swait.ge [sflag:s4], $0x7D0  }
0x55: {  	[sflag:s4] =	ssyncset.done $0x0  }
0x56: {  	[sflag:s4] =	ssyncadd.s32 $0xFFFFF830  }
0x57: {  	[spmem:s0] =	stream.linear.scatter [tilespmem:s5], [sflag:$0x3], $0x7D0, $0x38;
	[tilespmem:$0x1E660] =	vst v63  }
0x58: {  	_ =	swait.ge [sflag:s4], $0x7D0  }
0x59: {  	[sflag:s4] =	ssyncset.done $0x0  }
0x5a: {  	[sflag:s4] =	ssyncadd.s32 $0xFFFFF830  }
0x5b: {  	[spmem:s1] =	stream.linear.scatter [tilespmem:s5], [sflag:$0x3], $0x7D0, $0x38;
	[tilespmem:$0x1E660] =	vst v63  }
0x5c: {  	_ =	swait.ge [sflag:s4], $0x7D0  }
0x5d: {  	[sflag:s4] =	ssyncset.done $0x0  }
0x5e: {  	[sflag:s4] =	ssyncadd.s32 $0xFFFFF830  }
0x5f: {  	[spmem:s14] =	stream.linear.scatter [tilespmem:s5], [sflag:$0x3], $0x7D0, $0x38;
	[tilespmem:$0x1E660] =	vst v63  }
0x60: {  	s31 =	smov.u32 s17;
	_ =	swait.ge [sflag:s4], $0x7D0  }
0x61: {  	s17 =	smov.u32 s0;
	s0 =	smov.u32 s1;
	[sflag:s4] =	ssyncset.done $0x0  }
0x62: {  	s1 =	smov.u32 s14;
	s14 =	rddreg [dreg:$0x14];
	[sflag:s4] =	ssyncadd.s32 $0xFFFFF830  }
0x63: {  	[spmem:s14] =	stream.linear.scatter [tilespmem:s5], [sflag:$0x3], $0x7D0, $0x38;
	[tilespmem:$0x1E660] =	vst v63  }
0x64: {  	_ =	swait.ge [sflag:s4], $0x7D0  }
0x65: {  	[sflag:s4] =	ssyncset.done $0x0  }
0x66: {  	s2 =	simm.s32 $0x40;
	s15 =	simm.s32 $0x0;
	[sflag:s4] =	ssyncadd.s32 $0xFFFFF830  }
.LBB2_6:
0x67: {  	p0 =	sne.s32 s2, $0x1F00;
	[tilespmem:s15+$0x7F00] =	vst v1;
	s15 =	smov.u32 s2;
	s2 =	sadd.s32 $0x40, s2  }
.Ltmp2:
0x68: {  	(pc) =	sbr.rel @p0 .LBB2_6-.Ltmp2, $2  }
0x69: {  	_ =	sdelay $0x2  }
0x6a: {  	s15 =	sshra.s32 s15, $0x2  }
0x6b: {  	[tilespmem:s15+$0x7F00] =	vst v1  }
0x6c: {  	[bflag:$0x0] =	sbarrier.arrive $0xFFFF  }
0x6d: {  	s2 =	simm.s32 $0x0;
	s24 =	rddreg [dreg:$0x10]  }
0x6e: {  	[tilespmem:s2], [sflag:$0x1] =	stream.linear.gather [hbm4b:s24+s2], $0x80, $0x38;
	[tilespmem:$0x1E660] =	vst v63  }
0x6f: {  	s24 =	rddreg [dreg:$0x11]  }
0x70: {  	[tilespmem:s6], [sflag:$0x1] =	stream.linear.gather [hbm4b:s24+s2], $0x80, $0x38;
	[tilespmem:$0x1E660] =	vst v63  }
0x71: {  	_ =	swait.ge [sflag:s7], $0x80  }
0x72: {  	[sflag:s7] =	ssyncset.done $0x0  }
0x73: {  	[sflag:s7] =	ssyncadd.s32 $0xFFFFFF80  }
0x74: {  	_ =	swait.ge [sflag:s7], $0x80  }
0x75: {  	[sflag:s7] =	ssyncset.done $0x0  }
0x76: {  	[sflag:s7] =	ssyncadd.s32 $0xFFFFFF80  }
0x77: {  	[tilespmem:s3], [sflag:$0x2] =	stream.indirect.gather [hbm4b:s16+s8], $0x80, s2, s8, $0xb8;
	[tilespmem:$0x1E660] =	vst v63  }
0x78: {  	s24 =	rddreg [dreg:$0x12]  }
0x79: {  	[tilespmem:s9], [sflag:$0x1] =	stream.linear.gather [hbm4b:s24+s2], $0x80, $0x38;
	[tilespmem:$0x1E660] =	vst v63  }
0x7a: {  	s24 =	rddreg [dreg:$0x13]  }
0x7b: {  	[tilespmem:s10], [sflag:$0x1] =	stream.linear.gather [hbm4b:s24+s2], $0x80, $0x38;
	[tilespmem:$0x1E660] =	vst v63  }
0x7c: {  	_ =	swait.ge [sflag:s12], $0x3E80  }
0x7d: {  	[sflag:s12] =	ssyncset.done $0x0  }
0x7e: {  	[sflag:s12] =	ssyncadd.s32 $0xFFFFC180  }
0x7f: {  	_ =	swait.ge [sflag:s7], $0x80  }
0x80: {  	[sflag:s7] =	ssyncset.done $0x0  }
0x81: {  	[sflag:s7] =	ssyncadd.s32 $0xFFFFFF80  }
0x82: {  	_ =	swait.ge [sflag:s7], $0x80  }
0x83: {  	[sflag:s7] =	ssyncset.done $0x0  }
0x84: {  	[sflag:s7] =	ssyncadd.s32 $0xFFFFFF80  }
0x85: {  	[tilespmem:s13], [sflag:$0x2] =	stream.indirect.gather [hbm4b:s16+s8], $0x80, s9, s8, $0xb8;
	[tilespmem:$0x1E660] =	vst v63  }
0x86: {  	_ = 	snop  }
0x87: {  	[spmem:s18] =	stream.indirect.scatter.add.f32 [tilespmem:s3], [sflag:$0x3], $0x80, s6, s8, $0xb8;
	[tilespmem:$0x1E660] =	vst v63  }
0x88: {  	_ =	swait.ge [sflag:s4], $0x3E80  }
0x89: {  	[sflag:s4] =	ssyncset.done $0x0  }
0x8a: {  	[sflag:s4] =	ssyncadd.s32 $0xFFFFC180  }
0x8b: {  	[spmem:s19] =	stream.indirect.scatter.add.f32 [tilespmem:s5], [sflag:$0x3], $0x10, s6, s8, $0xb8;
	[tilespmem:$0x1E660] =	vst v63  }
0x8c: {  	_ =	swait.ge [sflag:s4], $0x7D0  }
0x8d: {  	[sflag:s4] =	ssyncset.done $0x0  }
0x8e: {  	s24 =	sadd.s32 $0x0, s23;
	[sflag:s4] =	ssyncadd.s32 $0xFFFFF830  }
0x8f: {  	[tilespmem:s11], [sflag:$0x1] =	stream.linear.gather [hbm4b:s24+s11], $0x80, $0x38;
	[tilespmem:$0x1E660] =	vst v63  }
0x90: {  	s15 =	sadd.s32 $0x0, s22  }
0x91: {  	[tilespmem:s6], [sflag:$0x1] =	stream.linear.gather [hbm4b:s15+s11], $0x80, $0x38;
	[tilespmem:$0x1E660] =	vst v63  }
0x92: {  	_ =	swait.ge [sflag:s12], $0x3E80  }
0x93: {  	[sflag:s12] =	ssyncset.done $0x0  }
0x94: {  	[sflag:s12] =	ssyncadd.s32 $0xFFFFC180  }
0x95: {  	_ =	swait.ge [sflag:s7], $0x80  }
0x96: {  	[sflag:s7] =	ssyncset.done $0x0  }
0x97: {  	[sflag:s7] =	ssyncadd.s32 $0xFFFFFF80  }
0x98: {  	_ =	swait.ge [sflag:s7], $0x80  }
0x99: {  	[sflag:s7] =	ssyncset.done $0x0  }
0x9a: {  	[sflag:s7] =	ssyncadd.s32 $0xFFFFFF80  }
0x9b: {  	[tilespmem:s3], [sflag:$0x2] =	stream.indirect.gather [hbm4b:s16+s8], $0x80, s11, s8, $0xb8;
	[tilespmem:$0x1E660] =	vst v63  }
0x9c: {  	_ = 	snop  }
0x9d: {  	[spmem:s18] =	stream.indirect.scatter.add.f32 [tilespmem:s13], [sflag:$0x3], $0x80, s10, s8, $0xb8;
	[tilespmem:$0x1E660] =	vst v63  }
0x9e: {  	_ =	swait.ge [sflag:s4], $0x3E80  }
0x9f: {  	[sflag:s4] =	ssyncset.done $0x0  }
0xa0: {  	[sflag:s4] =	ssyncadd.s32 $0xFFFFC180  }
0xa1: {  	[spmem:s19] =	stream.indirect.scatter.add.f32 [tilespmem:s5], [sflag:$0x3], $0x10, s10, s8, $0xb8;
	[tilespmem:$0x1E660] =	vst v63  }
0xa2: {  	_ =	swait.ge [sflag:s4], $0x7D0  }
0xa3: {  	s2 =	sadd.s32 $0x0, s20;
	[sflag:s4] =	ssyncset.done $0x0  }
0xa4: {  	s24 =	sadd.s32 $0x0, s21;
	s15 =	simm.s32 $0x20;
	[sflag:s4] =	ssyncadd.s32 $0xFFFFF830  }
0xa5: {  	[tilespmem:s9], [sflag:$0x1] =	stream.linear.gather [hbm4b:s24+s11], $0x80, $0x38;
	[tilespmem:$0x1E660] =	vst v63  }
.LBB2_8:
0xa6: {  	[tilespmem:s10], [sflag:$0x1] =	stream.linear.gather [hbm4b:s2+s11], $0x80, $0x38;
	[tilespmem:$0x1E660] =	vst v63  }
0xa7: {  	s2 =	smov.u32 s15  }
0xa8: {  	p0 =	sne.s32 s15, $0x4C0;
	s15 =	sadd.s32 $0x20, s15;
	_ =	swait.ge [sflag:s12], $0x3E80  }
0xa9: {  	[sflag:s12] =	ssyncset.done $0x0  }
0xaa: {  	[sflag:s12] =	ssyncadd.s32 $0xFFFFC180  }
0xab: {  	_ =	swait.ge [sflag:s7], $0x80  }
0xac: {  	[sflag:s7] =	ssyncset.done $0x0  }
0xad: {  	[sflag:s7] =	ssyncadd.s32 $0xFFFFFF80  }
0xae: {  	_ =	swait.ge [sflag:s7], $0x80  }
0xaf: {  	[sflag:s7] =	ssyncset.done $0x0  }
0xb0: {  	[sflag:s7] =	ssyncadd.s32 $0xFFFFFF80  }
0xb1: {  	[tilespmem:s13], [sflag:$0x2] =	stream.indirect.gather [hbm4b:s16+s8], $0x80, s9, s8, $0xb8;
	[tilespmem:$0x1E660] =	vst v63  }
0xb2: {  	_ = 	snop  }
0xb3: {  	[spmem:s18] =	stream.indirect.scatter.add.f32 [tilespmem:s3], [sflag:$0x3], $0x80, s6, s8, $0xb8;
	[tilespmem:$0x1E660] =	vst v63  }
0xb4: {  	_ =	swait.ge [sflag:s4], $0x3E80  }
0xb5: {  	[sflag:s4] =	ssyncset.done $0x0  }
0xb6: {  	[sflag:s4] =	ssyncadd.s32 $0xFFFFC180  }
0xb7: {  	[spmem:s19] =	stream.indirect.scatter.add.f32 [tilespmem:s5], [sflag:$0x3], $0x10, s6, s8, $0xb8;
	[tilespmem:$0x1E660] =	vst v63  }
0xb8: {  	_ =	swait.ge [sflag:s4], $0x7D0  }
0xb9: {  	[sflag:s4] =	ssyncset.done $0x0  }
0xba: {  	s24 =	sadd.s32 s2, s23;
	[sflag:s4] =	ssyncadd.s32 $0xFFFFF830  }
0xbb: {  	[tilespmem:s11], [sflag:$0x1] =	stream.linear.gather [hbm4b:s24+s11], $0x80, $0x38;
	[tilespmem:$0x1E660] =	vst v63  }
0xbc: {  	s24 =	sadd.s32 s2, s22  }
0xbd: {  	[tilespmem:s6], [sflag:$0x1] =	stream.linear.gather [hbm4b:s24+s11], $0x80, $0x38;
	[tilespmem:$0x1E660] =	vst v63  }
0xbe: {  	_ =	swait.ge [sflag:s12], $0x3E80  }
0xbf: {  	[sflag:s12] =	ssyncset.done $0x0  }
0xc0: {  	[sflag:s12] =	ssyncadd.s32 $0xFFFFC180  }
0xc1: {  	_ =	swait.ge [sflag:s7], $0x80  }
0xc2: {  	[sflag:s7] =	ssyncset.done $0x0  }
0xc3: {  	[sflag:s7] =	ssyncadd.s32 $0xFFFFFF80  }
0xc4: {  	_ =	swait.ge [sflag:s7], $0x80  }
0xc5: {  	[sflag:s7] =	ssyncset.done $0x0  }
0xc6: {  	[sflag:s7] =	ssyncadd.s32 $0xFFFFFF80  }
0xc7: {  	[tilespmem:s3], [sflag:$0x2] =	stream.indirect.gather [hbm4b:s16+s8], $0x80, s11, s8, $0xb8;
	[tilespmem:$0x1E660] =	vst v63  }
0xc8: {  	_ = 	snop  }
0xc9: {  	[spmem:s18] =	stream.indirect.scatter.add.f32 [tilespmem:s13], [sflag:$0x3], $0x80, s10, s8, $0xb8;
	[tilespmem:$0x1E660] =	vst v63  }
0xca: {  	_ =	swait.ge [sflag:s4], $0x3E80  }
0xcb: {  	[sflag:s4] =	ssyncset.done $0x0  }
0xcc: {  	[sflag:s4] =	ssyncadd.s32 $0xFFFFC180  }
0xcd: {  	[spmem:s19] =	stream.indirect.scatter.add.f32 [tilespmem:s5], [sflag:$0x3], $0x10, s10, s8, $0xb8;
	[tilespmem:$0x1E660] =	vst v63  }
.Ltmp3:
0xce: {  	_ =	swait.ge [sflag:s4], $0x7D0;
	(pc) =	sbr.rel @p0 .LBB2_8-.Ltmp3, $4  }
0xcf: {  	[sflag:s4] =	ssyncset.done $0x0  }
0xd0: {  	s24 =	sadd.s32 s2, s21;
	[sflag:s4] =	ssyncadd.s32 $0xFFFFF830  }
0xd1: {  	[tilespmem:s9], [sflag:$0x1] =	stream.linear.gather [hbm4b:s24+s11], $0x80, $0x38;
	[tilespmem:$0x1E660] =	vst v63  }
0xd2: {  	s2 =	sadd.s32 s2, s20  }
0xd3: {  	[tilespmem:s10], [sflag:$0x1] =	stream.linear.gather [hbm4b:s2+s11], $0x80, $0x38;
	[tilespmem:$0x1E660] =	vst v63  }
0xd4: {  	_ =	swait.ge [sflag:s12], $0x3E80  }
0xd5: {  	[sflag:s12] =	ssyncset.done $0x0  }
0xd6: {  	[sflag:s12] =	ssyncadd.s32 $0xFFFFC180  }
0xd7: {  	_ =	swait.ge [sflag:s7], $0x80  }
0xd8: {  	[sflag:s7] =	ssyncset.done $0x0  }
0xd9: {  	[sflag:s7] =	ssyncadd.s32 $0xFFFFFF80  }
0xda: {  	_ =	swait.ge [sflag:s7], $0x80  }
0xdb: {  	[sflag:s7] =	ssyncset.done $0x0  }
0xdc: {  	[sflag:s7] =	ssyncadd.s32 $0xFFFFFF80  }
0xdd: {  	[tilespmem:s13], [sflag:$0x2] =	stream.indirect.gather [hbm4b:s16+s8], $0x80, s9, s8, $0xb8;
	[tilespmem:$0x1E660] =	vst v63  }
0xde: {  	_ = 	snop  }
0xdf: {  	[spmem:s18] =	stream.indirect.scatter.add.f32 [tilespmem:s3], [sflag:$0x3], $0x80, s6, s8, $0xb8;
	[tilespmem:$0x1E660] =	vst v63  }
0xe0: {  	_ =	swait.ge [sflag:s4], $0x3E80  }
0xe1: {  	[sflag:s4] =	ssyncset.done $0x0  }
0xe2: {  	[sflag:s4] =	ssyncadd.s32 $0xFFFFC180  }
0xe3: {  	[spmem:s19] =	stream.indirect.scatter.add.f32 [tilespmem:s5], [sflag:$0x3], $0x10, s6, s8, $0xb8;
	[tilespmem:$0x1E660] =	vst v63  }
0xe4: {  	_ =	swait.ge [sflag:s4], $0x7D0  }
0xe5: {  	[sflag:s4] =	ssyncset.done $0x0  }
0xe6: {  	[sflag:s4] =	ssyncadd.s32 $0xFFFFF830  }
0xe7: {  	_ =	swait.ge [sflag:s12], $0x3E80  }
0xe8: {  	[sflag:s12] =	ssyncset.done $0x0  }
0xe9: {  	[sflag:s12] =	ssyncadd.s32 $0xFFFFC180  }
0xea: {  	[spmem:s18] =	stream.indirect.scatter.add.f32 [tilespmem:s13], [sflag:$0x3], $0x80, s10, s8, $0xb8;
	[tilespmem:$0x1E660] =	vst v63  }
0xeb: {  	_ =	swait.ge [sflag:s4], $0x3E80  }
0xec: {  	[sflag:s4] =	ssyncset.done $0x0  }
0xed: {  	[sflag:s4] =	ssyncadd.s32 $0xFFFFC180  }
0xee: {  	[spmem:s19] =	stream.indirect.scatter.add.f32 [tilespmem:s5], [sflag:$0x3], $0x10, s10, s8, $0xb8;
	[tilespmem:$0x1E660] =	vst v63  }
0xef: {  	_ =	swait.ge [sflag:s4], $0x7D0  }
0xf0: {  	[sflag:s4] =	ssyncset.done $0x0  }
0xf1: {  	s15 =	stileid.u32;
	[sflag:s4] =	ssyncadd.s32 $0xFFFFF830  }
0xf2: {  	s2 =	sshll.u32 s15, $0x6;
	[bflag:$0x0] =	sbarrier.arrive $0xFFFF  }
0xf3: {  	s15 =	sshrl.u32 s25, $0x3;
	s2 =	sor.u32 $0x1C03, s2;
	s24 =	rddreg [dreg:$0x6]  }
0xf4: {  	[hbm:s24], [sflag:s2] =	dma.local [spmem:s15], $0x7D0  }
0xf5: {  	_ =	swait.ge [sflag:s4], $0x7D0  }
0xf6: {  	[sflag:s4] =	ssyncset.done $0x0  }
0xf7: {  	s15 =	sshrl.u32 s31, $0x3;
	s24 =	rddreg [dreg:$0x7];
	[sflag:s4] =	ssyncadd.s32 $0xFFFFF830  }
0xf8: {  	[hbm:s24], [sflag:s2] =	dma.local [spmem:s15], $0xFA  }
0xf9: {  	_ =	swait.ge [sflag:s4], $0xFA  }
0xfa: {  	[sflag:s4] =	ssyncset.done $0x0  }
0xfb: {  	s15 =	sshrl.u32 s26, $0x3;
	s24 =	rddreg [dreg:$0x8];
	[sflag:s4] =	ssyncadd.s32 $0xFFFFFF06  }
0xfc: {  	[hbm:s24], [sflag:s2] =	dma.local [spmem:s15], $0x7D0  }
0xfd: {  	_ =	swait.ge [sflag:s4], $0x7D0  }
0xfe: {  	[sflag:s4] =	ssyncset.done $0x0  }
0xff: {  	s15 =	sshrl.u32 s17, $0x3;
	s24 =	rddreg [dreg:$0x9];
	[sflag:s4] =	ssyncadd.s32 $0xFFFFF830  }
0x100: {  	[hbm:s24], [sflag:s2] =	dma.local [spmem:s15], $0xFA  }
0x101: {  	_ =	swait.ge [sflag:s4], $0xFA  }
0x102: {  	[sflag:s4] =	ssyncset.done $0x0  }
0x103: {  	s15 =	sshrl.u32 s28, $0x3;
	s24 =	rddreg [dreg:$0xa];
	[sflag:s4] =	ssyncadd.s32 $0xFFFFFF06  }
0x104: {  	[hbm:s24], [sflag:s2] =	dma.local [spmem:s15], $0x7D0  }
0x105: {  	_ =	swait.ge [sflag:s4], $0x7D0  }
0x106: {  	[sflag:s4] =	ssyncset.done $0x0  }
0x107: {  	s15 =	sshrl.u32 s0, $0x3;
	s24 =	rddreg [dreg:$0xb];
	[sflag:s4] =	ssyncadd.s32 $0xFFFFF830  }
0x108: {  	[hbm:s24], [sflag:s2] =	dma.local [spmem:s15], $0xFA  }
0x109: {  	_ =	swait.ge [sflag:s4], $0xFA  }
0x10a: {  	[sflag:s4] =	ssyncset.done $0x0  }
0x10b: {  	s15 =	sshrl.u32 s29, $0x3;
	s24 =	rddreg [dreg:$0xc];
	[sflag:s4] =	ssyncadd.s32 $0xFFFFFF06  }
0x10c: {  	[hbm:s24], [sflag:s2] =	dma.local [spmem:s15], $0x7D0  }
0x10d: {  	_ =	swait.ge [sflag:s4], $0x7D0  }
0x10e: {  	[sflag:s4] =	ssyncset.done $0x0  }
0x10f: {  	s15 =	sshrl.u32 s1, $0x3;
	s24 =	rddreg [dreg:$0xe];
	[sflag:s4] =	ssyncadd.s32 $0xFFFFF830  }
0x110: {  	[hbm:s24], [sflag:s2] =	dma.local [spmem:s15], $0xFA  }
0x111: {  	_ =	swait.ge [sflag:s4], $0xFA  }
0x112: {  	[sflag:s4] =	ssyncset.done $0x0  }
0x113: {  	s15 =	sshrl.u32 s30, $0x3;
	s24 =	rddreg [dreg:$0xd];
	[sflag:s4] =	ssyncadd.s32 $0xFFFFFF06  }
0x114: {  	[hbm:s24], [sflag:s2] =	dma.local [spmem:s15], $0x7D0  }
0x115: {  	_ =	swait.ge [sflag:s4], $0x7D0  }
0x116: {  	[sflag:s4] =	ssyncset.done $0x0  }
0x117: {  	s24 =	sshrl.u32 s14, $0x3;
	s14 =	rddreg [dreg:$0xf];
	[sflag:s4] =	ssyncadd.s32 $0xFFFFF830  }
0x118: {  	[hbm:s14], [sflag:s2] =	dma.local [spmem:s24], $0xFA  }
0x119: {  	_ =	swait.ge [sflag:s4], $0xFA  }
0x11a: {  	s14 =	rddreg [dreg:$0x16]  }
0x11b: {  	s24 =	rddreg [dreg:$0x15];
	s15 =	sadd.s32 $0x1, s14  }
0x11c: {  	p0 =	sne.s32 s15, s24  }
.Ltmp4:
0x11d: {  	_ = 	snop;
	(pc) =	sbr.rel @p0 .LBB2_1-.Ltmp4, $3  }
0x11e: {  	_ =	sdelay $0x1  }
0x11f: {  	[sflag:s4] =	ssyncset.done $0x0  }
0x120: {  	[sflag:s4] =	ssyncadd.s32 $0xFFFFFF06  }
0x121: {  	_ =	sfence.sel $0x180000  }
0x122: {  	[bflag:$0x0] =	sbarrier.arrive $0xFFFF  }
0x123: {  	_ =	strace $0x90000047  }
0x124: {  	s0 =	stileid.u32;
	[bflag:$0x2] =	sbarrier.arrive $0xFFFF  }
0x125: {  	p0 =	sne.s32 s0, $0x0;
	s0 =	rddreg [dreg:$0x5]  }
0x126: {  	s0 =	sadd.s32 @!p0 $0x100000, s0  }
0x127: {  	[sflag:s0] =	ssyncadd.tile.s32 @!p0 $0x1;
	_ =	shalt  }
.Lfunc_end2:
_tile_overlayer_lowered:
.L_overlay_start_2:
0x128: {  	(tag) =	ssettag $0x2  }
0x129: {  	s0 =	rddreg [dreg:$0x0];
	s2 =	stileid.u32  }
0x12a: {  	s1 =	rddreg [dreg:$0x1];
	p0 =	sne.s32 s2, $0x0  }
0x12b: {  	s3 =	rddreg [dreg:$0x2];
	[bflag:$0x3] =	sbarrier.arrive $0xFFFF;
	s2 =	simm.s32 @!p0 $0x1C03  }
0x12c: {  	[timem:s3], [sflag:s2] =	dma.local @!p0 [hbm:s0], s1  }
0x12d: {  	s0 =	simm.s32 @!p0 $0x3  }
0x12e: {  	_ =	swait.ge @!p0 [sflag:s0], s1  }
0x12f: {  	s1 =	ssub.s32 @!p0 $0x0, s1;
	[sflag:s0] =	ssyncset.done @!p0 $0x0  }
0x130: {  	[sflag:s0] =	ssyncadd.s32 @!p0 s1  }
0x131: {  	[bflag:$0x3] =	sbarrier.arrive $0xFFFF  }
0x132: {  	_ =	shalt  }

// kernel: kernel.9.cloned.1.call-start
scs
__scs_entry_jumppad:
0x0: {  	(pc) =	sbr.rel $0x88, $3  }
0x1: {  	(tag) =	ssettag $0x0;
	lr =	simm.s32 $0x1  }
0x2: {  	[smem:$0x3F97] =	sst lr;
	_ =	strace $0xD0000000  }
0x3: {  	_ = 	snop  }
0x4: {  	_ = 	snop  }
0x5: {  	_ = 	snop  }
0x6: {  	_ = 	snop  }
0x7: {  	_ = 	snop  }
__scs_overlays_trampoline_lowered:
0x8: {  	[smem:$0x3FA6] =	sst s0  }
0x9: {  	[smem:$0x3FA7] =	sst s1  }
0xa: {  	[smem:$0x3FA8] =	sst s2  }
0xb: {  	[smem:$0x3FA9] =	sst s3  }
0xc: {  	[smem:$0x3FAA] =	sst s4  }
0xd: {  	[smem:$0x3FAB] =	sst s5  }
0xe: {  	[smem:$0x3FAC] =	sst s6  }
0xf: {  	[smem:$0x3FAD] =	sst s7  }
0x10: {  	[smem:$0x3FAE] =	sst s8  }
0x11: {  	[smem:$0x3FAF] =	sst s9;
	s0 =	simm.s32 @!p0 $0x0  }
0x12: {  	s1 =	sld [smem:$0x3F95];
	s0 =	simm.s32 @p0 $0x1  }
0x13: {  	[smem:$0x3FB0] =	sst s0;
	s0 =	simm.s32 @!p1 $0x0  }
0x14: {  	s2 =	sld [smem:$0x3F94];
	s0 =	simm.s32 @p1 $0x1  }
0x15: {  	[smem:$0x3FB1] =	sst s0;
	s0 =	simm.s32 @!p2 $0x0  }
0x16: {  	s3 =	sld [smem:$0x3FDB];
	s0 =	simm.s32 @p2 $0x1  }
0x17: {  	s4 =	simm.s32 $0x1BF5;
	[smem:$0x3FB3] =	sst s0  }
0x18: {  	s0 =	sld [smem:$0x3F96];
	_ =	swait.ge [sflag:s4], $0x0  }
0x19: {  	s7 =	sld [smem:$0x3F97]  }
0x1a: {  	s8 =	sadd.s32 $0xFFFFE003, lr  }
0x1b: {  	s9 =	sadd.s32 $0xFFFFFEF7, lr;
	s5 =	simm.s32 $0xFFFFFFFF;
	p2 =	slt.u32 s8, $0xFFFFF086  }
0x1c: {  	p1 =	slt.u32 s9, $0xF7A;
	s5 =	simm.s32 @!p2 $0x0  }
0x1d: {  	s5 =	simm.s32 @p1 $0x1;
	p0 =	seq.s32 s7, s2  }
0x1e: {  	s7 =	smul.u32 @!p0 $0xF7A, s2;
	p2 =	seq.s32 @!p0 s5, $0x0  }
0x1f: {  	s9 =	smul.u32 $0xF7A, s1;
	s8 =	simm.s32 @!p0 $0x1BF5;
	p2 =	por !p2, p0  }
0x20: {  	[sflag:s8] =	ssyncset.s32 @!p0 $0xFFFFF086;
	s6 =	sadd.s32 @!p0 s3, s7;
	s7 =	simm.s32 @!p0 $0x108  }
0x21: {  	s3 =	sadd.s32 s3, s9;
	s6 =	sadd.s32 @!p0 $0x88, s6;
	s7 =	simm.s32 @p2 $0x1082  }
0x22: {  	[simem:s7], [sflag:s8] =	dma.local @!p0 [hbm:s6], $0xF7A  }
0x23: {  	s9 =	sor.u32 $0xD0000000, s2;
	s6 =	simm.s32 $0x108;
	_ =	swait.ge @!p0 [sflag:s8], $0x0  }
0x24: {  	s3 =	sadd.s32 $0x88, s3;
	s6 =	simm.s32 @!p1 $0x1082;
	[sflag:s4] =	ssyncset.s32 $0xFFFFF086  }
0x25: {  	[simem:s6], [sflag:s4] =	dma.local [hbm:s3], $0xF7A  }
0x26: {  	[smem:$0x3F97] =	sst s1;
	(tag) =	ssettag s2;
	_ =	strace s9  }
0x27: {  	s1 =	sld [smem:$0x3FA7]  }
0x28: {  	s2 =	sld [smem:$0x3FA8]  }
0x29: {  	s4 =	sld [smem:$0x3FAA]  }
0x2a: {  	p0 =	seq.s32 s5, $0x0;
	s5 =	sld [smem:$0x3FAB]  }
0x2b: {  	s6 =	sld [smem:$0x3FAC]  }
0x2c: {  	s7 =	sld [smem:$0x3FAD]  }
0x2d: {  	s3 =	simm.s32 $0x108;
	s8 =	sld [smem:$0x3FAE]  }
0x2e: {  	s3 =	simm.s32 @!p0 $0x1082;
	s9 =	sld [smem:$0x3FAF]  }
0x2f: {  	lr =	sadd.s32 s0, s3;
	s0 =	sld [smem:$0x3FA6]  }
0x30: {  	s3 =	sld [smem:$0x3FA9]  }
0x31: {  	[smem:$0x3FB2] =	sst s10  }
0x32: {  	s10 =	sld [smem:$0x3FB0];
	_ =	sdelay $0x3  }
0x33: {  	p0 =	seq.s32 s10, $0x1;
	s10 =	sld [smem:$0x3FB2];
	_ =	sdelay $0x3  }
0x34: {  	[smem:$0x3FB2] =	sst s10  }
0x35: {  	s10 =	sld [smem:$0x3FB1];
	_ =	sdelay $0x3  }
0x36: {  	p1 =	seq.s32 s10, $0x1;
	s10 =	sld [smem:$0x3FB2];
	_ =	sdelay $0x3  }
0x37: {  	[smem:$0x3FB2] =	sst s10  }
0x38: {  	s10 =	sld [smem:$0x3FB3]  }
0x39: {  	_ = 	snop;
	(pc) =	sbr.ind lr, $3  }
0x3a: {  	_ = 	snop  }
0x3b: {  	_ = 	snop  }
0x3c: {  	p2 =	seq.s32 s10, $0x1;
	s10 =	sld [smem:$0x3FB2]  }
0x3d: {  	_ =	shalt  }
0x3e: {  	_ =	shalt  }
0x3f: {  	_ =	shalt  }
0x40: {  	_ =	shalt  }
0x41: {  	_ =	shalt  }
0x42: {  	_ =	shalt  }
0x43: {  	_ =	shalt  }
0x44: {  	_ =	shalt  }
0x45: {  	_ =	shalt  }
0x46: {  	_ =	shalt  }
0x47: {  	_ =	shalt  }
0x48: {  	_ =	shalt  }
0x49: {  	_ =	shalt  }
0x4a: {  	_ =	shalt  }
0x4b: {  	_ =	shalt  }
0x4c: {  	_ =	shalt  }
0x4d: {  	_ =	shalt  }
0x4e: {  	_ =	shalt  }
0x4f: {  	_ =	shalt  }
0x50: {  	_ =	shalt  }
0x51: {  	_ =	shalt  }
0x52: {  	_ =	shalt  }
0x53: {  	_ =	shalt  }
0x54: {  	_ =	shalt  }
0x55: {  	_ =	shalt  }
0x56: {  	_ =	shalt  }
0x57: {  	_ =	shalt  }
0x58: {  	_ =	shalt  }
0x59: {  	_ =	shalt  }
0x5a: {  	_ =	shalt  }
0x5b: {  	_ =	shalt  }
0x5c: {  	_ =	shalt  }
0x5d: {  	_ =	shalt  }
0x5e: {  	_ =	shalt  }
0x5f: {  	_ =	shalt  }
0x60: {  	_ =	shalt  }
0x61: {  	_ =	shalt  }
0x62: {  	_ =	shalt  }
0x63: {  	_ =	shalt  }
0x64: {  	_ =	shalt  }
0x65: {  	_ =	shalt  }
0x66: {  	_ =	shalt  }
0x67: {  	_ =	shalt  }
0x68: {  	_ =	shalt  }
0x69: {  	_ =	shalt  }
0x6a: {  	_ =	shalt  }
0x6b: {  	_ =	shalt  }
0x6c: {  	_ =	shalt  }
0x6d: {  	_ =	shalt  }
0x6e: {  	_ =	shalt  }
0x6f: {  	_ =	shalt  }
0x70: {  	_ =	shalt  }
0x71: {  	_ =	shalt  }
0x72: {  	_ =	shalt  }
0x73: {  	_ =	shalt  }
0x74: {  	_ =	shalt  }
0x75: {  	_ =	shalt  }
0x76: {  	_ =	shalt  }
0x77: {  	_ =	shalt  }
0x78: {  	_ =	shalt  }
0x79: {  	_ =	shalt  }
0x7a: {  	_ =	shalt  }
0x7b: {  	_ =	shalt  }
0x7c: {  	_ =	shalt  }
0x7d: {  	_ =	shalt  }
0x7e: {  	_ =	shalt  }
0x7f: {  	_ =	shalt  }
0x80: {  	_ =	shalt  }
0x81: {  	_ =	shalt  }
0x82: {  	_ =	shalt  }
0x83: {  	_ =	shalt  }
0x84: {  	_ =	shalt  }
0x85: {  	_ =	shalt  }
0x86: {  	_ =	shalt  }
0x87: {  	_ =	shalt  }
.Lfunc_end0:
.L_simem_size_0:
called_computation.1_lowered:
.L_overlay_start_0:
0x88: {  	s2 =	sld [smem:$0x3FD9]  }
0x89: {  	s3 =	sld [smem:$0x3FFE];
	_ =	sdelay $0x1  }
0x8a: {  	s1 =	srdreg.scid  }
0x8b: {  	s0 =	sand.u32 $0x1, s1  }
0x8c: {  	s17 =	sshll.u32 s0, $0xA;
	s2 =	sadd.s32 s3, s2  }
0x8d: {  	s2 =	sadd.s32 s2, s17  }
0x8e: {  	[smem:$0x3FBE] =	sst s2  }
0x8f: {  	_ = 	snop  }
0x90: {  	s2 =	sld [smem:$0x3FD0];
	(tm) =	ssettm $0x1  }
0x91: {  	s18 =	sld [smem:$0x3FFB];
	_ =	sdelay $0x3  }
0x92: {  	_ =	strace s18  }
0x93: {  	s3 =	sld [smem:$0x3FFC];
	_ =	sdelay $0x3  }
0x94: {  	_ =	strace s3  }
0x95: {  	s3 =	sld [smem:$0x3FFD];
	_ =	sdelay $0x3  }
0x96: {  	_ =	strace s3  }
0x97: {  	_ =	strace $0x8FFFFFFF  }
0x98: {  	s19 =	sld [smem:$0x3FDB];
	_ =	sdelay $0x1  }
0x99: {  	s4 =	simm.s32 $_scs_section_size  }
0x9a: {  	s5 =	simm.s32 $_size__tile_overlayer_lowered;
	s6 =	simm.s32 $_tile_overlayer_lowered  }
0x9b: {  	s22 =	simm.s32 $0x1BFF;
	s21 =	sshll.u32 s6, $0x1;
	s3 =	sadd.s32 s4, s19  }
0x9c: {  	s7 =	simm.s32 $0x0;
	s20 =	sshll.u32 s5, $0x1;
	s5 =	sadd.s32 s21, s3  }
0x9d: {  	[timem:s7], [sflag:s22] =	dma.local [hbm:s5], s20  }
0x9e: {  	_ =	swait.ge [sflag:s22], s20  }
0x9f: {  	s4 =	ssub.s32 $0x0, s20;
	[sflag:s22] =	ssyncset.done $0x0  }
0xa0: {  	[sflag:s22] =	ssyncadd.s32 s4;
	_ =	sdelay $0x1  }
0xa1: {  	s23 =	simm.s32 $0x1B8B  }
0xa2: {  	_ =	swait.ge [sflag:s23], $0x1  }
0xa3: {  	[sflag:s23] =	ssyncset.done $0x0  }
0xa4: {  	s25 =	simm.s32 $0x1B8E;
	s24 =	sld [smem:$0x3FFE];
	[sflag:s23] =	ssyncadd.s32 $0xFFFFFFFF  }
0xa5: {  	s26 =	simm.s32 $execute0_lowered;
	[smem:$0x3FD2] =	sst s25  }
0xa6: {  	s5 =	sshll.u32 s26, $0x1;
	_ =	strace $0x80000049;
	[dreg:$0x1] =	wrdreg $0xFFFFFFFF  }
0xa7: {  	s28 =	simm.s32 $_size_execute0_lowered;
	s3 =	sadd.s32 s3, s5;
	[dreg:$0x0] =	wrdreg $0x0  }
0xa8: {  	s5 =	sshll.u32 s28, $0x1;
	[dreg:$0x2] =	wrdreg s3  }
0xa9: {  	[dreg:$0x3] =	wrdreg s5  }
0xaa: {  	[dreg:$0x4] =	wrdreg $0xC0  }
0xab: {  	_ =	task [dreg:s7], $0x5FFFF  }
0xac: {  	[dreg:$0x1] =	wrdreg $0xFFFFFFFF  }
0xad: {  	[dreg:$0x0] =	wrdreg $0x60  }
0xae: {  	[dreg:$0x2] =	wrdreg s2  }
0xaf: {  	[dreg:$0x3] =	wrdreg s24  }
0xb0: {  	[dreg:$0x4] =	wrdreg $0x7F000  }
0xb1: {  	[dreg:$0x5] =	wrdreg $0x9  }
0xb2: {  	_ =	task.clear_ibuf [dreg:s7], $0x6FFFF;
	_ =	strace $0x90000049  }
0xb3: {  	s29 =	simm.s32 $0x9;
	_ =	strace $0x8000004B  }
0xb4: {  	_ =	swait.ge [sflag:s29], $0x1  }
0xb5: {  	[sflag:s29] =	ssyncadd.s32 $0xFFFFFFFF  }
0xb6: {  	_ =	strace $0x9000004B  }
0xb7: {  	_ =	sfence  }
0xb8: {  	s30 =	sld [smem:$0x0];
	_ =	sdelay $0x2  }
0xb9: {  	s31 =	sshll.u32 s1, $0xD;
	s1 =	sshrl.u32 s1, $0x2  }
0xba: {  	s3 =	sand.u32 $0x4000, s31;
	s1 =	sadd.s32 s1, s30  }
0xbb: {  	s0 =	sor.u32 s3, s0;
	s1 =	sshll.u32 s1, $0x11  }
0xbc: {  	s0 =	sor.u32 s1, s0  }
0xbd: {  	s0 =	sadd.s32 $0x8F2B, s0  }
0xbe: {  	[sflag:s0] =	ssyncadd.remote.s32 $0x1  }
0xbf: {  	_ =	sfence.sel $0xFFFF  }
0xc0: {  	[dreg:$0x0] =	wrdreg $0xFFFFFFFF;
	(pc) =	sbr.abs _section_cstart, $3  }
0xc1: {  	[dreg:$0x1] =	wrdreg $0xFFFFFFFF  }
0xc2: {  	_ =	task.clear_ibuf [dreg:s7], $0x2FFFF;
	_ =	strace $0x9FFFFFFF  }
0xc3: {  	(tm) =	ssettm $0x7FFFFFFF  }
tec
execute0_lowered:
.L_overlay_start_1:
0x0: {  	(tag) =	ssettag $0x1  }
0x1: {  	s1 =	rddreg [dreg:$0x0]  }
0x2: {  	s0 =	rddreg [dreg:$0x1]  }
0x3: {  	s2 =	rddreg [dreg:$0x2];
	s3 =	simm.s32 $0x0;
	s4 =	srdreg.scid  }
0x4: {  	s21 =	stileid.u32;
	s28 =	simm.s32 $0x1;
	s29 =	simm.s32 $0x7D  }
0x5: {  	s30 =	simm.s32 $0x80;
	s31 =	simm.s32 $0x180;
	[smem:$0x7FF] =	sst s3  }
0x6: {  	s10 =	sadd.s32 $0xCA00, s0;
	s4 =	sand.u32 $0x1, s4;
	s12 =	smul.u32 $0x13880, s21  }
0x7: {  	s11 =	sadd.s32 $0x2A00, s0;
	s0 =	sadd.s32 $0x16A00, s0;
	s22 =	smul.u32 $0x2800, s21  }
0x8: {  	_ =	strace $0x8000004A;
	s5 =	ssub.s32 $0x2, s4;
	s19 =	smul.u32 $0x138800, s4  }
0x9: {  	s7 =	sshll.u32 s4, $0x4;
	s4 =	smul.u32 $0x28000, s4;
	s6 =	sshrl.u32 s5, $0x1  }
0xa: {  	s8 =	sor.u32 s21, s7;
	s15 =	sadd.s32 $0x3E80, s12;
	s16 =	sadd.s32 $0x7D00, s12  }
0xb: {  	s17 =	sadd.s32 $0xBB80, s12;
	s18 =	sadd.s32 $0xFA00, s12;
	s13 =	ssub.s32 s5, s6  }
0xc: {  	s5 =	sadd.s32 s12, s2;
	s6 =	sadd.s32 s15, s2;
	s7 =	sadd.s32 s16, s2  }
0xd: {  	s14 =	smul.u32 $0x2800, s8;
	s8 =	sadd.s32 s17, s2;
	s12 =	sadd.s32 s12, s19  }
0xe: {  	s9 =	sadd.s32 s18, s2;
	s15 =	sadd.s32 s19, s15;
	s12 =	sshrl.u32 s12, $0x3  }
0xf: {  	s16 =	sadd.s32 s19, s16;
	s14 =	sshrl.u32 s14, $0x3;
	s12 =	sadd.s32 s0, s12  }
0x10: {  	s23 =	sadd.s32 s19, s17;
	s20 =	sadd.s32 s10, s14;
	[dreg:$0x8] =	wrdreg s12  }
0x11: {  	s24 =	sor.u32 $0x10, s14;
	s14 =	sadd.s32 s11, s14;
	[dreg:$0x4] =	wrdreg s20  }
0x12: {  	s4 =	sadd.s32 s22, s4;
	s12 =	sshrl.u32 s15, $0x3;
	[dreg:$0x5] =	wrdreg s14  }
0x13: {  	s25 =	sadd.s32 s10, s24;
	s26 =	sadd.s32 s11, s24;
	s15 =	sadd.s32 s0, s12  }
0x14: {  	s20 =	sshrl.u32 s16, $0x3;
	s24 =	sadd.s32 s19, s18;
	[dreg:$0x6] =	wrdreg s25  }
0x15: {  	s12 =	sshrl.u32 s23, $0x3;
	s19 =	smax.u32 s13, $0x1;
	[dreg:$0x7] =	wrdreg s26  }
0x16: {  	s16 =	sadd.s32 s0, s20;
	s18 =	sshrl.u32 s24, $0x3;
	s17 =	sadd.s32 s0, s12  }
0x17: {  	s25 =	sor.u32 $0x180, s4;
	s4 =	sor.u32 $0x100, s4;
	s24 =	simm.s32 $0x200  }
0x18: {  	s18 =	sadd.s32 s0, s18;
	s0 =	sshrl.u32 s25, $0x3;
	s26 =	sshrl.u32 s4, $0x3  }
0x19: {  	s25 =	simm.s32 $0x3;
	s4 =	simm.s32 $0x4080;
	s20 =	sadd.s32 s0, s11  }
0x1a: {  	s21 =	sadd.s32 s0, s10;
	s22 =	sadd.s32 s26, s11;
	s23 =	sadd.s32 s26, s10  }
0x1b: {  	v0 =	vimm.f32 $0.0e+00;
	s26 =	simm.s32 $0x100;
	s0 =	simm.s32 $0x2;
	s10 =	simm.s32 $0x0  }
.LBB2_1:
0x1c: {  	s11 =	sand.u32 $0xFE00, s3  }
0x1d: {  	s12 =	sand.u32 $0x70, s3;
	s13 =	sshrl.u32 s11, $0x2  }
0x1e: {  	s11 =	simm.s32 $0x40;
	s13 =	sor.u32 s12, s13;
	s12 =	simm.s32 $0x0  }
.LBB2_2:
0x1f: {  	p0 =	sne.s32 s11, $0xF9C0  }
0x20: {  	[tilespmem:s13+$0x200] =	vst v0;
	s12 =	sadd.s32 $0x10, s12;
	s13 =	smov.u32 s11;
	s11 =	sadd.s32 $0x40, s11  }
.Ltmp0:
0x21: {  	(pc) =	sbr.rel @p0 .LBB2_2-.Ltmp0, $4  }
0x22: {  	_ = 	snop  }
0x23: {  	s13 =	sand.u32 $0xFE00, s13  }
0x24: {  	s14 =	sand.u32 $0x70, s12;
	s13 =	sshrl.u32 s13, $0x2  }
0x25: {  	s13 =	sor.u32 s14, s13  }
0x26: {  	[tilespmem:s13+$0x200] =	vst v0  }
0x27: {  	[spmem:s5] =	stream.linear.scatter [tilespmem:s24], [sflag:$0x3], $0x3E80, $0x38;
	[tilespmem:$0x1B780] =	vst v63  }
0x28: {  	_ =	swait.ge [sflag:s25], $0x3E80  }
0x29: {  	[sflag:s25] =	ssyncset.done $0x0  }
0x2a: {  	[sflag:s25] =	ssyncadd.s32 $0xFFFFC180  }
0x2b: {  	[spmem:s6] =	stream.linear.scatter [tilespmem:s24], [sflag:$0x3], $0x3E80, $0x38;
	[tilespmem:$0x1B780] =	vst v63  }
0x2c: {  	_ =	swait.ge [sflag:s25], $0x3E80  }
0x2d: {  	[sflag:s25] =	ssyncset.done $0x0  }
0x2e: {  	[sflag:s25] =	ssyncadd.s32 $0xFFFFC180  }
0x2f: {  	[spmem:s7] =	stream.linear.scatter [tilespmem:s24], [sflag:$0x3], $0x3E80, $0x38;
	[tilespmem:$0x1B780] =	vst v63  }
0x30: {  	_ =	swait.ge [sflag:s25], $0x3E80  }
0x31: {  	[sflag:s25] =	ssyncset.done $0x0  }
0x32: {  	[sflag:s25] =	ssyncadd.s32 $0xFFFFC180  }
0x33: {  	[spmem:s8] =	stream.linear.scatter [tilespmem:s24], [sflag:$0x3], $0x3E80, $0x38;
	[tilespmem:$0x1B780] =	vst v63  }
0x34: {  	_ =	swait.ge [sflag:s25], $0x3E80  }
0x35: {  	[sflag:s25] =	ssyncset.done $0x0  }
0x36: {  	[sflag:s25] =	ssyncadd.s32 $0xFFFFC180  }
0x37: {  	[spmem:s9] =	stream.linear.scatter [tilespmem:s24], [sflag:$0x3], $0x3E80, $0x38;
	[tilespmem:$0x1B780] =	vst v63  }
0x38: {  	_ =	swait.ge [sflag:s25], $0x3E80  }
0x39: {  	[sflag:s25] =	ssyncset.done $0x0  }
0x3a: {  	[sflag:s25] =	ssyncadd.s32 $0xFFFFC180  }
0x3b: {  	[bflag:$0x0] =	sbarrier.arrive $0xFFFF  }
0x3c: {  	s11 =	simm.s32 $0x0;
	s12 =	rddreg [dreg:$0x4]  }
0x3d: {  	[tilespmem:s11], [sflag:$0x1] =	stream.linear.gather [hbm4b:s12+s11], $0x80, $0x38;
	[tilespmem:$0x1B780] =	vst v63  }
0x3e: {  	s14 =	rddreg [dreg:$0x5]  }
0x3f: {  	[tilespmem:s26], [sflag:$0x1] =	stream.linear.gather [hbm4b:s14+s11], $0x80, $0x38;
	[tilespmem:$0x1B780] =	vst v63  }
0x40: {  	_ =	swait.ge [sflag:s28], $0x80  }
0x41: {  	[sflag:s28] =	ssyncset.done $0x0  }
0x42: {  	[sflag:s28] =	ssyncadd.s32 $0xFFFFFF80  }
0x43: {  	_ =	swait.ge [sflag:s28], $0x80  }
0x44: {  	[sflag:s28] =	ssyncset.done $0x0  }
0x45: {  	[sflag:s28] =	ssyncadd.s32 $0xFFFFFF80  }
0x46: {  	[tilespmem:s24], [sflag:$0x2] =	stream.indirect.gather [hbm4b:s1+s29], $0x80, s11, s29, $0xb8;
	[tilespmem:$0x1B780] =	vst v63  }
0x47: {  	s13 =	rddreg [dreg:$0x6]  }
0x48: {  	[tilespmem:s30], [sflag:$0x1] =	stream.linear.gather [hbm4b:s13+s11], $0x80, $0x38;
	[tilespmem:$0x1B780] =	vst v63  }
0x49: {  	s14 =	rddreg [dreg:$0x7]  }
0x4a: {  	[tilespmem:s31], [sflag:$0x1] =	stream.linear.gather [hbm4b:s14+s11], $0x80, $0x38;
	[tilespmem:$0x1B780] =	vst v63  }
0x4b: {  	_ =	swait.ge [sflag:s0], $0x3E80  }
0x4c: {  	[sflag:s0] =	ssyncset.done $0x0  }
0x4d: {  	[sflag:s0] =	ssyncadd.s32 $0xFFFFC180  }
0x4e: {  	_ =	swait.ge [sflag:s28], $0x80  }
0x4f: {  	[sflag:s28] =	ssyncset.done $0x0  }
0x50: {  	[sflag:s28] =	ssyncadd.s32 $0xFFFFFF80  }
0x51: {  	_ =	swait.ge [sflag:s28], $0x80  }
0x52: {  	[sflag:s28] =	ssyncset.done $0x0  }
0x53: {  	[sflag:s28] =	ssyncadd.s32 $0xFFFFFF80  }
0x54: {  	[tilespmem:s4], [sflag:$0x2] =	stream.indirect.gather [hbm4b:s1+s29], $0x80, s30, s29, $0xb8;
	[tilespmem:$0x1B780] =	vst v63  }
0x55: {  	_ = 	snop  }
0x56: {  	[spmem:s2] =	stream.indirect.scatter.add.f32 [tilespmem:s24], [sflag:$0x3], $0x80, s26, s29, $0xb8;
	[tilespmem:$0x1B780] =	vst v63  }
0x57: {  	_ =	swait.ge [sflag:s25], $0x3E80  }
0x58: {  	[sflag:s25] =	ssyncset.done $0x0  }
0x59: {  	s12 =	sadd.s32 $0x0, s23;
	[sflag:s25] =	ssyncadd.s32 $0xFFFFC180  }
0x5a: {  	[tilespmem:s3], [sflag:$0x1] =	stream.linear.gather [hbm4b:s12+s3], $0x80, $0x38;
	[tilespmem:$0x1B780] =	vst v63  }
0x5b: {  	s13 =	sadd.s32 $0x0, s22  }
0x5c: {  	[tilespmem:s26], [sflag:$0x1] =	stream.linear.gather [hbm4b:s13+s3], $0x80, $0x38;
	[tilespmem:$0x1B780] =	vst v63  }
0x5d: {  	_ =	swait.ge [sflag:s0], $0x3E80  }
0x5e: {  	[sflag:s0] =	ssyncset.done $0x0  }
0x5f: {  	[sflag:s0] =	ssyncadd.s32 $0xFFFFC180  }
0x60: {  	_ =	swait.ge [sflag:s28], $0x80  }
0x61: {  	[sflag:s28] =	ssyncset.done $0x0  }
0x62: {  	[sflag:s28] =	ssyncadd.s32 $0xFFFFFF80  }
0x63: {  	_ =	swait.ge [sflag:s28], $0x80  }
0x64: {  	[sflag:s28] =	ssyncset.done $0x0  }
0x65: {  	[sflag:s28] =	ssyncadd.s32 $0xFFFFFF80  }
0x66: {  	[tilespmem:s24], [sflag:$0x2] =	stream.indirect.gather [hbm4b:s1+s29], $0x80, s3, s29, $0xb8;
	[tilespmem:$0x1B780] =	vst v63  }
0x67: {  	_ = 	snop  }
0x68: {  	[spmem:s2] =	stream.indirect.scatter.add.f32 [tilespmem:s4], [sflag:$0x3], $0x80, s31, s29, $0xb8;
	[tilespmem:$0x1B780] =	vst v63  }
0x69: {  	_ =	swait.ge [sflag:s25], $0x3E80  }
0x6a: {  	s14 =	sadd.s32 $0x0, s21;
	[sflag:s25] =	ssyncset.done $0x0  }
0x6b: {  	s11 =	simm.s32 $0x20;
	s12 =	sadd.s32 $0x0, s20;
	[sflag:s25] =	ssyncadd.s32 $0xFFFFC180  }
0x6c: {  	[tilespmem:s30], [sflag:$0x1] =	stream.linear.gather [hbm4b:s14+s3], $0x80, $0x38;
	[tilespmem:$0x1B780] =	vst v63  }
.LBB2_4:
0x6d: {  	[tilespmem:s31], [sflag:$0x1] =	stream.linear.gather [hbm4b:s12+s3], $0x80, $0x38;
	[tilespmem:$0x1B780] =	vst v63  }
0x6e: {  	s12 =	smov.u32 s11  }
0x6f: {  	p0 =	sne.s32 s11, $0x4C0;
	s11 =	sadd.s32 $0x20, s11;
	_ =	swait.ge [sflag:s0], $0x3E80  }
0x70: {  	[sflag:s0] =	ssyncset.done $0x0  }
0x71: {  	[sflag:s0] =	ssyncadd.s32 $0xFFFFC180  }
0x72: {  	_ =	swait.ge [sflag:s28], $0x80  }
0x73: {  	[sflag:s28] =	ssyncset.done $0x0  }
0x74: {  	[sflag:s28] =	ssyncadd.s32 $0xFFFFFF80  }
0x75: {  	_ =	swait.ge [sflag:s28], $0x80  }
0x76: {  	[sflag:s28] =	ssyncset.done $0x0  }
0x77: {  	[sflag:s28] =	ssyncadd.s32 $0xFFFFFF80  }
0x78: {  	[tilespmem:s4], [sflag:$0x2] =	stream.indirect.gather [hbm4b:s1+s29], $0x80, s30, s29, $0xb8;
	[tilespmem:$0x1B780] =	vst v63  }
0x79: {  	_ = 	snop  }
0x7a: {  	[spmem:s2] =	stream.indirect.scatter.add.f32 [tilespmem:s24], [sflag:$0x3], $0x80, s26, s29, $0xb8;
	[tilespmem:$0x1B780] =	vst v63  }
0x7b: {  	_ =	swait.ge [sflag:s25], $0x3E80  }
0x7c: {  	[sflag:s25] =	ssyncset.done $0x0  }
0x7d: {  	s13 =	sadd.s32 s12, s23;
	[sflag:s25] =	ssyncadd.s32 $0xFFFFC180  }
0x7e: {  	[tilespmem:s3], [sflag:$0x1] =	stream.linear.gather [hbm4b:s13+s3], $0x80, $0x38;
	[tilespmem:$0x1B780] =	vst v63  }
0x7f: {  	s13 =	sadd.s32 s12, s22  }
0x80: {  	[tilespmem:s26], [sflag:$0x1] =	stream.linear.gather [hbm4b:s13+s3], $0x80, $0x38;
	[tilespmem:$0x1B780] =	vst v63  }
0x81: {  	_ =	swait.ge [sflag:s0], $0x3E80  }
0x82: {  	[sflag:s0] =	ssyncset.done $0x0  }
0x83: {  	[sflag:s0] =	ssyncadd.s32 $0xFFFFC180  }
0x84: {  	_ =	swait.ge [sflag:s28], $0x80  }
0x85: {  	[sflag:s28] =	ssyncset.done $0x0  }
0x86: {  	[sflag:s28] =	ssyncadd.s32 $0xFFFFFF80  }
0x87: {  	_ =	swait.ge [sflag:s28], $0x80  }
0x88: {  	[sflag:s28] =	ssyncset.done $0x0  }
0x89: {  	[sflag:s28] =	ssyncadd.s32 $0xFFFFFF80  }
0x8a: {  	[tilespmem:s24], [sflag:$0x2] =	stream.indirect.gather [hbm4b:s1+s29], $0x80, s3, s29, $0xb8;
	[tilespmem:$0x1B780] =	vst v63  }
0x8b: {  	_ = 	snop  }
0x8c: {  	[spmem:s2] =	stream.indirect.scatter.add.f32 [tilespmem:s4], [sflag:$0x3], $0x80, s31, s29, $0xb8;
	[tilespmem:$0x1B780] =	vst v63  }
.Ltmp1:
0x8d: {  	_ =	swait.ge [sflag:s25], $0x3E80;
	(pc) =	sbr.rel @p0 .LBB2_4-.Ltmp1, $4  }
0x8e: {  	[sflag:s25] =	ssyncset.done $0x0  }
0x8f: {  	s13 =	sadd.s32 s12, s21;
	[sflag:s25] =	ssyncadd.s32 $0xFFFFC180  }
0x90: {  	[tilespmem:s30], [sflag:$0x1] =	stream.linear.gather [hbm4b:s13+s3], $0x80, $0x38;
	[tilespmem:$0x1B780] =	vst v63  }
0x91: {  	s12 =	sadd.s32 s12, s20  }
0x92: {  	[tilespmem:s31], [sflag:$0x1] =	stream.linear.gather [hbm4b:s12+s3], $0x80, $0x38;
	[tilespmem:$0x1B780] =	vst v63  }
0x93: {  	_ =	swait.ge [sflag:s0], $0x3E80  }
0x94: {  	[sflag:s0] =	ssyncset.done $0x0  }
0x95: {  	[sflag:s0] =	ssyncadd.s32 $0xFFFFC180  }
0x96: {  	_ =	swait.ge [sflag:s28], $0x80  }
0x97: {  	[sflag:s28] =	ssyncset.done $0x0  }
0x98: {  	[sflag:s28] =	ssyncadd.s32 $0xFFFFFF80  }
0x99: {  	_ =	swait.ge [sflag:s28], $0x80  }
0x9a: {  	[sflag:s28] =	ssyncset.done $0x0  }
0x9b: {  	[sflag:s28] =	ssyncadd.s32 $0xFFFFFF80  }
0x9c: {  	[tilespmem:s4], [sflag:$0x2] =	stream.indirect.gather [hbm4b:s1+s29], $0x80, s30, s29, $0xb8;
	[tilespmem:$0x1B780] =	vst v63  }
0x9d: {  	_ = 	snop  }
0x9e: {  	[spmem:s2] =	stream.indirect.scatter.add.f32 [tilespmem:s24], [sflag:$0x3], $0x80, s26, s29, $0xb8;
	[tilespmem:$0x1B780] =	vst v63  }
0x9f: {  	_ =	swait.ge [sflag:s25], $0x3E80  }
0xa0: {  	[sflag:s25] =	ssyncset.done $0x0  }
0xa1: {  	[sflag:s25] =	ssyncadd.s32 $0xFFFFC180  }
0xa2: {  	_ =	swait.ge [sflag:s0], $0x3E80  }
0xa3: {  	[sflag:s0] =	ssyncset.done $0x0  }
0xa4: {  	[sflag:s0] =	ssyncadd.s32 $0xFFFFC180  }
0xa5: {  	[spmem:s2] =	stream.indirect.scatter.add.f32 [tilespmem:s4], [sflag:$0x3], $0x80, s31, s29, $0xb8;
	[tilespmem:$0x1B780] =	vst v63  }
0xa6: {  	_ =	swait.ge [sflag:s25], $0x3E80  }
0xa7: {  	[sflag:s25] =	ssyncset.done $0x0  }
0xa8: {  	s11 =	stileid.u32;
	[sflag:s25] =	ssyncadd.s32 $0xFFFFC180  }
0xa9: {  	s11 =	sshll.u32 s11, $0x6;
	[bflag:$0x0] =	sbarrier.arrive $0xFFFF  }
0xaa: {  	s14 =	sshrl.u32 s5, $0x3;
	s11 =	sor.u32 $0x1C03, s11;
	s13 =	rddreg [dreg:$0x8]  }
0xab: {  	[hbm:s13], [sflag:s11] =	dma.local [spmem:s14], $0x7D0  }
0xac: {  	_ =	swait.ge [sflag:s25], $0x7D0  }
0xad: {  	[sflag:s25] =	ssyncset.done $0x0  }
0xae: {  	s13 =	sshrl.u32 s6, $0x3;
	[sflag:s25] =	ssyncadd.s32 $0xFFFFF830  }
0xaf: {  	[hbm:s15], [sflag:s11] =	dma.local [spmem:s13], $0x7D0  }
0xb0: {  	_ =	swait.ge [sflag:s25], $0x7D0  }
0xb1: {  	[sflag:s25] =	ssyncset.done $0x0  }
0xb2: {  	s14 =	sshrl.u32 s7, $0x3;
	[sflag:s25] =	ssyncadd.s32 $0xFFFFF830  }
0xb3: {  	[hbm:s16], [sflag:s11] =	dma.local [spmem:s14], $0x7D0  }
0xb4: {  	_ =	swait.ge [sflag:s25], $0x7D0  }
0xb5: {  	[sflag:s25] =	ssyncset.done $0x0  }
0xb6: {  	s13 =	sshrl.u32 s8, $0x3;
	[sflag:s25] =	ssyncadd.s32 $0xFFFFF830  }
0xb7: {  	[hbm:s17], [sflag:s11] =	dma.local [spmem:s13], $0x7D0  }
0xb8: {  	s10 =	sadd.s32 $0x1, s10;
	_ =	swait.ge [sflag:s25], $0x7D0  }
0xb9: {  	p0 =	sne.s32 s10, s19;
	[sflag:s25] =	ssyncset.done $0x0  }
.Ltmp2:
0xba: {  	s14 =	sshrl.u32 s9, $0x3;
	[sflag:s25] =	ssyncadd.s32 $0xFFFFF830;
	(pc) =	sbr.rel @p0 .LBB2_1-.Ltmp2, $4  }
0xbb: {  	[hbm:s18], [sflag:s11] =	dma.local [spmem:s14], $0x7D0  }
0xbc: {  	_ =	swait.ge [sflag:s25], $0x7D0  }
0xbd: {  	[sflag:s25] =	ssyncset.done $0x0  }
0xbe: {  	[sflag:s25] =	ssyncadd.s32 $0xFFFFF830  }
0xbf: {  	_ =	sfence.sel $0x180000  }
0xc0: {  	[bflag:$0x0] =	sbarrier.arrive $0xFFFF  }
0xc1: {  	_ =	strace $0x9000004A  }
0xc2: {  	s0 =	stileid.u32;
	[bflag:$0x2] =	sbarrier.arrive $0xFFFF  }
0xc3: {  	p0 =	sne.s32 s0, $0x0;
	s0 =	rddreg [dreg:$0x3]  }
0xc4: {  	s0 =	sadd.s32 @!p0 $0x100000, s0  }
0xc5: {  	[sflag:s0] =	ssyncadd.tile.s32 @!p0 $0x1;
	_ =	shalt  }
.Lfunc_end2:
_tile_overlayer_lowered:
.L_overlay_start_2:
0xc6: {  	(tag) =	ssettag $0x2  }
0xc7: {  	s0 =	rddreg [dreg:$0x0];
	s2 =	stileid.u32  }
0xc8: {  	s1 =	rddreg [dreg:$0x1];
	p0 =	sne.s32 s2, $0x0  }
0xc9: {  	s3 =	rddreg [dreg:$0x2];
	[bflag:$0x3] =	sbarrier.arrive $0xFFFF;
	s2 =	simm.s32 @!p0 $0x1C03  }
0xca: {  	[timem:s3], [sflag:s2] =	dma.local @!p0 [hbm:s0], s1  }
0xcb: {  	s0 =	simm.s32 @!p0 $0x3  }
0xcc: {  	_ =	swait.ge @!p0 [sflag:s0], s1  }
0xcd: {  	s1 =	ssub.s32 @!p0 $0x0, s1;
	[sflag:s0] =	ssyncset.done @!p0 $0x0  }
0xce: {  	[sflag:s0] =	ssyncadd.s32 @!p0 s1  }
0xcf: {  	[bflag:$0x3] =	sbarrier.arrive $0xFFFF  }
0xd0: {  	_ =	shalt  }

</sc_bundles>
